<compile_context>
chip_gen: v7x
topology: tpu7x:2x2x1
jax: 0.10.2.dev20260603
libtpu: 0.0.44.dev20260713+nightly
codegen_flags: <defaults>
</compile_context>

<pallas_src>
import functools

import jax
import jax.numpy as jnp
from jax import lax
from jax.experimental import pallas as pl
from jax.experimental.pallas import tpu as pltpu
from jax.experimental.pallas import tpu_sc as plsc

H = 8
DH = 16
D = 128
NC = 2
NS = 16

_DNUMS = lax.GatherDimensionNumbers(
    offset_dims=(), collapsed_slice_dims=(0,), start_index_map=(0,))


def _vgather(vec, idx):
    return lax.gather(vec, idx.reshape(DH, 1), _DNUMS, (1,),
                      mode=lax.GatherScatterMode.PROMISE_IN_BOUNDS)


def _pick(total, cap, mult):
    for cand in range(cap - cap % mult, 0, -mult):
        if total % cand == 0:
            return cand
    raise ValueError((total, cap, mult))


def _prologue_body(x_ref, wt_ref, ac_ref, b_ref, h_ref, aux_ref):
    xb = x_ref[...]
    h = jnp.dot(xb, wt_ref[...], preferred_element_type=jnp.float32)
    h_ref[...] = h
    aux = jnp.dot(h, ac_ref[...], preferred_element_type=jnp.float32)
    col = lax.broadcasted_iota(jnp.int32, aux.shape, 1)
    aux_ref[...] = aux + jnp.where(col < H, b_ref[0], 0.0)


def _prologue(x, wt, acomb, b, block):
    n = x.shape[0]
    grid = (n // block,)
    return pl.pallas_call(
        _prologue_body,
        grid=grid,
        in_specs=[
            pl.BlockSpec((block, x.shape[1]), lambda i: (i, 0)),
            pl.BlockSpec(wt.shape, lambda i: (0, 0)),
            pl.BlockSpec(acomb.shape, lambda i: (0, 0)),
            pl.BlockSpec(memory_space=pltpu.SMEM),
        ],
        out_specs=[
            pl.BlockSpec((block, D), lambda i: (i, 0)),
            pl.BlockSpec((block, 2 * DH), lambda i: (i, 0)),
        ],
        out_shape=[
            jax.ShapeDtypeStruct((n, D), jnp.float32),
            jax.ShapeDtypeStruct((n, 2 * DH), jnp.float32),
        ],
    )(x, wt, acomb, b)


def _make_sc_kernel(n, e):
    n2 = n // NC
    nd = n2 + 8
    e_per_s = e // NS
    k = _pick(e_per_s, 128, DH)
    nblk = e_per_s // k
    rpt = (n2 // NS) // 8 * 8
    tail = n2 - NS * rpt
    rpa = (n // NS) // 8 * 8
    taila = n - NS * rpa
    mesh = plsc.VectorSubcoreMesh(core_axis_name="c", subcore_axis_name="s")

    @functools.partial(
        pl.kernel,
        out_type=[
            jax.ShapeDtypeStruct((NC, n2, D), jnp.float32),
            jax.ShapeDtypeStruct((NC, n2, DH), jnp.float32),
        ],
        mesh=mesh,
        compiler_params=pltpu.CompilerParams(use_tc_tiling_on_sc=False),
        scratch_types=(
            [pltpu.VMEM((k,), jnp.int32)] * 6
            + [pltpu.VMEM((k, D), jnp.float32)] * 2
            + [pltpu.VMEM((k, DH), jnp.float32)] * 4
            + [
                pltpu.VMEM((k, DH), jnp.float32),
                pltpu.VMEM_SHARED((nd, D), jnp.float32),
                pltpu.VMEM_SHARED((nd, DH), jnp.float32),
                pltpu.VMEM_SHARED((n, DH), jnp.float32),
            ]
            + [pltpu.SemaphoreType.DMA] * 11
        ),
    )
    def sc_edges(hmat_hbm, an_hbm, src_hbm, dst_hbm, z128_hbm, z16_hbm,
                 num_out, den_out,
                 srcv0, srcv1, dstv0, dstv1, dstg0, dstg1,
                 hrows0, hrows1, asrc0, asrc1, adst0, adst1,
                 wbuf, num_s, den_s, an_s,
                 si0, sd0, sh0, sa0, sb0, si1, sd1, sh1, sa1, sb1, sw):
        c = lax.axis_index("c")
        s = lax.axis_index("s")
        nbase = c * n2

        r0 = s * rpt
        pltpu.sync_copy(z128_hbm.at[pl.ds(r0, rpt)], num_s.at[pl.ds(r0, rpt)])
        a0 = s * rpa
        pltpu.sync_copy(an_hbm.at[pl.ds(a0, rpa)], an_s.at[pl.ds(a0, rpa)])
        pltpu.sync_copy(z16_hbm.at[pl.ds(r0, rpt)], den_s.at[pl.ds(r0, rpt)])
        zt0 = NS * rpt
        zcnt = nd - zt0

        @pl.when(s == 0)
        def _():
            pltpu.sync_copy(z128_hbm.at[pl.ds(zt0, zcnt)],
                            num_s.at[pl.ds(zt0, zcnt)])
            pltpu.sync_copy(z16_hbm.at[pl.ds(zt0, zcnt)],
                            den_s.at[pl.ds(zt0, zcnt)])
        if taila:
            @pl.when(s == 1)
            def _():
                t0 = NS * rpa
                pltpu.sync_copy(an_hbm.at[pl.ds(t0, taila)],
                                an_s.at[pl.ds(t0, taila)])

        plsc.subcore_barrier()

        ebase = s * e_per_s
        lane = lax.iota(jnp.int32, DH)
        rot = (lane + H) % DH
        dump8 = n2 + (lane & (H - 1))

        slot0 = (srcv0, dstg0, dstv0, hrows0, asrc0, adst0,
                 si0, sd0, sh0, sa0, sb0)
        slot1 = (srcv1, dstg1, dstv1, hrows1, asrc1, adst1,
                 si1, sd1, sh1, sa1, sb1)

        def issue_idx(b, slot):
            srcv_, dstg_ = slot[0], slot[1]
            si, sd = slot[6], slot[7]
            base = ebase + b * k
            pltpu.async_copy(src_hbm.at[pl.ds(base, k)], srcv_, si)
            pltpu.async_copy(dst_hbm.at[pl.ds(base, k)], dstg_, sd)

        def wait_idx(slot):
            srcv_, dstg_ = slot[0], slot[1]
            si, sd = slot[6], slot[7]
            pltpu.make_async_copy(src_hbm.at[pl.ds(0, k)], srcv_, si).wait()
            pltpu.make_async_copy(dst_hbm.at[pl.ds(0, k)], dstg_, sd).wait()

        def localize(slot):
            dstg_, dstv_ = slot[1], slot[2]
            for q in range(k // DH):
                dv = dstg_[pl.ds(q * DH, DH)]
                dvl = dv - nbase
                ki = (1 + (dvl >> 31)) * (1 + ((n2 - 1 - dvl) >> 31))
                dstv_[pl.ds(q * DH, DH)] = dvl * ki + dump8 * (1 - ki)

        def issue_gather(slot):
            srcv_, dstg_, hrows_, asrc_, adst_ = (slot[0], slot[1], slot[3],
                                                  slot[4], slot[5])
            sh, sa, sb = slot[8], slot[9], slot[10]
            pltpu.async_copy(hmat_hbm.at[srcv_], hrows_, sh)
            pltpu.async_copy(an_s.at[srcv_], asrc_, sa)
            pltpu.async_copy(an_s.at[dstg_], adst_, sb)

        def wait_gather(slot):
            hrows_, asrc_, adst_ = slot[3], slot[4], slot[5]
            sh, sa, sb = slot[8], slot[9], slot[10]
            pltpu.make_async_copy(hmat_hbm.at[pl.ds(0, k)], hrows_, sh).wait()
            pltpu.make_async_copy(an_s.at[pl.ds(0, k)], asrc_, sa).wait()
            pltpu.make_async_copy(an_s.at[pl.ds(0, k)], adst_, sb).wait()

        def process(slot):
            dstv_, hrows_, asrc_, adst_ = slot[2], slot[3], slot[4], slot[5]

            def score_body(j, carry2):
                t = asrc_[j, :] + _vgather(adst_[j, :], rot)
                t = jnp.maximum(t, 0.2 * t)
                wbuf[j, :] = jnp.exp(t)
                return carry2

            lax.fori_loop(0, k, score_body, 0, unroll=4)
            cpd = pltpu.async_copy(wbuf, den_s.at[dstv_], sw, add=True)

            def scale_body(j, carry2):
                wv = wbuf[j, :]
                for h in range(H):
                    hrows_[j, pl.ds(h * DH, DH)] = (
                        hrows_[j, pl.ds(h * DH, DH)] * wv[h])
                return carry2

            lax.fori_loop(0, k, scale_body, 0, unroll=2)
            cpd.wait()
            pltpu.sync_copy(hrows_, num_s.at[dstv_], add=True)

        assert nblk % 2 == 0 and nblk >= 4
        last = nblk - 1
        issue_idx(0, slot0)
        wait_idx(slot0)
        localize(slot0)
        issue_gather(slot0)
        issue_idx(1, slot1)

        def pair_body(g, carry):
            b0 = 2 * g
            wait_idx(slot1)
            localize(slot1)
            issue_gather(slot1)
            wait_gather(slot0)
            issue_idx(jnp.minimum(b0 + 2, last), slot0)
            process(slot0)
            wait_idx(slot0)
            localize(slot0)
            issue_gather(slot0)
            wait_gather(slot1)
            issue_idx(jnp.minimum(b0 + 3, last), slot1)
            process(slot1)
            return carry

        lax.fori_loop(0, nblk // 2, pair_body, 0)
        wait_idx(slot1)
        wait_gather(slot0)

        plsc.subcore_barrier()
        pltpu.sync_copy(num_s.at[pl.ds(r0, rpt)],
                        num_out.at[c, pl.ds(r0, rpt)])
        pltpu.sync_copy(den_s.at[pl.ds(r0, rpt)],
                        den_out.at[c, pl.ds(r0, rpt)])
        if tail:
            @pl.when(s == 0)
            def _():
                t0 = NS * rpt
                pltpu.sync_copy(num_s.at[pl.ds(t0, tail)],
                                num_out.at[c, pl.ds(t0, tail)])
                pltpu.sync_copy(den_s.at[pl.ds(t0, tail)],
                                den_out.at[c, pl.ds(t0, tail)])

    return sc_edges


def _epilogue_body(num_ref, d_ref, h_ref, aip_ref, ajp_ref, s16_ref, o_ref):
    num = num_ref[0]
    d16 = d_ref[0]
    t = aip_ref[...] + ajp_ref[...]
    t = jnp.maximum(t, 0.2 * t)
    w16 = jnp.exp(t)
    s16 = s16_ref[...]
    wfull = jnp.dot(w16, s16, preferred_element_type=jnp.float32)
    dfull = jnp.dot(d16 + w16, s16, preferred_element_type=jnp.float32)
    o_ref[...] = (num + wfull * h_ref[...]) / dfull


def _epilogue(num2, den, hmat, aip, ajp, s16, block):
    n = hmat.shape[0]
    n2 = num2.shape[1]
    bpc = n2 // block
    grid = (n // block,)
    return pl.pallas_call(
        _epilogue_body,
        grid=grid,
        in_specs=[
            pl.BlockSpec((1, block, D), lambda i: (i // bpc, i % bpc, 0)),
            pl.BlockSpec((1, block, DH), lambda i: (i // bpc, i % bpc, 0)),
            pl.BlockSpec((block, D), lambda i: (i, 0)),
            pl.BlockSpec((block, DH), lambda i: (i, 0)),
            pl.BlockSpec((block, DH), lambda i: (i, 0)),
            pl.BlockSpec((DH, D), lambda i: (0, 0)),
        ],
        out_specs=pl.BlockSpec((block, D), lambda i: (i, 0)),
        out_shape=jax.ShapeDtypeStruct((n, D), jnp.float32),
    )(num2, den, hmat, aip, ajp, s16)


def kernel(x, edge_index, W, att_w, att_b):
    n = x.shape[0]
    e = edge_index.shape[1]
    assert W.shape == (D, x.shape[1]) and att_w.shape == (1, 2 * DH)
    assert e % NS == 0 and n % (2 * 8) == 0

    wt = W.T
    a1 = att_w[0, :DH]
    a2 = att_w[0, DH:]
    eye = jnp.eye(H, dtype=jnp.float32)
    pad8 = jnp.zeros((D, H), dtype=jnp.float32)
    A1 = jnp.concatenate([jnp.kron(eye, a1.reshape(DH, 1)), pad8], axis=1)
    A2 = jnp.concatenate([jnp.kron(eye, a2.reshape(DH, 1)), pad8], axis=1)
    acomb = jnp.concatenate([A1, A2], axis=1)
    s16 = jnp.concatenate(
        [jnp.kron(eye, jnp.ones((1, DH), dtype=jnp.float32)),
         jnp.zeros((H, D), dtype=jnp.float32)], axis=0)

    hmat, aux = _prologue(x, wt, acomb, att_b.astype(jnp.float32), block=1000)
    aip = aux[:, :DH]
    ajp = aux[:, DH:]
    anode = jnp.concatenate([aux[:, :H], aux[:, DH:DH + H]], axis=1)

    src = edge_index[0]
    dst = edge_index[1]
    n2 = n // NC
    z128 = jnp.zeros((n2 + 8, D), jnp.float32)
    z16 = jnp.zeros((n2 + 8, DH), jnp.float32)

    sc_fn = _make_sc_kernel(n, e)
    num2, den = sc_fn(hmat, anode, src, dst, z128, z16)

    return _epilogue(num2, den, hmat, aip, ajp, s16, block=1000)

# --- scband reference (transcript-rebuilt; emitter-appended) ---
"""Pipeline reference for scband-gatlayer-39049842655813 (READ-ONLY COPY).

The authoritative reference and input builder live on the scoring server;
editing this copy changes nothing except your own understanding.
"""

import jax, jax.numpy as jnp
import numpy as np

N = 10000
E = 320000
D_IN = 128
D_OUT = 128
H = 8
DH = D_OUT // H


def setup_inputs(seed: int = 0) -> dict:
    key = jax.random.key(seed)
    k1, k2, k3, k4 = jax.random.split(key, 4)
    x = jax.random.normal(k1, (N, D_IN), dtype=jnp.float32)
    edge_index = jax.random.randint(k2, (2, E), 0, N, dtype=jnp.int32)
    # learned params: trans (Linear in->out, no bias), att_cal (Linear 2*DH -> 1, with bias)
    W = jax.random.normal(k3, (D_OUT, D_IN), dtype=jnp.float32) * 0.05
    att_w = jax.random.normal(k4, (1, 2 * DH), dtype=jnp.float32) * 0.05
    att_b = jnp.zeros((1,), dtype=jnp.float32)
    return {"x": x, "edge_index": edge_index, "W": W, "att_w": att_w, "att_b": att_b}


def reference(x, edge_index, W, att_w, att_b):
    n = x.shape[0]
    # add self connections
    self_conn = jnp.stack([jnp.arange(n), jnp.arange(n)], axis=0).astype(edge_index.dtype)
    ei = jnp.concatenate([edge_index, self_conn], axis=-1)  # [2, E+N]
    # linear transform, split heads (dropout is identity at p used for inference)
    h = (x @ W.T).reshape(-1, H, DH)  # [N, H, DH]
    x_i = jnp.take(h, ei[0], axis=0)  # [M, H, DH]
    x_j = jnp.take(h, ei[1], axis=0)  # [M, H, DH]
    x_ij = jnp.concatenate([x_i, x_j], axis=-1)  # [M, H, 2*DH]
    att_score = x_ij @ att_w.T + att_b  # [M, H, 1]
    att_score = jax.nn.leaky_relu(att_score, negative_slope=0.2)
    att_weight = jax.nn.softmax(att_score, axis=0)
    exp_att = jnp.exp(att_score)
    att_score_exp_sum = exp_att.sum(axis=0, keepdims=True)  # [1, H, 1]
    node_re_coef = jax.ops.segment_sum(exp_att, ei[1], num_segments=n)  # [N, H, 1]
    att_re = att_weight * att_score_exp_sum / jnp.take(node_re_coef, ei[1], axis=0)
    x_i = x_i * att_re
    out = jax.ops.segment_sum(x_i, ei[1], num_segments=n)  # [N, H, DH]
    out = out.reshape(-1, D_OUT)  # head_fusion='cat'
    return out

if __name__ == "__main__":
    import jax
    _d = setup_inputs()
    print(jax.jit(kernel)(*tuple(_d.values())))

</pallas_src>

<mosaic_0001>
#map = affine_map<(d0, d1) -> (0, 0)>
#map1 = affine_map<(d0, d1) -> (0)>
#map2 = affine_map<(d0, d1) -> (0, 0, 0)>
module attributes {stable_mosaic.version = 14 : i64} {
  func.func @sc_edges(%arg0: i32, %arg1: i32, %arg2: memref<10000x128xf32, #tpu.memory_space<hbm>>, %arg3: memref<10000x16xf32, #tpu.memory_space<hbm>>, %arg4: memref<320000xi32, #tpu.memory_space<hbm>>, %arg5: memref<320000xi32, #tpu.memory_space<hbm>>, %arg6: memref<5008x128xf32, #tpu.memory_space<hbm>>, %arg7: memref<5008x16xf32, #tpu.memory_space<hbm>>, %arg8: memref<2x5000x128xf32, #tpu.memory_space<hbm>>, %arg9: memref<2x5000x16xf32, #tpu.memory_space<hbm>>, %arg10: memref<80xi32, #tpu.memory_space<vmem>>, %arg11: memref<80xi32, #tpu.memory_space<vmem>>, %arg12: memref<80xi32, #tpu.memory_space<vmem>>, %arg13: memref<80xi32, #tpu.memory_space<vmem>>, %arg14: memref<80xi32, #tpu.memory_space<vmem>>, %arg15: memref<80xi32, #tpu.memory_space<vmem>>, %arg16: memref<80x128xf32, #tpu.memory_space<vmem>>, %arg17: memref<80x128xf32, #tpu.memory_space<vmem>>, %arg18: memref<80x16xf32, #tpu.memory_space<vmem>>, %arg19: memref<80x16xf32, #tpu.memory_space<vmem>>, %arg20: memref<80x16xf32, #tpu.memory_space<vmem>>, %arg21: memref<80x16xf32, #tpu.memory_space<vmem>>, %arg22: memref<80x16xf32, #tpu.memory_space<vmem>>, %arg23: memref<5008x128xf32, #tpu.memory_space<vmem_shared>>, %arg24: memref<5008x16xf32, #tpu.memory_space<vmem_shared>>, %arg25: memref<10000x16xf32, #tpu.memory_space<vmem_shared>>, %arg26: memref<!tpu.dma_semaphore, #tpu.memory_space<semaphore_mem>>, %arg27: memref<!tpu.dma_semaphore, #tpu.memory_space<semaphore_mem>>, %arg28: memref<!tpu.dma_semaphore, #tpu.memory_space<semaphore_mem>>, %arg29: memref<!tpu.dma_semaphore, #tpu.memory_space<semaphore_mem>>, %arg30: memref<!tpu.dma_semaphore, #tpu.memory_space<semaphore_mem>>, %arg31: memref<!tpu.dma_semaphore, #tpu.memory_space<semaphore_mem>>, %arg32: memref<!tpu.dma_semaphore, #tpu.memory_space<semaphore_mem>>, %arg33: memref<!tpu.dma_semaphore, #tpu.memory_space<semaphore_mem>>, %arg34: memref<!tpu.dma_semaphore, #tpu.memory_space<semaphore_mem>>, %arg35: memref<!tpu.dma_semaphore, #tpu.memory_space<semaphore_mem>>, %arg36: memref<!tpu.dma_semaphore, #tpu.memory_space<semaphore_mem>>) attributes {dimension_semantics = [#tpu.dimension_semantics<core_parallel>, #tpu.dimension_semantics<subcore_parallel>], iteration_bounds = array<i64: 2, 16>, scalar_prefetch = 0 : i64, scratch_operands = 27 : i64, tpu.core_type = #tpu.core_type<sc_vector_subcore>, window_params = [{transform_indices = #map}, {transform_indices = #map}, {transform_indices = #map1}, {transform_indices = #map1}, {transform_indices = #map}, {transform_indices = #map}, {transform_indices = #map2}, {transform_indices = #map2}]} {
    %mul3A = arith.constant 5000 : i32
    %mul3A_0 = arith.muli %arg0, %mul3A : i32
    %mul3A_1 = arith.constant 312 : i32
    %mul3A_2 = arith.muli %arg1, %mul3A_1 : i32
    "tpu.region"() ({
      %run_scoped3A = tpu.sem_alloc : memref<!tpu.dma_semaphore, #tpu.memory_space<semaphore_mem>>
      %dma_start3A_253 = arith.constant 0 : i32
      %dma_start3A_254 = tpu.memref_slice %arg23[%mul3A_2, %dma_start3A_253] : memref<5008x128xf32, #tpu.memory_space<vmem_shared>> -> memref<312x128xf32, #tpu.memory_space<vmem_shared>>
      %dma_start3A_255 = arith.constant 0 : i32
      %dma_start3A_256 = tpu.memref_slice %arg6[%mul3A_2, %dma_start3A_255] : memref<5008x128xf32, #tpu.memory_space<hbm>> -> memref<312x128xf32, #tpu.memory_space<hbm>>
      tpu.enqueue_dma source(%dma_start3A_256 : memref<312x128xf32, #tpu.memory_space<hbm>>) target(%dma_start3A_254 : memref<312x128xf32, #tpu.memory_space<vmem_shared>>) target_semaphore(%run_scoped3A : memref<!tpu.dma_semaphore, #tpu.memory_space<semaphore_mem>>)
      %dma_wait3A_257 = arith.constant 0 : i32
      %dma_wait3A_258 = tpu.memref_slice %arg23[%mul3A_2, %dma_wait3A_257] : memref<5008x128xf32, #tpu.memory_space<vmem_shared>> -> memref<312x128xf32, #tpu.memory_space<vmem_shared>>
      %dma_wait3A_259 = arith.constant 0 : i32
      %dma_wait3A_260 = tpu.memref_slice %arg6[%mul3A_2, %dma_wait3A_259] : memref<5008x128xf32, #tpu.memory_space<hbm>> -> memref<312x128xf32, #tpu.memory_space<hbm>>
      tpu.wait_dma2 semaphore(%run_scoped3A : memref<!tpu.dma_semaphore, #tpu.memory_space<semaphore_mem>>) src(%dma_wait3A_260 : memref<312x128xf32, #tpu.memory_space<hbm>>) dst(%dma_wait3A_258 : memref<312x128xf32, #tpu.memory_space<vmem_shared>>)
      tpu.yield
    }) : () -> ()
    %mul3A_3 = arith.constant 624 : i32
    %mul3A_4 = arith.muli %arg1, %mul3A_3 : i32
    "tpu.region"() ({
      %run_scoped3A = tpu.sem_alloc : memref<!tpu.dma_semaphore, #tpu.memory_space<semaphore_mem>>
      %dma_start3A_253 = arith.constant 0 : i32
      %dma_start3A_254 = tpu.memref_slice %arg25[%mul3A_4, %dma_start3A_253] : memref<10000x16xf32, #tpu.memory_space<vmem_shared>> -> memref<624x16xf32, #tpu.memory_space<vmem_shared>>
      %dma_start3A_255 = arith.constant 0 : i32
      %dma_start3A_256 = tpu.memref_slice %arg3[%mul3A_4, %dma_start3A_255] : memref<10000x16xf32, #tpu.memory_space<hbm>> -> memref<624x16xf32, #tpu.memory_space<hbm>>
      tpu.enqueue_dma source(%dma_start3A_256 : memref<624x16xf32, #tpu.memory_space<hbm>>) target(%dma_start3A_254 : memref<624x16xf32, #tpu.memory_space<vmem_shared>>) target_semaphore(%run_scoped3A : memref<!tpu.dma_semaphore, #tpu.memory_space<semaphore_mem>>)
      %dma_wait3A_257 = arith.constant 0 : i32
      %dma_wait3A_258 = tpu.memref_slice %arg25[%mul3A_4, %dma_wait3A_257] : memref<10000x16xf32, #tpu.memory_space<vmem_shared>> -> memref<624x16xf32, #tpu.memory_space<vmem_shared>>
      %dma_wait3A_259 = arith.constant 0 : i32
      %dma_wait3A_260 = tpu.memref_slice %arg3[%mul3A_4, %dma_wait3A_259] : memref<10000x16xf32, #tpu.memory_space<hbm>> -> memref<624x16xf32, #tpu.memory_space<hbm>>
      tpu.wait_dma2 semaphore(%run_scoped3A : memref<!tpu.dma_semaphore, #tpu.memory_space<semaphore_mem>>) src(%dma_wait3A_260 : memref<624x16xf32, #tpu.memory_space<hbm>>) dst(%dma_wait3A_258 : memref<624x16xf32, #tpu.memory_space<vmem_shared>>)
      tpu.yield
    }) : () -> ()
    "tpu.region"() ({
      %run_scoped3A = tpu.sem_alloc : memref<!tpu.dma_semaphore, #tpu.memory_space<semaphore_mem>>
      %dma_start3A_253 = arith.constant 0 : i32
      %dma_start3A_254 = tpu.memref_slice %arg24[%mul3A_2, %dma_start3A_253] : memref<5008x16xf32, #tpu.memory_space<vmem_shared>> -> memref<312x16xf32, #tpu.memory_space<vmem_shared>>
      %dma_start3A_255 = arith.constant 0 : i32
      %dma_start3A_256 = tpu.memref_slice %arg7[%mul3A_2, %dma_start3A_255] : memref<5008x16xf32, #tpu.memory_space<hbm>> -> memref<312x16xf32, #tpu.memory_space<hbm>>
      tpu.enqueue_dma source(%dma_start3A_256 : memref<312x16xf32, #tpu.memory_space<hbm>>) target(%dma_start3A_254 : memref<312x16xf32, #tpu.memory_space<vmem_shared>>) target_semaphore(%run_scoped3A : memref<!tpu.dma_semaphore, #tpu.memory_space<semaphore_mem>>)
      %dma_wait3A_257 = arith.constant 0 : i32
      %dma_wait3A_258 = tpu.memref_slice %arg24[%mul3A_2, %dma_wait3A_257] : memref<5008x16xf32, #tpu.memory_space<vmem_shared>> -> memref<312x16xf32, #tpu.memory_space<vmem_shared>>
      %dma_wait3A_259 = arith.constant 0 : i32
      %dma_wait3A_260 = tpu.memref_slice %arg7[%mul3A_2, %dma_wait3A_259] : memref<5008x16xf32, #tpu.memory_space<hbm>> -> memref<312x16xf32, #tpu.memory_space<hbm>>
      tpu.wait_dma2 semaphore(%run_scoped3A : memref<!tpu.dma_semaphore, #tpu.memory_space<semaphore_mem>>) src(%dma_wait3A_260 : memref<312x16xf32, #tpu.memory_space<hbm>>) dst(%dma_wait3A_258 : memref<312x16xf32, #tpu.memory_space<vmem_shared>>)
      tpu.yield
    }) : () -> ()
    %eq3A = arith.constant 0 : i32
    %eq3A_5 = arith.cmpi eq, %arg1, %eq3A : i32
    %convert_element_type3A = arith.extui %eq3A_5 : i1 to i32
    %cond3A = arith.constant 0 : i32
    %cond3A_6 = arith.cmpi ne, %convert_element_type3A, %cond3A : i32
    scf.if %cond3A_6 {
      "tpu.region"() ({
        %run_scoped3A = tpu.sem_alloc : memref<!tpu.dma_semaphore, #tpu.memory_space<semaphore_mem>>
        %dma_start3A_253 = arith.constant 4992 : i32
        %dma_start3A_254 = arith.constant 0 : i32
        %dma_start3A_255 = tpu.memref_slice %arg23[%dma_start3A_253, %dma_start3A_254] : memref<5008x128xf32, #tpu.memory_space<vmem_shared>> -> memref<16x128xf32, #tpu.memory_space<vmem_shared>>
        %dma_start3A_256 = arith.constant 4992 : i32
        %dma_start3A_257 = arith.constant 0 : i32
        %dma_start3A_258 = tpu.memref_slice %arg6[%dma_start3A_256, %dma_start3A_257] : memref<5008x128xf32, #tpu.memory_space<hbm>> -> memref<16x128xf32, #tpu.memory_space<hbm>>
        tpu.enqueue_dma source(%dma_start3A_258 : memref<16x128xf32, #tpu.memory_space<hbm>>) target(%dma_start3A_255 : memref<16x128xf32, #tpu.memory_space<vmem_shared>>) target_semaphore(%run_scoped3A : memref<!tpu.dma_semaphore, #tpu.memory_space<semaphore_mem>>)
        %dma_wait3A_259 = arith.constant 4992 : i32
        %dma_wait3A_260 = arith.constant 0 : i32
        %dma_wait3A_261 = tpu.memref_slice %arg23[%dma_wait3A_259, %dma_wait3A_260] : memref<5008x128xf32, #tpu.memory_space<vmem_shared>> -> memref<16x128xf32, #tpu.memory_space<vmem_shared>>
        %dma_wait3A_262 = arith.constant 4992 : i32
        %dma_wait3A_263 = arith.constant 0 : i32
        %dma_wait3A_264 = tpu.memref_slice %arg6[%dma_wait3A_262, %dma_wait3A_263] : memref<5008x128xf32, #tpu.memory_space<hbm>> -> memref<16x128xf32, #tpu.memory_space<hbm>>
        tpu.wait_dma2 semaphore(%run_scoped3A : memref<!tpu.dma_semaphore, #tpu.memory_space<semaphore_mem>>) src(%dma_wait3A_264 : memref<16x128xf32, #tpu.memory_space<hbm>>) dst(%dma_wait3A_261 : memref<16x128xf32, #tpu.memory_space<vmem_shared>>)
        tpu.yield
      }) : () -> ()
      "tpu.region"() ({
        %run_scoped3A = tpu.sem_alloc : memref<!tpu.dma_semaphore, #tpu.memory_space<semaphore_mem>>
        %dma_start3A_253 = arith.constant 4992 : i32
        %dma_start3A_254 = arith.constant 0 : i32
        %dma_start3A_255 = tpu.memref_slice %arg24[%dma_start3A_253, %dma_start3A_254] : memref<5008x16xf32, #tpu.memory_space<vmem_shared>> -> memref<16x16xf32, #tpu.memory_space<vmem_shared>>
        %dma_start3A_256 = arith.constant 4992 : i32
        %dma_start3A_257 = arith.constant 0 : i32
        %dma_start3A_258 = tpu.memref_slice %arg7[%dma_start3A_256, %dma_start3A_257] : memref<5008x16xf32, #tpu.memory_space<hbm>> -> memref<16x16xf32, #tpu.memory_space<hbm>>
        tpu.enqueue_dma source(%dma_start3A_258 : memref<16x16xf32, #tpu.memory_space<hbm>>) target(%dma_start3A_255 : memref<16x16xf32, #tpu.memory_space<vmem_shared>>) target_semaphore(%run_scoped3A : memref<!tpu.dma_semaphore, #tpu.memory_space<semaphore_mem>>)
        %dma_wait3A_259 = arith.constant 4992 : i32
        %dma_wait3A_260 = arith.constant 0 : i32
        %dma_wait3A_261 = tpu.memref_slice %arg24[%dma_wait3A_259, %dma_wait3A_260] : memref<5008x16xf32, #tpu.memory_space<vmem_shared>> -> memref<16x16xf32, #tpu.memory_space<vmem_shared>>
        %dma_wait3A_262 = arith.constant 4992 : i32
        %dma_wait3A_263 = arith.constant 0 : i32
        %dma_wait3A_264 = tpu.memref_slice %arg7[%dma_wait3A_262, %dma_wait3A_263] : memref<5008x16xf32, #tpu.memory_space<hbm>> -> memref<16x16xf32, #tpu.memory_space<hbm>>
        tpu.wait_dma2 semaphore(%run_scoped3A : memref<!tpu.dma_semaphore, #tpu.memory_space<semaphore_mem>>) src(%dma_wait3A_264 : memref<16x16xf32, #tpu.memory_space<hbm>>) dst(%dma_wait3A_261 : memref<16x16xf32, #tpu.memory_space<vmem_shared>>)
        tpu.yield
      }) : () -> ()
    } else {
    }
    %eq3A_7 = arith.constant 1 : i32
    %eq3A_8 = arith.cmpi eq, %arg1, %eq3A_7 : i32
    %convert_element_type3A_9 = arith.extui %eq3A_8 : i1 to i32
    %cond3A_10 = arith.constant 0 : i32
    %cond3A_11 = arith.cmpi ne, %convert_element_type3A_9, %cond3A_10 : i32
    scf.if %cond3A_11 {
      "tpu.region"() ({
        %run_scoped3A = tpu.sem_alloc : memref<!tpu.dma_semaphore, #tpu.memory_space<semaphore_mem>>
        %dma_start3A_253 = arith.constant 9984 : i32
        %dma_start3A_254 = arith.constant 0 : i32
        %dma_start3A_255 = tpu.memref_slice %arg25[%dma_start3A_253, %dma_start3A_254] : memref<10000x16xf32, #tpu.memory_space<vmem_shared>> -> memref<16x16xf32, #tpu.memory_space<vmem_shared>>
        %dma_start3A_256 = arith.constant 9984 : i32
        %dma_start3A_257 = arith.constant 0 : i32
        %dma_start3A_258 = tpu.memref_slice %arg3[%dma_start3A_256, %dma_start3A_257] : memref<10000x16xf32, #tpu.memory_space<hbm>> -> memref<16x16xf32, #tpu.memory_space<hbm>>
        tpu.enqueue_dma source(%dma_start3A_258 : memref<16x16xf32, #tpu.memory_space<hbm>>) target(%dma_start3A_255 : memref<16x16xf32, #tpu.memory_space<vmem_shared>>) target_semaphore(%run_scoped3A : memref<!tpu.dma_semaphore, #tpu.memory_space<semaphore_mem>>)
        %dma_wait3A_259 = arith.constant 9984 : i32
        %dma_wait3A_260 = arith.constant 0 : i32
        %dma_wait3A_261 = tpu.memref_slice %arg25[%dma_wait3A_259, %dma_wait3A_260] : memref<10000x16xf32, #tpu.memory_space<vmem_shared>> -> memref<16x16xf32, #tpu.memory_space<vmem_shared>>
        %dma_wait3A_262 = arith.constant 9984 : i32
        %dma_wait3A_263 = arith.constant 0 : i32
        %dma_wait3A_264 = tpu.memref_slice %arg3[%dma_wait3A_262, %dma_wait3A_263] : memref<10000x16xf32, #tpu.memory_space<hbm>> -> memref<16x16xf32, #tpu.memory_space<hbm>>
        tpu.wait_dma2 semaphore(%run_scoped3A : memref<!tpu.dma_semaphore, #tpu.memory_space<semaphore_mem>>) src(%dma_wait3A_264 : memref<16x16xf32, #tpu.memory_space<hbm>>) dst(%dma_wait3A_261 : memref<16x16xf32, #tpu.memory_space<vmem_shared>>)
        tpu.yield
      }) : () -> ()
    } else {
    }
    %barrier3A = arith.constant 0 : index
    tpu.barrier barrier_id(%barrier3A)
    %mul3A_12 = arith.constant 20000 : i32
    %mul3A_13 = arith.muli %arg1, %mul3A_12 : i32
    %iota3A = tpu.iota {dimensions = array<i32: 0>} : vector<16xi32>
    %add3A = arith.constant 8 : i32
    %add3A_14 = vector.broadcast %add3A : i32 to vector<16xi32>
    %add3A_15 = arith.addi %iota3A, %add3A_14 : vector<16xi32>
    %jit3A = arith.constant 16 : i32
    %eq3A_16 = arith.constant 0 : i32
    %eq3A_17 = arith.cmpi eq, %jit3A, %eq3A_16 : i32
    %jit3A_18 = arith.constant 1 : i32
    %select_n3A = arith.select %eq3A_17, %jit3A_18, %jit3A : i32
    %rem3A = vector.broadcast %select_n3A : i32 to vector<16xi32>
    %rem3A_19 = arith.remsi %add3A_15, %rem3A : vector<16xi32>
    %ne3A = arith.constant 0 : i32
    %ne3A_20 = vector.broadcast %ne3A : i32 to vector<16xi32>
    %ne3A_21 = arith.cmpi ne, %rem3A_19, %ne3A_20 : vector<16xi32>
    %lt3A = arith.constant 0 : i32
    %lt3A_22 = vector.broadcast %lt3A : i32 to vector<16xi32>
    %lt3A_23 = arith.cmpi slt, %rem3A_19, %lt3A_22 : vector<16xi32>
    %lt3A_24 = arith.constant 0 : i32
    %lt3A_25 = arith.cmpi slt, %select_n3A, %lt3A_24 : i32
    %ne3A_26 = vector.broadcast %lt3A_25 : i1 to vector<16xi1>
    %ne3A_27 = vector.broadcast %ne3A_26 : vector<16xi1> to vector<16xi1>
    %ne3A_28 = arith.xori %lt3A_23, %ne3A_27 : vector<16xi1>
    %and3A = arith.andi %ne3A_28, %ne3A_21 : vector<16xi1>
    %add3A_29 = vector.broadcast %select_n3A : i32 to vector<16xi32>
    %add3A_30 = arith.addi %rem3A_19, %add3A_29 : vector<16xi32>
    %select_n3A_31 = arith.select %and3A, %add3A_30, %rem3A_19 : vector<16xi1>, vector<16xi32>
    %and3A_32 = arith.constant 7 : i32
    %and3A_33 = vector.broadcast %and3A_32 : i32 to vector<16xi32>
    %and3A_34 = arith.andi %iota3A, %and3A_33 : vector<16xi32>
    %add3A_35 = arith.constant 5000 : i32
    %add3A_36 = vector.broadcast %add3A_35 : i32 to vector<16xi32>
    %add3A_37 = arith.addi %add3A_36, %and3A_34 : vector<16xi32>
    %add3A_38 = arith.constant 0 : i32
    %add3A_39 = arith.addi %mul3A_13, %add3A_38 : i32
    %dma_start3A = tpu.memref_slice %arg4[%add3A_39] : memref<320000xi32, #tpu.memory_space<hbm>> -> memref<80xi32, #tpu.memory_space<hbm>>
    %dma_start3A_40 = tpu.memref_slice %arg4[%add3A_39] : memref<320000xi32, #tpu.memory_space<hbm>> -> memref<80xi32, #tpu.memory_space<hbm>>
    tpu.enqueue_dma source(%dma_start3A_40 : memref<80xi32, #tpu.memory_space<hbm>>) target(%arg10 : memref<80xi32, #tpu.memory_space<vmem>>) target_semaphore(%arg26 : memref<!tpu.dma_semaphore, #tpu.memory_space<semaphore_mem>>)
    %dma_start3A_41 = tpu.memref_slice %arg5[%add3A_39] : memref<320000xi32, #tpu.memory_space<hbm>> -> memref<80xi32, #tpu.memory_space<hbm>>
    %dma_start3A_42 = tpu.memref_slice %arg5[%add3A_39] : memref<320000xi32, #tpu.memory_space<hbm>> -> memref<80xi32, #tpu.memory_space<hbm>>
    tpu.enqueue_dma source(%dma_start3A_42 : memref<80xi32, #tpu.memory_space<hbm>>) target(%arg14 : memref<80xi32, #tpu.memory_space<vmem>>) target_semaphore(%arg27 : memref<!tpu.dma_semaphore, #tpu.memory_space<semaphore_mem>>)
    %dma_wait3A = arith.constant 0 : i32
    %dma_wait3A_43 = tpu.memref_slice %arg4[%dma_wait3A] : memref<320000xi32, #tpu.memory_space<hbm>> -> memref<80xi32, #tpu.memory_space<hbm>>
    %dma_wait3A_44 = arith.constant 0 : i32
    %dma_wait3A_45 = tpu.memref_slice %arg4[%dma_wait3A_44] : memref<320000xi32, #tpu.memory_space<hbm>> -> memref<80xi32, #tpu.memory_space<hbm>>
    tpu.wait_dma2 semaphore(%arg26 : memref<!tpu.dma_semaphore, #tpu.memory_space<semaphore_mem>>) src(%dma_wait3A_45 : memref<80xi32, #tpu.memory_space<hbm>>) dst(%arg10 : memref<80xi32, #tpu.memory_space<vmem>>)
    %dma_wait3A_46 = arith.constant 0 : i32
    %dma_wait3A_47 = tpu.memref_slice %arg5[%dma_wait3A_46] : memref<320000xi32, #tpu.memory_space<hbm>> -> memref<80xi32, #tpu.memory_space<hbm>>
    %dma_wait3A_48 = arith.constant 0 : i32
    %dma_wait3A_49 = tpu.memref_slice %arg5[%dma_wait3A_48] : memref<320000xi32, #tpu.memory_space<hbm>> -> memref<80xi32, #tpu.memory_space<hbm>>
    tpu.wait_dma2 semaphore(%arg27 : memref<!tpu.dma_semaphore, #tpu.memory_space<semaphore_mem>>) src(%dma_wait3A_49 : memref<80xi32, #tpu.memory_space<hbm>>) dst(%arg14 : memref<80xi32, #tpu.memory_space<vmem>>)
    %get3A = arith.constant 0 : index
    %get3A_50 = tpu.vector_load %arg14[%get3A] {strides = array<i32>} : memref<80xi32, #tpu.memory_space<vmem>>, vector<16xi32>,
    %get3A_51 = vector.shape_cast %get3A_50 : vector<16xi32> to vector<16xi32>
    %sub3A = vector.broadcast %mul3A_0 : i32 to vector<16xi32>
    %sub3A_52 = arith.subi %get3A_51, %sub3A : vector<16xi32>
    %shift_right_arithmetic3A = arith.constant 31 : i32
    %shift_right_arithmetic3A_53 = vector.broadcast %shift_right_arithmetic3A : i32 to vector<16xi32>
    %shift_right_arithmetic3A_54 = arith.shrsi %sub3A_52, %shift_right_arithmetic3A_53 : vector<16xi32>
    %add3A_55 = arith.constant 1 : i32
    %add3A_56 = vector.broadcast %add3A_55 : i32 to vector<16xi32>
    %add3A_57 = arith.addi %add3A_56, %shift_right_arithmetic3A_54 : vector<16xi32>
    %sub3A_58 = arith.constant 4999 : i32
    %sub3A_59 = vector.broadcast %sub3A_58 : i32 to vector<16xi32>
    %sub3A_60 = arith.subi %sub3A_59, %sub3A_52 : vector<16xi32>
    %shift_right_arithmetic3A_61 = arith.constant 31 : i32
    %shift_right_arithmetic3A_62 = vector.broadcast %shift_right_arithmetic3A_61 : i32 to vector<16xi32>
    %shift_right_arithmetic3A_63 = arith.shrsi %sub3A_60, %shift_right_arithmetic3A_62 : vector<16xi32>
    %add3A_64 = arith.constant 1 : i32
    %add3A_65 = vector.broadcast %add3A_64 : i32 to vector<16xi32>
    %add3A_66 = arith.addi %add3A_65, %shift_right_arithmetic3A_63 : vector<16xi32>
    %mul3A_67 = arith.muli %add3A_57, %add3A_66 : vector<16xi32>
    %mul3A_68 = arith.muli %sub3A_52, %mul3A_67 : vector<16xi32>
    %sub3A_69 = arith.constant 1 : i32
    %sub3A_70 = vector.broadcast %sub3A_69 : i32 to vector<16xi32>
    %sub3A_71 = arith.subi %sub3A_70, %mul3A_67 : vector<16xi32>
    %mul3A_72 = arith.muli %add3A_37, %sub3A_71 : vector<16xi32>
    %add3A_73 = arith.addi %mul3A_68, %mul3A_72 : vector<16xi32>
    %swap3A = arith.constant 0 : index
    %swap3A_74 = tpu.vector_load %arg12[%swap3A] {strides = array<i32>} : memref<80xi32, #tpu.memory_space<vmem>>, vector<16xi32>,
    %swap3A_75 = vector.shape_cast %swap3A_74 : vector<16xi32> to vector<16xi32>
    %swap3A_76 = vector.shape_cast %add3A_73 : vector<16xi32> to vector<16xi32>
    tpu.vector_store %arg12[%swap3A], %swap3A_76 {strides = array<i32>} : memref<80xi32, #tpu.memory_space<vmem>>, vector<16xi32>,
    %get3A_77 = arith.constant 16 : index
    %get3A_78 = tpu.vector_load %arg14[%get3A_77] {strides = array<i32>} : memref<80xi32, #tpu.memory_space<vmem>>, vector<16xi32>,
    %get3A_79 = vector.shape_cast %get3A_78 : vector<16xi32> to vector<16xi32>
    %sub3A_80 = vector.broadcast %mul3A_0 : i32 to vector<16xi32>
    %sub3A_81 = arith.subi %get3A_79, %sub3A_80 : vector<16xi32>
    %shift_right_arithmetic3A_82 = arith.constant 31 : i32
    %shift_right_arithmetic3A_83 = vector.broadcast %shift_right_arithmetic3A_82 : i32 to vector<16xi32>
    %shift_right_arithmetic3A_84 = arith.shrsi %sub3A_81, %shift_right_arithmetic3A_83 : vector<16xi32>
    %add3A_85 = arith.constant 1 : i32
    %add3A_86 = vector.broadcast %add3A_85 : i32 to vector<16xi32>
    %add3A_87 = arith.addi %add3A_86, %shift_right_arithmetic3A_84 : vector<16xi32>
    %sub3A_88 = arith.constant 4999 : i32
    %sub3A_89 = vector.broadcast %sub3A_88 : i32 to vector<16xi32>
    %sub3A_90 = arith.subi %sub3A_89, %sub3A_81 : vector<16xi32>
    %shift_right_arithmetic3A_91 = arith.constant 31 : i32
    %shift_right_arithmetic3A_92 = vector.broadcast %shift_right_arithmetic3A_91 : i32 to vector<16xi32>
    %shift_right_arithmetic3A_93 = arith.shrsi %sub3A_90, %shift_right_arithmetic3A_92 : vector<16xi32>
    %add3A_94 = arith.constant 1 : i32
    %add3A_95 = vector.broadcast %add3A_94 : i32 to vector<16xi32>
    %add3A_96 = arith.addi %add3A_95, %shift_right_arithmetic3A_93 : vector<16xi32>
    %mul3A_97 = arith.muli %add3A_87, %add3A_96 : vector<16xi32>
    %mul3A_98 = arith.muli %sub3A_81, %mul3A_97 : vector<16xi32>
    %sub3A_99 = arith.constant 1 : i32
    %sub3A_100 = vector.broadcast %sub3A_99 : i32 to vector<16xi32>
    %sub3A_101 = arith.subi %sub3A_100, %mul3A_97 : vector<16xi32>
    %mul3A_102 = arith.muli %add3A_37, %sub3A_101 : vector<16xi32>
    %add3A_103 = arith.addi %mul3A_98, %mul3A_102 : vector<16xi32>
    %swap3A_104 = arith.constant 16 : index
    %swap3A_105 = tpu.vector_load %arg12[%swap3A_104] {strides = array<i32>} : memref<80xi32, #tpu.memory_space<vmem>>, vector<16xi32>,
    %swap3A_106 = vector.shape_cast %swap3A_105 : vector<16xi32> to vector<16xi32>
    %swap3A_107 = vector.shape_cast %add3A_103 : vector<16xi32> to vector<16xi32>
    tpu.vector_store %arg12[%swap3A_104], %swap3A_107 {strides = array<i32>} : memref<80xi32, #tpu.memory_space<vmem>>, vector<16xi32>,
    %get3A_108 = arith.constant 32 : index
    %get3A_109 = tpu.vector_load %arg14[%get3A_108] {strides = array<i32>} : memref<80xi32, #tpu.memory_space<vmem>>, vector<16xi32>,
    %get3A_110 = vector.shape_cast %get3A_109 : vector<16xi32> to vector<16xi32>
    %sub3A_111 = vector.broadcast %mul3A_0 : i32 to vector<16xi32>
    %sub3A_112 = arith.subi %get3A_110, %sub3A_111 : vector<16xi32>
    %shift_right_arithmetic3A_113 = arith.constant 31 : i32
    %shift_right_arithmetic3A_114 = vector.broadcast %shift_right_arithmetic3A_113 : i32 to vector<16xi32>
    %shift_right_arithmetic3A_115 = arith.shrsi %sub3A_112, %shift_right_arithmetic3A_114 : vector<16xi32>
    %add3A_116 = arith.constant 1 : i32
    %add3A_117 = vector.broadcast %add3A_116 : i32 to vector<16xi32>
    %add3A_118 = arith.addi %add3A_117, %shift_right_arithmetic3A_115 : vector<16xi32>
    %sub3A_119 = arith.constant 4999 : i32
    %sub3A_120 = vector.broadcast %sub3A_119 : i32 to vector<16xi32>
    %sub3A_121 = arith.subi %sub3A_120, %sub3A_112 : vector<16xi32>
    %shift_right_arithmetic3A_122 = arith.constant 31 : i32
    %shift_right_arithmetic3A_123 = vector.broadcast %shift_right_arithmetic3A_122 : i32 to vector<16xi32>
    %shift_right_arithmetic3A_124 = arith.shrsi %sub3A_121, %shift_right_arithmetic3A_123 : vector<16xi32>
    %add3A_125 = arith.constant 1 : i32
    %add3A_126 = vector.broadcast %add3A_125 : i32 to vector<16xi32>
    %add3A_127 = arith.addi %add3A_126, %shift_right_arithmetic3A_124 : vector<16xi32>
    %mul3A_128 = arith.muli %add3A_118, %add3A_127 : vector<16xi32>
    %mul3A_129 = arith.muli %sub3A_112, %mul3A_128 : vector<16xi32>
    %sub3A_130 = arith.constant 1 : i32
    %sub3A_131 = vector.broadcast %sub3A_130 : i32 to vector<16xi32>
    %sub3A_132 = arith.subi %sub3A_131, %mul3A_128 : vector<16xi32>
    %mul3A_133 = arith.muli %add3A_37, %sub3A_132 : vector<16xi32>
    %add3A_134 = arith.addi %mul3A_129, %mul3A_133 : vector<16xi32>
    %swap3A_135 = arith.constant 32 : index
    %swap3A_136 = tpu.vector_load %arg12[%swap3A_135] {strides = array<i32>} : memref<80xi32, #tpu.memory_space<vmem>>, vector<16xi32>,
    %swap3A_137 = vector.shape_cast %swap3A_136 : vector<16xi32> to vector<16xi32>
    %swap3A_138 = vector.shape_cast %add3A_134 : vector<16xi32> to vector<16xi32>
    tpu.vector_store %arg12[%swap3A_135], %swap3A_138 {strides = array<i32>} : memref<80xi32, #tpu.memory_space<vmem>>, vector<16xi32>,
    %get3A_139 = arith.constant 48 : index
    %get3A_140 = tpu.vector_load %arg14[%get3A_139] {strides = array<i32>} : memref<80xi32, #tpu.memory_space<vmem>>, vector<16xi32>,
    %get3A_141 = vector.shape_cast %get3A_140 : vector<16xi32> to vector<16xi32>
    %sub3A_142 = vector.broadcast %mul3A_0 : i32 to vector<16xi32>
    %sub3A_143 = arith.subi %get3A_141, %sub3A_142 : vector<16xi32>
    %shift_right_arithmetic3A_144 = arith.constant 31 : i32
    %shift_right_arithmetic3A_145 = vector.broadcast %shift_right_arithmetic3A_144 : i32 to vector<16xi32>
    %shift_right_arithmetic3A_146 = arith.shrsi %sub3A_143, %shift_right_arithmetic3A_145 : vector<16xi32>
    %add3A_147 = arith.constant 1 : i32
    %add3A_148 = vector.broadcast %add3A_147 : i32 to vector<16xi32>
    %add3A_149 = arith.addi %add3A_148, %shift_right_arithmetic3A_146 : vector<16xi32>
    %sub3A_150 = arith.constant 4999 : i32
    %sub3A_151 = vector.broadcast %sub3A_150 : i32 to vector<16xi32>
    %sub3A_152 = arith.subi %sub3A_151, %sub3A_143 : vector<16xi32>
    %shift_right_arithmetic3A_153 = arith.constant 31 : i32
    %shift_right_arithmetic3A_154 = vector.broadcast %shift_right_arithmetic3A_153 : i32 to vector<16xi32>
    %shift_right_arithmetic3A_155 = arith.shrsi %sub3A_152, %shift_right_arithmetic3A_154 : vector<16xi32>
    %add3A_156 = arith.constant 1 : i32
    %add3A_157 = vector.broadcast %add3A_156 : i32 to vector<16xi32>
    %add3A_158 = arith.addi %add3A_157, %shift_right_arithmetic3A_155 : vector<16xi32>
    %mul3A_159 = arith.muli %add3A_149, %add3A_158 : vector<16xi32>
    %mul3A_160 = arith.muli %sub3A_143, %mul3A_159 : vector<16xi32>
    %sub3A_161 = arith.constant 1 : i32
    %sub3A_162 = vector.broadcast %sub3A_161 : i32 to vector<16xi32>
    %sub3A_163 = arith.subi %sub3A_162, %mul3A_159 : vector<16xi32>
    %mul3A_164 = arith.muli %add3A_37, %sub3A_163 : vector<16xi32>
    %add3A_165 = arith.addi %mul3A_160, %mul3A_164 : vector<16xi32>
    %swap3A_166 = arith.constant 48 : index
    %swap3A_167 = tpu.vector_load %arg12[%swap3A_166] {strides = array<i32>} : memref<80xi32, #tpu.memory_space<vmem>>, vector<16xi32>,
    %swap3A_168 = vector.shape_cast %swap3A_167 : vector<16xi32> to vector<16xi32>
    %swap3A_169 = vector.shape_cast %add3A_165 : vector<16xi32> to vector<16xi32>
    tpu.vector_store %arg12[%swap3A_166], %swap3A_169 {strides = array<i32>} : memref<80xi32, #tpu.memory_space<vmem>>, vector<16xi32>,
    %get3A_170 = arith.constant 64 : index
    %get3A_171 = tpu.vector_load %arg14[%get3A_170] {strides = array<i32>} : memref<80xi32, #tpu.memory_space<vmem>>, vector<16xi32>,
    %get3A_172 = vector.shape_cast %get3A_171 : vector<16xi32> to vector<16xi32>
    %sub3A_173 = vector.broadcast %mul3A_0 : i32 to vector<16xi32>
    %sub3A_174 = arith.subi %get3A_172, %sub3A_173 : vector<16xi32>
    %shift_right_arithmetic3A_175 = arith.constant 31 : i32
    %shift_right_arithmetic3A_176 = vector.broadcast %shift_right_arithmetic3A_175 : i32 to vector<16xi32>
    %shift_right_arithmetic3A_177 = arith.shrsi %sub3A_174, %shift_right_arithmetic3A_176 : vector<16xi32>
    %add3A_178 = arith.constant 1 : i32
    %add3A_179 = vector.broadcast %add3A_178 : i32 to vector<16xi32>
    %add3A_180 = arith.addi %add3A_179, %shift_right_arithmetic3A_177 : vector<16xi32>
    %sub3A_181 = arith.constant 4999 : i32
    %sub3A_182 = vector.broadcast %sub3A_181 : i32 to vector<16xi32>
    %sub3A_183 = arith.subi %sub3A_182, %sub3A_174 : vector<16xi32>
    %shift_right_arithmetic3A_184 = arith.constant 31 : i32
    %shift_right_arithmetic3A_185 = vector.broadcast %shift_right_arithmetic3A_184 : i32 to vector<16xi32>
    %shift_right_arithmetic3A_186 = arith.shrsi %sub3A_183, %shift_right_arithmetic3A_185 : vector<16xi32>
    %add3A_187 = arith.constant 1 : i32
    %add3A_188 = vector.broadcast %add3A_187 : i32 to vector<16xi32>
    %add3A_189 = arith.addi %add3A_188, %shift_right_arithmetic3A_186 : vector<16xi32>
    %mul3A_190 = arith.muli %add3A_180, %add3A_189 : vector<16xi32>
    %mul3A_191 = arith.muli %sub3A_174, %mul3A_190 : vector<16xi32>
    %sub3A_192 = arith.constant 1 : i32
    %sub3A_193 = vector.broadcast %sub3A_192 : i32 to vector<16xi32>
    %sub3A_194 = arith.subi %sub3A_193, %mul3A_190 : vector<16xi32>
    %mul3A_195 = arith.muli %add3A_37, %sub3A_194 : vector<16xi32>
    %add3A_196 = arith.addi %mul3A_191, %mul3A_195 : vector<16xi32>
    %swap3A_197 = arith.constant 64 : index
    %swap3A_198 = tpu.vector_load %arg12[%swap3A_197] {strides = array<i32>} : memref<80xi32, #tpu.memory_space<vmem>>, vector<16xi32>,
    %swap3A_199 = vector.shape_cast %swap3A_198 : vector<16xi32> to vector<16xi32>
    %swap3A_200 = vector.shape_cast %add3A_196 : vector<16xi32> to vector<16xi32>
    tpu.vector_store %arg12[%swap3A_197], %swap3A_200 {strides = array<i32>} : memref<80xi32, #tpu.memory_space<vmem>>, vector<16xi32>,
    %dma_start3A_201 = arith.constant 0 : i32
    %dma_start3A_202 = arith.constant 0 : i32
    %dma_start3A_203 = tpu.memref_slice %arg2[%dma_start3A_201, %dma_start3A_202] : memref<10000x128xf32, #tpu.memory_space<hbm>> -> memref<10000x128xf32, #tpu.memory_space<hbm>>
    tpu.enqueue_indirect_dma source(%dma_start3A_203 : memref<10000x128xf32, #tpu.memory_space<hbm>>) target(%arg16 : memref<80x128xf32, #tpu.memory_space<vmem>>) offsets(%arg10 : memref<80xi32, #tpu.memory_space<vmem>>) semaphore(%arg28 : memref<!tpu.dma_semaphore, #tpu.memory_space<semaphore_mem>>)
    %dma_start3A_204 = arith.constant 0 : i32
    %dma_start3A_205 = arith.constant 0 : i32
    %dma_start3A_206 = tpu.memref_slice %arg25[%dma_start3A_204, %dma_start3A_205] : memref<10000x16xf32, #tpu.memory_space<vmem_shared>> -> memref<10000x16xf32, #tpu.memory_space<vmem_shared>>
    tpu.enqueue_indirect_dma source(%dma_start3A_206 : memref<10000x16xf32, #tpu.memory_space<vmem_shared>>) target(%arg18 : memref<80x16xf32, #tpu.memory_space<vmem>>) offsets(%arg10 : memref<80xi32, #tpu.memory_space<vmem>>) semaphore(%arg29 : memref<!tpu.dma_semaphore, #tpu.memory_space<semaphore_mem>>)
    %dma_start3A_207 = arith.constant 0 : i32
    %dma_start3A_208 = arith.constant 0 : i32
    %dma_start3A_209 = tpu.memref_slice %arg25[%dma_start3A_207, %dma_start3A_208] : memref<10000x16xf32, #tpu.memory_space<vmem_shared>> -> memref<10000x16xf32, #tpu.memory_space<vmem_shared>>
    tpu.enqueue_indirect_dma source(%dma_start3A_209 : memref<10000x16xf32, #tpu.memory_space<vmem_shared>>) target(%arg20 : memref<80x16xf32, #tpu.memory_space<vmem>>) offsets(%arg14 : memref<80xi32, #tpu.memory_space<vmem>>) semaphore(%arg30 : memref<!tpu.dma_semaphore, #tpu.memory_space<semaphore_mem>>)
    %add3A_210 = arith.constant 80 : i32
    %add3A_211 = arith.addi %mul3A_13, %add3A_210 : i32
    %dma_start3A_212 = tpu.memref_slice %arg4[%add3A_211] : memref<320000xi32, #tpu.memory_space<hbm>> -> memref<80xi32, #tpu.memory_space<hbm>>
    %dma_start3A_213 = tpu.memref_slice %arg4[%add3A_211] : memref<320000xi32, #tpu.memory_space<hbm>> -> memref<80xi32, #tpu.memory_space<hbm>>
    tpu.enqueue_dma source(%dma_start3A_213 : memref<80xi32, #tpu.memory_space<hbm>>) target(%arg11 : memref<80xi32, #tpu.memory_space<vmem>>) target_semaphore(%arg31 : memref<!tpu.dma_semaphore, #tpu.memory_space<semaphore_mem>>)
    %dma_start3A_214 = tpu.memref_slice %arg5[%add3A_211] : memref<320000xi32, #tpu.memory_space<hbm>> -> memref<80xi32, #tpu.memory_space<hbm>>
    %dma_start3A_215 = tpu.memref_slice %arg5[%add3A_211] : memref<320000xi32, #tpu.memory_space<hbm>> -> memref<80xi32, #tpu.memory_space<hbm>>
    tpu.enqueue_dma source(%dma_start3A_215 : memref<80xi32, #tpu.memory_space<hbm>>) target(%arg15 : memref<80xi32, #tpu.memory_space<vmem>>) target_semaphore(%arg32 : memref<!tpu.dma_semaphore, #tpu.memory_space<semaphore_mem>>)
    %scan3A = arith.constant 0 : i32
    %scan3A_216 = arith.constant 0 : i32
    %scan3A_217 = arith.constant 125 : i32
    %scan3A_218 = arith.addi %scan3A_216, %scan3A_217 : i32
    %scan3A_219 = arith.constant 1 : i32
    scf.for %scan3A_253 = %scan3A_216 to %scan3A_218 step %scan3A_219  : i32 {
      %mul3A_254 = arith.constant 2 : i32
      %mul3A_255 = arith.muli %mul3A_254, %scan3A_253 : i32
      %dma_wait3A_256 = arith.constant 0 : i32
      %dma_wait3A_257 = tpu.memref_slice %arg4[%dma_wait3A_256] : memref<320000xi32, #tpu.memory_space<hbm>> -> memref<80xi32, #tpu.memory_space<hbm>>
      %dma_wait3A_258 = arith.constant 0 : i32
      %dma_wait3A_259 = tpu.memref_slice %arg4[%dma_wait3A_258] : memref<320000xi32, #tpu.memory_space<hbm>> -> memref<80xi32, #tpu.memory_space<hbm>>
      tpu.wait_dma2 semaphore(%arg31 : memref<!tpu.dma_semaphore, #tpu.memory_space<semaphore_mem>>) src(%dma_wait3A_259 : memref<80xi32, #tpu.memory_space<hbm>>) dst(%arg11 : memref<80xi32, #tpu.memory_space<vmem>>)
      %dma_wait3A_260 = arith.constant 0 : i32
      %dma_wait3A_261 = tpu.memref_slice %arg5[%dma_wait3A_260] : memref<320000xi32, #tpu.memory_space<hbm>> -> memref<80xi32, #tpu.memory_space<hbm>>
      %dma_wait3A_262 = arith.constant 0 : i32
      %dma_wait3A_263 = tpu.memref_slice %arg5[%dma_wait3A_262] : memref<320000xi32, #tpu.memory_space<hbm>> -> memref<80xi32, #tpu.memory_space<hbm>>
      tpu.wait_dma2 semaphore(%arg32 : memref<!tpu.dma_semaphore, #tpu.memory_space<semaphore_mem>>) src(%dma_wait3A_263 : memref<80xi32, #tpu.memory_space<hbm>>) dst(%arg15 : memref<80xi32, #tpu.memory_space<vmem>>)
      %get3A_264 = arith.constant 0 : index
      %get3A_265 = tpu.vector_load %arg15[%get3A_264] {strides = array<i32>} : memref<80xi32, #tpu.memory_space<vmem>>, vector<16xi32>,
      %get3A_266 = vector.shape_cast %get3A_265 : vector<16xi32> to vector<16xi32>
      %sub3A_267 = vector.broadcast %mul3A_0 : i32 to vector<16xi32>
      %sub3A_268 = arith.subi %get3A_266, %sub3A_267 : vector<16xi32>
      %shift_right_arithmetic3A_269 = arith.constant 31 : i32
      %shift_right_arithmetic3A_270 = vector.broadcast %shift_right_arithmetic3A_269 : i32 to vector<16xi32>
      %shift_right_arithmetic3A_271 = arith.shrsi %sub3A_268, %shift_right_arithmetic3A_270 : vector<16xi32>
      %add3A_272 = arith.constant 1 : i32
      %add3A_273 = vector.broadcast %add3A_272 : i32 to vector<16xi32>
      %add3A_274 = arith.addi %add3A_273, %shift_right_arithmetic3A_271 : vector<16xi32>
      %sub3A_275 = arith.constant 4999 : i32
      %sub3A_276 = vector.broadcast %sub3A_275 : i32 to vector<16xi32>
      %sub3A_277 = arith.subi %sub3A_276, %sub3A_268 : vector<16xi32>
      %shift_right_arithmetic3A_278 = arith.constant 31 : i32
      %shift_right_arithmetic3A_279 = vector.broadcast %shift_right_arithmetic3A_278 : i32 to vector<16xi32>
      %shift_right_arithmetic3A_280 = arith.shrsi %sub3A_277, %shift_right_arithmetic3A_279 : vector<16xi32>
      %add3A_281 = arith.constant 1 : i32
      %add3A_282 = vector.broadcast %add3A_281 : i32 to vector<16xi32>
      %add3A_283 = arith.addi %add3A_282, %shift_right_arithmetic3A_280 : vector<16xi32>
      %mul3A_284 = arith.muli %add3A_274, %add3A_283 : vector<16xi32>
      %mul3A_285 = arith.muli %sub3A_268, %mul3A_284 : vector<16xi32>
      %sub3A_286 = arith.constant 1 : i32
      %sub3A_287 = vector.broadcast %sub3A_286 : i32 to vector<16xi32>
      %sub3A_288 = arith.subi %sub3A_287, %mul3A_284 : vector<16xi32>
      %mul3A_289 = arith.muli %add3A_37, %sub3A_288 : vector<16xi32>
      %add3A_290 = arith.addi %mul3A_285, %mul3A_289 : vector<16xi32>
      %swap3A_291 = arith.constant 0 : index
      %swap3A_292 = tpu.vector_load %arg13[%swap3A_291] {strides = array<i32>} : memref<80xi32, #tpu.memory_space<vmem>>, vector<16xi32>,
      %swap3A_293 = vector.shape_cast %swap3A_292 : vector<16xi32> to vector<16xi32>
      %swap3A_294 = vector.shape_cast %add3A_290 : vector<16xi32> to vector<16xi32>
      tpu.vector_store %arg13[%swap3A_291], %swap3A_294 {strides = array<i32>} : memref<80xi32, #tpu.memory_space<vmem>>, vector<16xi32>,
      %get3A_295 = arith.constant 16 : index
      %get3A_296 = tpu.vector_load %arg15[%get3A_295] {strides = array<i32>} : memref<80xi32, #tpu.memory_space<vmem>>, vector<16xi32>,
      %get3A_297 = vector.shape_cast %get3A_296 : vector<16xi32> to vector<16xi32>
      %sub3A_298 = vector.broadcast %mul3A_0 : i32 to vector<16xi32>
      %sub3A_299 = arith.subi %get3A_297, %sub3A_298 : vector<16xi32>
      %shift_right_arithmetic3A_300 = arith.constant 31 : i32
      %shift_right_arithmetic3A_301 = vector.broadcast %shift_right_arithmetic3A_300 : i32 to vector<16xi32>
      %shift_right_arithmetic3A_302 = arith.shrsi %sub3A_299, %shift_right_arithmetic3A_301 : vector<16xi32>
      %add3A_303 = arith.constant 1 : i32
      %add3A_304 = vector.broadcast %add3A_303 : i32 to vector<16xi32>
      %add3A_305 = arith.addi %add3A_304, %shift_right_arithmetic3A_302 : vector<16xi32>
      %sub3A_306 = arith.constant 4999 : i32
      %sub3A_307 = vector.broadcast %sub3A_306 : i32 to vector<16xi32>
      %sub3A_308 = arith.subi %sub3A_307, %sub3A_299 : vector<16xi32>
      %shift_right_arithmetic3A_309 = arith.constant 31 : i32
      %shift_right_arithmetic3A_310 = vector.broadcast %shift_right_arithmetic3A_309 : i32 to vector<16xi32>
      %shift_right_arithmetic3A_311 = arith.shrsi %sub3A_308, %shift_right_arithmetic3A_310 : vector<16xi32>
      %add3A_312 = arith.constant 1 : i32
      %add3A_313 = vector.broadcast %add3A_312 : i32 to vector<16xi32>
      %add3A_314 = arith.addi %add3A_313, %shift_right_arithmetic3A_311 : vector<16xi32>
      %mul3A_315 = arith.muli %add3A_305, %add3A_314 : vector<16xi32>
      %mul3A_316 = arith.muli %sub3A_299, %mul3A_315 : vector<16xi32>
      %sub3A_317 = arith.constant 1 : i32
      %sub3A_318 = vector.broadcast %sub3A_317 : i32 to vector<16xi32>
      %sub3A_319 = arith.subi %sub3A_318, %mul3A_315 : vector<16xi32>
      %mul3A_320 = arith.muli %add3A_37, %sub3A_319 : vector<16xi32>
      %add3A_321 = arith.addi %mul3A_316, %mul3A_320 : vector<16xi32>
      %swap3A_322 = arith.constant 16 : index
      %swap3A_323 = tpu.vector_load %arg13[%swap3A_322] {strides = array<i32>} : memref<80xi32, #tpu.memory_space<vmem>>, vector<16xi32>,
      %swap3A_324 = vector.shape_cast %swap3A_323 : vector<16xi32> to vector<16xi32>
      %swap3A_325 = vector.shape_cast %add3A_321 : vector<16xi32> to vector<16xi32>
      tpu.vector_store %arg13[%swap3A_322], %swap3A_325 {strides = array<i32>} : memref<80xi32, #tpu.memory_space<vmem>>, vector<16xi32>,
      %get3A_326 = arith.constant 32 : index
      %get3A_327 = tpu.vector_load %arg15[%get3A_326] {strides = array<i32>} : memref<80xi32, #tpu.memory_space<vmem>>, vector<16xi32>,
      %get3A_328 = vector.shape_cast %get3A_327 : vector<16xi32> to vector<16xi32>
      %sub3A_329 = vector.broadcast %mul3A_0 : i32 to vector<16xi32>
      %sub3A_330 = arith.subi %get3A_328, %sub3A_329 : vector<16xi32>
      %shift_right_arithmetic3A_331 = arith.constant 31 : i32
      %shift_right_arithmetic3A_332 = vector.broadcast %shift_right_arithmetic3A_331 : i32 to vector<16xi32>
      %shift_right_arithmetic3A_333 = arith.shrsi %sub3A_330, %shift_right_arithmetic3A_332 : vector<16xi32>
      %add3A_334 = arith.constant 1 : i32
      %add3A_335 = vector.broadcast %add3A_334 : i32 to vector<16xi32>
      %add3A_336 = arith.addi %add3A_335, %shift_right_arithmetic3A_333 : vector<16xi32>
      %sub3A_337 = arith.constant 4999 : i32
      %sub3A_338 = vector.broadcast %sub3A_337 : i32 to vector<16xi32>
      %sub3A_339 = arith.subi %sub3A_338, %sub3A_330 : vector<16xi32>
      %shift_right_arithmetic3A_340 = arith.constant 31 : i32
      %shift_right_arithmetic3A_341 = vector.broadcast %shift_right_arithmetic3A_340 : i32 to vector<16xi32>
      %shift_right_arithmetic3A_342 = arith.shrsi %sub3A_339, %shift_right_arithmetic3A_341 : vector<16xi32>
      %add3A_343 = arith.constant 1 : i32
      %add3A_344 = vector.broadcast %add3A_343 : i32 to vector<16xi32>
      %add3A_345 = arith.addi %add3A_344, %shift_right_arithmetic3A_342 : vector<16xi32>
      %mul3A_346 = arith.muli %add3A_336, %add3A_345 : vector<16xi32>
      %mul3A_347 = arith.muli %sub3A_330, %mul3A_346 : vector<16xi32>
      %sub3A_348 = arith.constant 1 : i32
      %sub3A_349 = vector.broadcast %sub3A_348 : i32 to vector<16xi32>
      %sub3A_350 = arith.subi %sub3A_349, %mul3A_346 : vector<16xi32>
      %mul3A_351 = arith.muli %add3A_37, %sub3A_350 : vector<16xi32>
      %add3A_352 = arith.addi %mul3A_347, %mul3A_351 : vector<16xi32>
      %swap3A_353 = arith.constant 32 : index
      %swap3A_354 = tpu.vector_load %arg13[%swap3A_353] {strides = array<i32>} : memref<80xi32, #tpu.memory_space<vmem>>, vector<16xi32>,
      %swap3A_355 = vector.shape_cast %swap3A_354 : vector<16xi32> to vector<16xi32>
      %swap3A_356 = vector.shape_cast %add3A_352 : vector<16xi32> to vector<16xi32>
      tpu.vector_store %arg13[%swap3A_353], %swap3A_356 {strides = array<i32>} : memref<80xi32, #tpu.memory_space<vmem>>, vector<16xi32>,
      %get3A_357 = arith.constant 48 : index
      %get3A_358 = tpu.vector_load %arg15[%get3A_357] {strides = array<i32>} : memref<80xi32, #tpu.memory_space<vmem>>, vector<16xi32>,
      %get3A_359 = vector.shape_cast %get3A_358 : vector<16xi32> to vector<16xi32>
      %sub3A_360 = vector.broadcast %mul3A_0 : i32 to vector<16xi32>
      %sub3A_361 = arith.subi %get3A_359, %sub3A_360 : vector<16xi32>
      %shift_right_arithmetic3A_362 = arith.constant 31 : i32
      %shift_right_arithmetic3A_363 = vector.broadcast %shift_right_arithmetic3A_362 : i32 to vector<16xi32>
      %shift_right_arithmetic3A_364 = arith.shrsi %sub3A_361, %shift_right_arithmetic3A_363 : vector<16xi32>
      %add3A_365 = arith.constant 1 : i32
      %add3A_366 = vector.broadcast %add3A_365 : i32 to vector<16xi32>
      %add3A_367 = arith.addi %add3A_366, %shift_right_arithmetic3A_364 : vector<16xi32>
      %sub3A_368 = arith.constant 4999 : i32
      %sub3A_369 = vector.broadcast %sub3A_368 : i32 to vector<16xi32>
      %sub3A_370 = arith.subi %sub3A_369, %sub3A_361 : vector<16xi32>
      %shift_right_arithmetic3A_371 = arith.constant 31 : i32
      %shift_right_arithmetic3A_372 = vector.broadcast %shift_right_arithmetic3A_371 : i32 to vector<16xi32>
      %shift_right_arithmetic3A_373 = arith.shrsi %sub3A_370, %shift_right_arithmetic3A_372 : vector<16xi32>
      %add3A_374 = arith.constant 1 : i32
      %add3A_375 = vector.broadcast %add3A_374 : i32 to vector<16xi32>
      %add3A_376 = arith.addi %add3A_375, %shift_right_arithmetic3A_373 : vector<16xi32>
      %mul3A_377 = arith.muli %add3A_367, %add3A_376 : vector<16xi32>
      %mul3A_378 = arith.muli %sub3A_361, %mul3A_377 : vector<16xi32>
      %sub3A_379 = arith.constant 1 : i32
      %sub3A_380 = vector.broadcast %sub3A_379 : i32 to vector<16xi32>
      %sub3A_381 = arith.subi %sub3A_380, %mul3A_377 : vector<16xi32>
      %mul3A_382 = arith.muli %add3A_37, %sub3A_381 : vector<16xi32>
      %add3A_383 = arith.addi %mul3A_378, %mul3A_382 : vector<16xi32>
      %swap3A_384 = arith.constant 48 : index
      %swap3A_385 = tpu.vector_load %arg13[%swap3A_384] {strides = array<i32>} : memref<80xi32, #tpu.memory_space<vmem>>, vector<16xi32>,
      %swap3A_386 = vector.shape_cast %swap3A_385 : vector<16xi32> to vector<16xi32>
      %swap3A_387 = vector.shape_cast %add3A_383 : vector<16xi32> to vector<16xi32>
      tpu.vector_store %arg13[%swap3A_384], %swap3A_387 {strides = array<i32>} : memref<80xi32, #tpu.memory_space<vmem>>, vector<16xi32>,
      %get3A_388 = arith.constant 64 : index
      %get3A_389 = tpu.vector_load %arg15[%get3A_388] {strides = array<i32>} : memref<80xi32, #tpu.memory_space<vmem>>, vector<16xi32>,
      %get3A_390 = vector.shape_cast %get3A_389 : vector<16xi32> to vector<16xi32>
      %sub3A_391 = vector.broadcast %mul3A_0 : i32 to vector<16xi32>
      %sub3A_392 = arith.subi %get3A_390, %sub3A_391 : vector<16xi32>
      %shift_right_arithmetic3A_393 = arith.constant 31 : i32
      %shift_right_arithmetic3A_394 = vector.broadcast %shift_right_arithmetic3A_393 : i32 to vector<16xi32>
      %shift_right_arithmetic3A_395 = arith.shrsi %sub3A_392, %shift_right_arithmetic3A_394 : vector<16xi32>
      %add3A_396 = arith.constant 1 : i32
      %add3A_397 = vector.broadcast %add3A_396 : i32 to vector<16xi32>
      %add3A_398 = arith.addi %add3A_397, %shift_right_arithmetic3A_395 : vector<16xi32>
      %sub3A_399 = arith.constant 4999 : i32
      %sub3A_400 = vector.broadcast %sub3A_399 : i32 to vector<16xi32>
      %sub3A_401 = arith.subi %sub3A_400, %sub3A_392 : vector<16xi32>
      %shift_right_arithmetic3A_402 = arith.constant 31 : i32
      %shift_right_arithmetic3A_403 = vector.broadcast %shift_right_arithmetic3A_402 : i32 to vector<16xi32>
      %shift_right_arithmetic3A_404 = arith.shrsi %sub3A_401, %shift_right_arithmetic3A_403 : vector<16xi32>
      %add3A_405 = arith.constant 1 : i32
      %add3A_406 = vector.broadcast %add3A_405 : i32 to vector<16xi32>
      %add3A_407 = arith.addi %add3A_406, %shift_right_arithmetic3A_404 : vector<16xi32>
      %mul3A_408 = arith.muli %add3A_398, %add3A_407 : vector<16xi32>
      %mul3A_409 = arith.muli %sub3A_392, %mul3A_408 : vector<16xi32>
      %sub3A_410 = arith.constant 1 : i32
      %sub3A_411 = vector.broadcast %sub3A_410 : i32 to vector<16xi32>
      %sub3A_412 = arith.subi %sub3A_411, %mul3A_408 : vector<16xi32>
      %mul3A_413 = arith.muli %add3A_37, %sub3A_412 : vector<16xi32>
      %add3A_414 = arith.addi %mul3A_409, %mul3A_413 : vector<16xi32>
      %swap3A_415 = arith.constant 64 : index
      %swap3A_416 = tpu.vector_load %arg13[%swap3A_415] {strides = array<i32>} : memref<80xi32, #tpu.memory_space<vmem>>, vector<16xi32>,
      %swap3A_417 = vector.shape_cast %swap3A_416 : vector<16xi32> to vector<16xi32>
      %swap3A_418 = vector.shape_cast %add3A_414 : vector<16xi32> to vector<16xi32>
      tpu.vector_store %arg13[%swap3A_415], %swap3A_418 {strides = array<i32>} : memref<80xi32, #tpu.memory_space<vmem>>, vector<16xi32>,
      %dma_start3A_419 = arith.constant 0 : i32
      %dma_start3A_420 = arith.constant 0 : i32
      %dma_start3A_421 = tpu.memref_slice %arg2[%dma_start3A_419, %dma_start3A_420] : memref<10000x128xf32, #tpu.memory_space<hbm>> -> memref<10000x128xf32, #tpu.memory_space<hbm>>
      tpu.enqueue_indirect_dma source(%dma_start3A_421 : memref<10000x128xf32, #tpu.memory_space<hbm>>) target(%arg17 : memref<80x128xf32, #tpu.memory_space<vmem>>) offsets(%arg11 : memref<80xi32, #tpu.memory_space<vmem>>) semaphore(%arg33 : memref<!tpu.dma_semaphore, #tpu.memory_space<semaphore_mem>>)
      %dma_start3A_422 = arith.constant 0 : i32
      %dma_start3A_423 = arith.constant 0 : i32
      %dma_start3A_424 = tpu.memref_slice %arg25[%dma_start3A_422, %dma_start3A_423] : memref<10000x16xf32, #tpu.memory_space<vmem_shared>> -> memref<10000x16xf32, #tpu.memory_space<vmem_shared>>
      tpu.enqueue_indirect_dma source(%dma_start3A_424 : memref<10000x16xf32, #tpu.memory_space<vmem_shared>>) target(%arg19 : memref<80x16xf32, #tpu.memory_space<vmem>>) offsets(%arg11 : memref<80xi32, #tpu.memory_space<vmem>>) semaphore(%arg34 : memref<!tpu.dma_semaphore, #tpu.memory_space<semaphore_mem>>)
      %dma_start3A_425 = arith.constant 0 : i32
      %dma_start3A_426 = arith.constant 0 : i32
      %dma_start3A_427 = tpu.memref_slice %arg25[%dma_start3A_425, %dma_start3A_426] : memref<10000x16xf32, #tpu.memory_space<vmem_shared>> -> memref<10000x16xf32, #tpu.memory_space<vmem_shared>>
      tpu.enqueue_indirect_dma source(%dma_start3A_427 : memref<10000x16xf32, #tpu.memory_space<vmem_shared>>) target(%arg21 : memref<80x16xf32, #tpu.memory_space<vmem>>) offsets(%arg15 : memref<80xi32, #tpu.memory_space<vmem>>) semaphore(%arg35 : memref<!tpu.dma_semaphore, #tpu.memory_space<semaphore_mem>>)
      %dma_wait3A_428 = arith.constant 0 : i32
      %dma_wait3A_429 = arith.constant 0 : i32
      %dma_wait3A_430 = tpu.memref_slice %arg2[%dma_wait3A_428, %dma_wait3A_429] : memref<10000x128xf32, #tpu.memory_space<hbm>> -> memref<80x128xf32, #tpu.memory_space<hbm>>
      %dma_wait3A_431 = arith.constant 0 : i32
      %dma_wait3A_432 = arith.constant 0 : i32
      %dma_wait3A_433 = tpu.memref_slice %arg2[%dma_wait3A_431, %dma_wait3A_432] : memref<10000x128xf32, #tpu.memory_space<hbm>> -> memref<80x128xf32, #tpu.memory_space<hbm>>
      tpu.wait_dma2 semaphore(%arg28 : memref<!tpu.dma_semaphore, #tpu.memory_space<semaphore_mem>>) src(%dma_wait3A_433 : memref<80x128xf32, #tpu.memory_space<hbm>>) dst(%arg16 : memref<80x128xf32, #tpu.memory_space<vmem>>)
      %dma_wait3A_434 = arith.constant 0 : i32
      %dma_wait3A_435 = arith.constant 0 : i32
      %dma_wait3A_436 = tpu.memref_slice %arg25[%dma_wait3A_434, %dma_wait3A_435] : memref<10000x16xf32, #tpu.memory_space<vmem_shared>> -> memref<80x16xf32, #tpu.memory_space<vmem_shared>>
      %dma_wait3A_437 = arith.constant 0 : i32
      %dma_wait3A_438 = arith.constant 0 : i32
      %dma_wait3A_439 = tpu.memref_slice %arg25[%dma_wait3A_437, %dma_wait3A_438] : memref<10000x16xf32, #tpu.memory_space<vmem_shared>> -> memref<80x16xf32, #tpu.memory_space<vmem_shared>>
      tpu.wait_dma2 semaphore(%arg29 : memref<!tpu.dma_semaphore, #tpu.memory_space<semaphore_mem>>) src(%dma_wait3A_439 : memref<80x16xf32, #tpu.memory_space<vmem_shared>>) dst(%arg18 : memref<80x16xf32, #tpu.memory_space<vmem>>)
      %dma_wait3A_440 = arith.constant 0 : i32
      %dma_wait3A_441 = arith.constant 0 : i32
      %dma_wait3A_442 = tpu.memref_slice %arg25[%dma_wait3A_440, %dma_wait3A_441] : memref<10000x16xf32, #tpu.memory_space<vmem_shared>> -> memref<80x16xf32, #tpu.memory_space<vmem_shared>>
      %dma_wait3A_443 = arith.constant 0 : i32
      %dma_wait3A_444 = arith.constant 0 : i32
      %dma_wait3A_445 = tpu.memref_slice %arg25[%dma_wait3A_443, %dma_wait3A_444] : memref<10000x16xf32, #tpu.memory_space<vmem_shared>> -> memref<80x16xf32, #tpu.memory_space<vmem_shared>>
      tpu.wait_dma2 semaphore(%arg30 : memref<!tpu.dma_semaphore, #tpu.memory_space<semaphore_mem>>) src(%dma_wait3A_445 : memref<80x16xf32, #tpu.memory_space<vmem_shared>>) dst(%arg20 : memref<80x16xf32, #tpu.memory_space<vmem>>)
      %add3A_446 = arith.constant 2 : i32
      %add3A_447 = arith.addi %mul3A_255, %add3A_446 : i32
      %min3A = arith.constant 249 : i32
      %min3A_448 = arith.minsi %add3A_447, %min3A : i32
      %mul3A_449 = arith.constant 80 : i32
      %mul3A_450 = arith.muli %min3A_448, %mul3A_449 : i32
      %add3A_451 = arith.addi %mul3A_13, %mul3A_450 : i32
      %dma_start3A_452 = tpu.memref_slice %arg4[%add3A_451] : memref<320000xi32, #tpu.memory_space<hbm>> -> memref<80xi32, #tpu.memory_space<hbm>>
      %dma_start3A_453 = tpu.memref_slice %arg4[%add3A_451] : memref<320000xi32, #tpu.memory_space<hbm>> -> memref<80xi32, #tpu.memory_space<hbm>>
      tpu.enqueue_dma source(%dma_start3A_453 : memref<80xi32, #tpu.memory_space<hbm>>) target(%arg10 : memref<80xi32, #tpu.memory_space<vmem>>) target_semaphore(%arg26 : memref<!tpu.dma_semaphore, #tpu.memory_space<semaphore_mem>>)
      %dma_start3A_454 = tpu.memref_slice %arg5[%add3A_451] : memref<320000xi32, #tpu.memory_space<hbm>> -> memref<80xi32, #tpu.memory_space<hbm>>
      %dma_start3A_455 = tpu.memref_slice %arg5[%add3A_451] : memref<320000xi32, #tpu.memory_space<hbm>> -> memref<80xi32, #tpu.memory_space<hbm>>
      tpu.enqueue_dma source(%dma_start3A_455 : memref<80xi32, #tpu.memory_space<hbm>>) target(%arg14 : memref<80xi32, #tpu.memory_space<vmem>>) target_semaphore(%arg27 : memref<!tpu.dma_semaphore, #tpu.memory_space<semaphore_mem>>)
      %scan3A_456 = arith.constant 0 : i32
      %scan3A_457 = arith.constant 0 : i32
      %scan3A_458 = arith.constant 80 : i32
      %scan3A_459 = arith.addi %scan3A_457, %scan3A_458 : i32
      %scan3A_460 = arith.constant 4 : i32
      scf.for %scan3A_693 = %scan3A_457 to %scan3A_459 step %scan3A_460  : i32 {
        %get3A_694 = arith.index_cast %scan3A_693 : i32 to index
        %get3A_695 = arith.constant 0 : index
        %get3A_696 = tpu.vector_load %arg18[%get3A_694, %get3A_695] {strides = array<i32>} : memref<80x16xf32, #tpu.memory_space<vmem>>, vector<1x16xf32>,
        %get3A_697 = vector.shape_cast %get3A_696 : vector<1x16xf32> to vector<16xf32>
        %get3A_698 = arith.index_cast %scan3A_693 : i32 to index
        %get3A_699 = arith.constant 0 : index
        %get3A_700 = tpu.vector_load %arg20[%get3A_698, %get3A_699] {strides = array<i32>} : memref<80x16xf32, #tpu.memory_space<vmem>>, vector<1x16xf32>,
        %get3A_701 = vector.shape_cast %get3A_700 : vector<1x16xf32> to vector<16xf32>
        %reshape3A = vector.shape_cast %select_n3A_31 : vector<16xi32> to vector<16x1xi32>
        %gather3A = vector.shape_cast %reshape3A : vector<16x1xi32> to vector<16xi32>
        %gather3A_702 = tpu.dynamic_gather %get3A_701[%gather3A] in [0] : vector<16xf32>, vector<16xi32> -> vector<16xf32>
        %add3A_703 = arith.addf %get3A_697, %gather3A_702 : vector<16xf32>
        %mul3A_704 = arith.constant 2.000000e-01 : f32
        %mul3A_705 = vector.broadcast %mul3A_704 : f32 to vector<16xf32>
        %mul3A_706 = arith.mulf %mul3A_705, %add3A_703 : vector<16xf32>
        %max3A = arith.maximumf %add3A_703, %mul3A_706 : vector<16xf32>
        %exp3A = math.exp %max3A : vector<16xf32>
        %swap3A_707 = arith.index_cast %scan3A_693 : i32 to index
        %swap3A_708 = arith.constant 0 : index
        %swap3A_709 = tpu.vector_load %arg22[%swap3A_707, %swap3A_708] {strides = array<i32>} : memref<80x16xf32, #tpu.memory_space<vmem>>, vector<1x16xf32>,
        %swap3A_710 = vector.shape_cast %swap3A_709 : vector<1x16xf32> to vector<16xf32>
        %swap3A_711 = vector.shape_cast %exp3A : vector<16xf32> to vector<1x16xf32>
        tpu.vector_store %arg22[%swap3A_707, %swap3A_708], %swap3A_711 {strides = array<i32>} : memref<80x16xf32, #tpu.memory_space<vmem>>, vector<1x16xf32>,
        %scan3A_712 = arith.constant 1 : i32
        %scan3A_713 = arith.addi %scan3A_693, %scan3A_712 : i32
        %get3A_714 = arith.index_cast %scan3A_713 : i32 to index
        %get3A_715 = arith.constant 0 : index
        %get3A_716 = tpu.vector_load %arg18[%get3A_714, %get3A_715] {strides = array<i32>} : memref<80x16xf32, #tpu.memory_space<vmem>>, vector<1x16xf32>,
        %get3A_717 = vector.shape_cast %get3A_716 : vector<1x16xf32> to vector<16xf32>
        %get3A_718 = arith.index_cast %scan3A_713 : i32 to index
        %get3A_719 = arith.constant 0 : index
        %get3A_720 = tpu.vector_load %arg20[%get3A_718, %get3A_719] {strides = array<i32>} : memref<80x16xf32, #tpu.memory_space<vmem>>, vector<1x16xf32>,
        %get3A_721 = vector.shape_cast %get3A_720 : vector<1x16xf32> to vector<16xf32>
        %reshape3A_722 = vector.shape_cast %select_n3A_31 : vector<16xi32> to vector<16x1xi32>
        %gather3A_723 = vector.shape_cast %reshape3A_722 : vector<16x1xi32> to vector<16xi32>
        %gather3A_724 = tpu.dynamic_gather %get3A_721[%gather3A_723] in [0] : vector<16xf32>, vector<16xi32> -> vector<16xf32>
        %add3A_725 = arith.addf %get3A_717, %gather3A_724 : vector<16xf32>
        %mul3A_726 = arith.constant 2.000000e-01 : f32
        %mul3A_727 = vector.broadcast %mul3A_726 : f32 to vector<16xf32>
        %mul3A_728 = arith.mulf %mul3A_727, %add3A_725 : vector<16xf32>
        %max3A_729 = arith.maximumf %add3A_725, %mul3A_728 : vector<16xf32>
        %exp3A_730 = math.exp %max3A_729 : vector<16xf32>
        %swap3A_731 = arith.index_cast %scan3A_713 : i32 to index
        %swap3A_732 = arith.constant 0 : index
        %swap3A_733 = tpu.vector_load %arg22[%swap3A_731, %swap3A_732] {strides = array<i32>} : memref<80x16xf32, #tpu.memory_space<vmem>>, vector<1x16xf32>,
        %swap3A_734 = vector.shape_cast %swap3A_733 : vector<1x16xf32> to vector<16xf32>
        %swap3A_735 = vector.shape_cast %exp3A_730 : vector<16xf32> to vector<1x16xf32>
        tpu.vector_store %arg22[%swap3A_731, %swap3A_732], %swap3A_735 {strides = array<i32>} : memref<80x16xf32, #tpu.memory_space<vmem>>, vector<1x16xf32>,
        %scan3A_736 = arith.constant 2 : i32
        %scan3A_737 = arith.addi %scan3A_693, %scan3A_736 : i32
        %get3A_738 = arith.index_cast %scan3A_737 : i32 to index
        %get3A_739 = arith.constant 0 : index
        %get3A_740 = tpu.vector_load %arg18[%get3A_738, %get3A_739] {strides = array<i32>} : memref<80x16xf32, #tpu.memory_space<vmem>>, vector<1x16xf32>,
        %get3A_741 = vector.shape_cast %get3A_740 : vector<1x16xf32> to vector<16xf32>
        %get3A_742 = arith.index_cast %scan3A_737 : i32 to index
        %get3A_743 = arith.constant 0 : index
        %get3A_744 = tpu.vector_load %arg20[%get3A_742, %get3A_743] {strides = array<i32>} : memref<80x16xf32, #tpu.memory_space<vmem>>, vector<1x16xf32>,
        %get3A_745 = vector.shape_cast %get3A_744 : vector<1x16xf32> to vector<16xf32>
        %reshape3A_746 = vector.shape_cast %select_n3A_31 : vector<16xi32> to vector<16x1xi32>
        %gather3A_747 = vector.shape_cast %reshape3A_746 : vector<16x1xi32> to vector<16xi32>
        %gather3A_748 = tpu.dynamic_gather %get3A_745[%gather3A_747] in [0] : vector<16xf32>, vector<16xi32> -> vector<16xf32>
        %add3A_749 = arith.addf %get3A_741, %gather3A_748 : vector<16xf32>
        %mul3A_750 = arith.constant 2.000000e-01 : f32
        %mul3A_751 = vector.broadcast %mul3A_750 : f32 to vector<16xf32>
        %mul3A_752 = arith.mulf %mul3A_751, %add3A_749 : vector<16xf32>
        %max3A_753 = arith.maximumf %add3A_749, %mul3A_752 : vector<16xf32>
        %exp3A_754 = math.exp %max3A_753 : vector<16xf32>
        %swap3A_755 = arith.index_cast %scan3A_737 : i32 to index
        %swap3A_756 = arith.constant 0 : index
        %swap3A_757 = tpu.vector_load %arg22[%swap3A_755, %swap3A_756] {strides = array<i32>} : memref<80x16xf32, #tpu.memory_space<vmem>>, vector<1x16xf32>,
        %swap3A_758 = vector.shape_cast %swap3A_757 : vector<1x16xf32> to vector<16xf32>
        %swap3A_759 = vector.shape_cast %exp3A_754 : vector<16xf32> to vector<1x16xf32>
        tpu.vector_store %arg22[%swap3A_755, %swap3A_756], %swap3A_759 {strides = array<i32>} : memref<80x16xf32, #tpu.memory_space<vmem>>, vector<1x16xf32>,
        %scan3A_760 = arith.constant 3 : i32
        %scan3A_761 = arith.addi %scan3A_693, %scan3A_760 : i32
        %get3A_762 = arith.index_cast %scan3A_761 : i32 to index
        %get3A_763 = arith.constant 0 : index
        %get3A_764 = tpu.vector_load %arg18[%get3A_762, %get3A_763] {strides = array<i32>} : memref<80x16xf32, #tpu.memory_space<vmem>>, vector<1x16xf32>,
        %get3A_765 = vector.shape_cast %get3A_764 : vector<1x16xf32> to vector<16xf32>
        %get3A_766 = arith.index_cast %scan3A_761 : i32 to index
        %get3A_767 = arith.constant 0 : index
        %get3A_768 = tpu.vector_load %arg20[%get3A_766, %get3A_767] {strides = array<i32>} : memref<80x16xf32, #tpu.memory_space<vmem>>, vector<1x16xf32>,
        %get3A_769 = vector.shape_cast %get3A_768 : vector<1x16xf32> to vector<16xf32>
        %reshape3A_770 = vector.shape_cast %select_n3A_31 : vector<16xi32> to vector<16x1xi32>
        %gather3A_771 = vector.shape_cast %reshape3A_770 : vector<16x1xi32> to vector<16xi32>
        %gather3A_772 = tpu.dynamic_gather %get3A_769[%gather3A_771] in [0] : vector<16xf32>, vector<16xi32> -> vector<16xf32>
        %add3A_773 = arith.addf %get3A_765, %gather3A_772 : vector<16xf32>
        %mul3A_774 = arith.constant 2.000000e-01 : f32
        %mul3A_775 = vector.broadcast %mul3A_774 : f32 to vector<16xf32>
        %mul3A_776 = arith.mulf %mul3A_775, %add3A_773 : vector<16xf32>
        %max3A_777 = arith.maximumf %add3A_773, %mul3A_776 : vector<16xf32>
        %exp3A_778 = math.exp %max3A_777 : vector<16xf32>
        %swap3A_779 = arith.index_cast %scan3A_761 : i32 to index
        %swap3A_780 = arith.constant 0 : index
        %swap3A_781 = tpu.vector_load %arg22[%swap3A_779, %swap3A_780] {strides = array<i32>} : memref<80x16xf32, #tpu.memory_space<vmem>>, vector<1x16xf32>,
        %swap3A_782 = vector.shape_cast %swap3A_781 : vector<1x16xf32> to vector<16xf32>
        %swap3A_783 = vector.shape_cast %exp3A_778 : vector<16xf32> to vector<1x16xf32>
        tpu.vector_store %arg22[%swap3A_779, %swap3A_780], %swap3A_783 {strides = array<i32>} : memref<80x16xf32, #tpu.memory_space<vmem>>, vector<1x16xf32>,
      }
      %scan3A_461 = arith.constant 80 : i32
      %dma_start3A_462 = arith.constant 0 : i32
      %dma_start3A_463 = arith.constant 0 : i32
      %dma_start3A_464 = tpu.memref_slice %arg24[%dma_start3A_462, %dma_start3A_463] : memref<5008x16xf32, #tpu.memory_space<vmem_shared>> -> memref<5008x16xf32, #tpu.memory_space<vmem_shared>>
      tpu.enqueue_indirect_dma source(%arg22 : memref<80x16xf32, #tpu.memory_space<vmem>>) target(%dma_start3A_464 : memref<5008x16xf32, #tpu.memory_space<vmem_shared>>) offsets(%arg12 : memref<80xi32, #tpu.memory_space<vmem>>) semaphore(%arg36 : memref<!tpu.dma_semaphore, #tpu.memory_space<semaphore_mem>>) {add = true}
      %scan3A_465 = arith.constant 0 : i32
      %scan3A_466 = arith.constant 0 : i32
      %scan3A_467 = arith.constant 80 : i32
      %scan3A_468 = arith.addi %scan3A_466, %scan3A_467 : i32
      %scan3A_469 = arith.constant 2 : i32
      scf.for %scan3A_693 = %scan3A_466 to %scan3A_468 step %scan3A_469  : i32 {
        %get3A_694 = arith.index_cast %scan3A_693 : i32 to index
        %get3A_695 = arith.constant 0 : index
        %get3A_696 = tpu.vector_load %arg22[%get3A_694, %get3A_695] {strides = array<i32>} : memref<80x16xf32, #tpu.memory_space<vmem>>, vector<1x16xf32>,
        %get3A_697 = vector.shape_cast %get3A_696 : vector<1x16xf32> to vector<16xf32>
        %get3A_698 = arith.index_cast %scan3A_693 : i32 to index
        %get3A_699 = arith.constant 0 : index
        %get3A_700 = tpu.vector_load %arg16[%get3A_698, %get3A_699] {strides = array<i32>} : memref<80x128xf32, #tpu.memory_space<vmem>>, vector<1x16xf32>,
        %get3A_701 = vector.shape_cast %get3A_700 : vector<1x16xf32> to vector<16xf32>
        %slice3A = vector.extract_strided_slice %get3A_697 {offsets = [0], sizes = [1], strides = [1]} : vector<16xf32> to vector<1xf32>
        %squeeze3A = vector.extract %slice3A[0] : f32 from vector<1xf32>
        %mul3A_702 = vector.broadcast %squeeze3A : f32 to vector<16xf32>
        %mul3A_703 = arith.mulf %get3A_701, %mul3A_702 : vector<16xf32>
        %swap3A_704 = arith.index_cast %scan3A_693 : i32 to index
        %swap3A_705 = arith.constant 0 : index
        %swap3A_706 = tpu.vector_load %arg16[%swap3A_704, %swap3A_705] {strides = array<i32>} : memref<80x128xf32, #tpu.memory_space<vmem>>, vector<1x16xf32>,
        %swap3A_707 = vector.shape_cast %swap3A_706 : vector<1x16xf32> to vector<16xf32>
        %swap3A_708 = vector.shape_cast %mul3A_703 : vector<16xf32> to vector<1x16xf32>
        tpu.vector_store %arg16[%swap3A_704, %swap3A_705], %swap3A_708 {strides = array<i32>} : memref<80x128xf32, #tpu.memory_space<vmem>>, vector<1x16xf32>,
        %get3A_709 = arith.index_cast %scan3A_693 : i32 to index
        %get3A_710 = arith.constant 16 : index
        %get3A_711 = tpu.vector_load %arg16[%get3A_709, %get3A_710] {strides = array<i32>} : memref<80x128xf32, #tpu.memory_space<vmem>>, vector<1x16xf32>,
        %get3A_712 = vector.shape_cast %get3A_711 : vector<1x16xf32> to vector<16xf32>
        %slice3A_713 = vector.extract_strided_slice %get3A_697 {offsets = [1], sizes = [1], strides = [1]} : vector<16xf32> to vector<1xf32>
        %squeeze3A_714 = vector.extract %slice3A_713[0] : f32 from vector<1xf32>
        %mul3A_715 = vector.broadcast %squeeze3A_714 : f32 to vector<16xf32>
        %mul3A_716 = arith.mulf %get3A_712, %mul3A_715 : vector<16xf32>
        %swap3A_717 = arith.index_cast %scan3A_693 : i32 to index
        %swap3A_718 = arith.constant 16 : index
        %swap3A_719 = tpu.vector_load %arg16[%swap3A_717, %swap3A_718] {strides = array<i32>} : memref<80x128xf32, #tpu.memory_space<vmem>>, vector<1x16xf32>,
        %swap3A_720 = vector.shape_cast %swap3A_719 : vector<1x16xf32> to vector<16xf32>
        %swap3A_721 = vector.shape_cast %mul3A_716 : vector<16xf32> to vector<1x16xf32>
        tpu.vector_store %arg16[%swap3A_717, %swap3A_718], %swap3A_721 {strides = array<i32>} : memref<80x128xf32, #tpu.memory_space<vmem>>, vector<1x16xf32>,
        %get3A_722 = arith.index_cast %scan3A_693 : i32 to index
        %get3A_723 = arith.constant 32 : index
        %get3A_724 = tpu.vector_load %arg16[%get3A_722, %get3A_723] {strides = array<i32>} : memref<80x128xf32, #tpu.memory_space<vmem>>, vector<1x16xf32>,
        %get3A_725 = vector.shape_cast %get3A_724 : vector<1x16xf32> to vector<16xf32>
        %slice3A_726 = vector.extract_strided_slice %get3A_697 {offsets = [2], sizes = [1], strides = [1]} : vector<16xf32> to vector<1xf32>
        %squeeze3A_727 = vector.extract %slice3A_726[0] : f32 from vector<1xf32>
        %mul3A_728 = vector.broadcast %squeeze3A_727 : f32 to vector<16xf32>
        %mul3A_729 = arith.mulf %get3A_725, %mul3A_728 : vector<16xf32>
        %swap3A_730 = arith.index_cast %scan3A_693 : i32 to index
        %swap3A_731 = arith.constant 32 : index
        %swap3A_732 = tpu.vector_load %arg16[%swap3A_730, %swap3A_731] {strides = array<i32>} : memref<80x128xf32, #tpu.memory_space<vmem>>, vector<1x16xf32>,
        %swap3A_733 = vector.shape_cast %swap3A_732 : vector<1x16xf32> to vector<16xf32>
        %swap3A_734 = vector.shape_cast %mul3A_729 : vector<16xf32> to vector<1x16xf32>
        tpu.vector_store %arg16[%swap3A_730, %swap3A_731], %swap3A_734 {strides = array<i32>} : memref<80x128xf32, #tpu.memory_space<vmem>>, vector<1x16xf32>,
        %get3A_735 = arith.index_cast %scan3A_693 : i32 to index
        %get3A_736 = arith.constant 48 : index
        %get3A_737 = tpu.vector_load %arg16[%get3A_735, %get3A_736] {strides = array<i32>} : memref<80x128xf32, #tpu.memory_space<vmem>>, vector<1x16xf32>,
        %get3A_738 = vector.shape_cast %get3A_737 : vector<1x16xf32> to vector<16xf32>
        %slice3A_739 = vector.extract_strided_slice %get3A_697 {offsets = [3], sizes = [1], strides = [1]} : vector<16xf32> to vector<1xf32>
        %squeeze3A_740 = vector.extract %slice3A_739[0] : f32 from vector<1xf32>
        %mul3A_741 = vector.broadcast %squeeze3A_740 : f32 to vector<16xf32>
        %mul3A_742 = arith.mulf %get3A_738, %mul3A_741 : vector<16xf32>
        %swap3A_743 = arith.index_cast %scan3A_693 : i32 to index
        %swap3A_744 = arith.constant 48 : index
        %swap3A_745 = tpu.vector_load %arg16[%swap3A_743, %swap3A_744] {strides = array<i32>} : memref<80x128xf32, #tpu.memory_space<vmem>>, vector<1x16xf32>,
        %swap3A_746 = vector.shape_cast %swap3A_745 : vector<1x16xf32> to vector<16xf32>
        %swap3A_747 = vector.shape_cast %mul3A_742 : vector<16xf32> to vector<1x16xf32>
        tpu.vector_store %arg16[%swap3A_743, %swap3A_744], %swap3A_747 {strides = array<i32>} : memref<80x128xf32, #tpu.memory_space<vmem>>, vector<1x16xf32>,
        %get3A_748 = arith.index_cast %scan3A_693 : i32 to index
        %get3A_749 = arith.constant 64 : index
        %get3A_750 = tpu.vector_load %arg16[%get3A_748, %get3A_749] {strides = array<i32>} : memref<80x128xf32, #tpu.memory_space<vmem>>, vector<1x16xf32>,
        %get3A_751 = vector.shape_cast %get3A_750 : vector<1x16xf32> to vector<16xf32>
        %slice3A_752 = vector.extract_strided_slice %get3A_697 {offsets = [4], sizes = [1], strides = [1]} : vector<16xf32> to vector<1xf32>
        %squeeze3A_753 = vector.extract %slice3A_752[0] : f32 from vector<1xf32>
        %mul3A_754 = vector.broadcast %squeeze3A_753 : f32 to vector<16xf32>
        %mul3A_755 = arith.mulf %get3A_751, %mul3A_754 : vector<16xf32>
        %swap3A_756 = arith.index_cast %scan3A_693 : i32 to index
        %swap3A_757 = arith.constant 64 : index
        %swap3A_758 = tpu.vector_load %arg16[%swap3A_756, %swap3A_757] {strides = array<i32>} : memref<80x128xf32, #tpu.memory_space<vmem>>, vector<1x16xf32>,
        %swap3A_759 = vector.shape_cast %swap3A_758 : vector<1x16xf32> to vector<16xf32>
        %swap3A_760 = vector.shape_cast %mul3A_755 : vector<16xf32> to vector<1x16xf32>
        tpu.vector_store %arg16[%swap3A_756, %swap3A_757], %swap3A_760 {strides = array<i32>} : memref<80x128xf32, #tpu.memory_space<vmem>>, vector<1x16xf32>,
        %get3A_761 = arith.index_cast %scan3A_693 : i32 to index
        %get3A_762 = arith.constant 80 : index
        %get3A_763 = tpu.vector_load %arg16[%get3A_761, %get3A_762] {strides = array<i32>} : memref<80x128xf32, #tpu.memory_space<vmem>>, vector<1x16xf32>,
        %get3A_764 = vector.shape_cast %get3A_763 : vector<1x16xf32> to vector<16xf32>
        %slice3A_765 = vector.extract_strided_slice %get3A_697 {offsets = [5], sizes = [1], strides = [1]} : vector<16xf32> to vector<1xf32>
        %squeeze3A_766 = vector.extract %slice3A_765[0] : f32 from vector<1xf32>
        %mul3A_767 = vector.broadcast %squeeze3A_766 : f32 to vector<16xf32>
        %mul3A_768 = arith.mulf %get3A_764, %mul3A_767 : vector<16xf32>
        %swap3A_769 = arith.index_cast %scan3A_693 : i32 to index
        %swap3A_770 = arith.constant 80 : index
        %swap3A_771 = tpu.vector_load %arg16[%swap3A_769, %swap3A_770] {strides = array<i32>} : memref<80x128xf32, #tpu.memory_space<vmem>>, vector<1x16xf32>,
        %swap3A_772 = vector.shape_cast %swap3A_771 : vector<1x16xf32> to vector<16xf32>
        %swap3A_773 = vector.shape_cast %mul3A_768 : vector<16xf32> to vector<1x16xf32>
        tpu.vector_store %arg16[%swap3A_769, %swap3A_770], %swap3A_773 {strides = array<i32>} : memref<80x128xf32, #tpu.memory_space<vmem>>, vector<1x16xf32>,
        %get3A_774 = arith.index_cast %scan3A_693 : i32 to index
        %get3A_775 = arith.constant 96 : index
        %get3A_776 = tpu.vector_load %arg16[%get3A_774, %get3A_775] {strides = array<i32>} : memref<80x128xf32, #tpu.memory_space<vmem>>, vector<1x16xf32>,
        %get3A_777 = vector.shape_cast %get3A_776 : vector<1x16xf32> to vector<16xf32>
        %slice3A_778 = vector.extract_strided_slice %get3A_697 {offsets = [6], sizes = [1], strides = [1]} : vector<16xf32> to vector<1xf32>
        %squeeze3A_779 = vector.extract %slice3A_778[0] : f32 from vector<1xf32>
        %mul3A_780 = vector.broadcast %squeeze3A_779 : f32 to vector<16xf32>
        %mul3A_781 = arith.mulf %get3A_777, %mul3A_780 : vector<16xf32>
        %swap3A_782 = arith.index_cast %scan3A_693 : i32 to index
        %swap3A_783 = arith.constant 96 : index
        %swap3A_784 = tpu.vector_load %arg16[%swap3A_782, %swap3A_783] {strides = array<i32>} : memref<80x128xf32, #tpu.memory_space<vmem>>, vector<1x16xf32>,
        %swap3A_785 = vector.shape_cast %swap3A_784 : vector<1x16xf32> to vector<16xf32>
        %swap3A_786 = vector.shape_cast %mul3A_781 : vector<16xf32> to vector<1x16xf32>
        tpu.vector_store %arg16[%swap3A_782, %swap3A_783], %swap3A_786 {strides = array<i32>} : memref<80x128xf32, #tpu.memory_space<vmem>>, vector<1x16xf32>,
        %get3A_787 = arith.index_cast %scan3A_693 : i32 to index
        %get3A_788 = arith.constant 112 : index
        %get3A_789 = tpu.vector_load %arg16[%get3A_787, %get3A_788] {strides = array<i32>} : memref<80x128xf32, #tpu.memory_space<vmem>>, vector<1x16xf32>,
        %get3A_790 = vector.shape_cast %get3A_789 : vector<1x16xf32> to vector<16xf32>
        %slice3A_791 = vector.extract_strided_slice %get3A_697 {offsets = [7], sizes = [1], strides = [1]} : vector<16xf32> to vector<1xf32>
        %squeeze3A_792 = vector.extract %slice3A_791[0] : f32 from vector<1xf32>
        %mul3A_793 = vector.broadcast %squeeze3A_792 : f32 to vector<16xf32>
        %mul3A_794 = arith.mulf %get3A_790, %mul3A_793 : vector<16xf32>
        %swap3A_795 = arith.index_cast %scan3A_693 : i32 to index
        %swap3A_796 = arith.constant 112 : index
        %swap3A_797 = tpu.vector_load %arg16[%swap3A_795, %swap3A_796] {strides = array<i32>} : memref<80x128xf32, #tpu.memory_space<vmem>>, vector<1x16xf32>,
        %swap3A_798 = vector.shape_cast %swap3A_797 : vector<1x16xf32> to vector<16xf32>
        %swap3A_799 = vector.shape_cast %mul3A_794 : vector<16xf32> to vector<1x16xf32>
        tpu.vector_store %arg16[%swap3A_795, %swap3A_796], %swap3A_799 {strides = array<i32>} : memref<80x128xf32, #tpu.memory_space<vmem>>, vector<1x16xf32>,
        %scan3A_800 = arith.constant 1 : i32
        %scan3A_801 = arith.addi %scan3A_693, %scan3A_800 : i32
        %get3A_802 = arith.index_cast %scan3A_801 : i32 to index
        %get3A_803 = arith.constant 0 : index
        %get3A_804 = tpu.vector_load %arg22[%get3A_802, %get3A_803] {strides = array<i32>} : memref<80x16xf32, #tpu.memory_space<vmem>>, vector<1x16xf32>,
        %get3A_805 = vector.shape_cast %get3A_804 : vector<1x16xf32> to vector<16xf32>
        %get3A_806 = arith.index_cast %scan3A_801 : i32 to index
        %get3A_807 = arith.constant 0 : index
        %get3A_808 = tpu.vector_load %arg16[%get3A_806, %get3A_807] {strides = array<i32>} : memref<80x128xf32, #tpu.memory_space<vmem>>, vector<1x16xf32>,
        %get3A_809 = vector.shape_cast %get3A_808 : vector<1x16xf32> to vector<16xf32>
        %slice3A_810 = vector.extract_strided_slice %get3A_805 {offsets = [0], sizes = [1], strides = [1]} : vector<16xf32> to vector<1xf32>
        %squeeze3A_811 = vector.extract %slice3A_810[0] : f32 from vector<1xf32>
        %mul3A_812 = vector.broadcast %squeeze3A_811 : f32 to vector<16xf32>
        %mul3A_813 = arith.mulf %get3A_809, %mul3A_812 : vector<16xf32>
        %swap3A_814 = arith.index_cast %scan3A_801 : i32 to index
        %swap3A_815 = arith.constant 0 : index
        %swap3A_816 = tpu.vector_load %arg16[%swap3A_814, %swap3A_815] {strides = array<i32>} : memref<80x128xf32, #tpu.memory_space<vmem>>, vector<1x16xf32>,
        %swap3A_817 = vector.shape_cast %swap3A_816 : vector<1x16xf32> to vector<16xf32>
        %swap3A_818 = vector.shape_cast %mul3A_813 : vector<16xf32> to vector<1x16xf32>
        tpu.vector_store %arg16[%swap3A_814, %swap3A_815], %swap3A_818 {strides = array<i32>} : memref<80x128xf32, #tpu.memory_space<vmem>>, vector<1x16xf32>,
        %get3A_819 = arith.index_cast %scan3A_801 : i32 to index
        %get3A_820 = arith.constant 16 : index
        %get3A_821 = tpu.vector_load %arg16[%get3A_819, %get3A_820] {strides = array<i32>} : memref<80x128xf32, #tpu.memory_space<vmem>>, vector<1x16xf32>,
        %get3A_822 = vector.shape_cast %get3A_821 : vector<1x16xf32> to vector<16xf32>
        %slice3A_823 = vector.extract_strided_slice %get3A_805 {offsets = [1], sizes = [1], strides = [1]} : vector<16xf32> to vector<1xf32>
        %squeeze3A_824 = vector.extract %slice3A_823[0] : f32 from vector<1xf32>
        %mul3A_825 = vector.broadcast %squeeze3A_824 : f32 to vector<16xf32>
        %mul3A_826 = arith.mulf %get3A_822, %mul3A_825 : vector<16xf32>
        %swap3A_827 = arith.index_cast %scan3A_801 : i32 to index
        %swap3A_828 = arith.constant 16 : index
        %swap3A_829 = tpu.vector_load %arg16[%swap3A_827, %swap3A_828] {strides = array<i32>} : memref<80x128xf32, #tpu.memory_space<vmem>>, vector<1x16xf32>,
        %swap3A_830 = vector.shape_cast %swap3A_829 : vector<1x16xf32> to vector<16xf32>
        %swap3A_831 = vector.shape_cast %mul3A_826 : vector<16xf32> to vector<1x16xf32>
        tpu.vector_store %arg16[%swap3A_827, %swap3A_828], %swap3A_831 {strides = array<i32>} : memref<80x128xf32, #tpu.memory_space<vmem>>, vector<1x16xf32>,
        %get3A_832 = arith.index_cast %scan3A_801 : i32 to index
        %get3A_833 = arith.constant 32 : index
        %get3A_834 = tpu.vector_load %arg16[%get3A_832, %get3A_833] {strides = array<i32>} : memref<80x128xf32, #tpu.memory_space<vmem>>, vector<1x16xf32>,
        %get3A_835 = vector.shape_cast %get3A_834 : vector<1x16xf32> to vector<16xf32>
        %slice3A_836 = vector.extract_strided_slice %get3A_805 {offsets = [2], sizes = [1], strides = [1]} : vector<16xf32> to vector<1xf32>
        %squeeze3A_837 = vector.extract %slice3A_836[0] : f32 from vector<1xf32>
        %mul3A_838 = vector.broadcast %squeeze3A_837 : f32 to vector<16xf32>
        %mul3A_839 = arith.mulf %get3A_835, %mul3A_838 : vector<16xf32>
        %swap3A_840 = arith.index_cast %scan3A_801 : i32 to index
        %swap3A_841 = arith.constant 32 : index
        %swap3A_842 = tpu.vector_load %arg16[%swap3A_840, %swap3A_841] {strides = array<i32>} : memref<80x128xf32, #tpu.memory_space<vmem>>, vector<1x16xf32>,
        %swap3A_843 = vector.shape_cast %swap3A_842 : vector<1x16xf32> to vector<16xf32>
        %swap3A_844 = vector.shape_cast %mul3A_839 : vector<16xf32> to vector<1x16xf32>
        tpu.vector_store %arg16[%swap3A_840, %swap3A_841], %swap3A_844 {strides = array<i32>} : memref<80x128xf32, #tpu.memory_space<vmem>>, vector<1x16xf32>,
        %get3A_845 = arith.index_cast %scan3A_801 : i32 to index
        %get3A_846 = arith.constant 48 : index
        %get3A_847 = tpu.vector_load %arg16[%get3A_845, %get3A_846] {strides = array<i32>} : memref<80x128xf32, #tpu.memory_space<vmem>>, vector<1x16xf32>,
        %get3A_848 = vector.shape_cast %get3A_847 : vector<1x16xf32> to vector<16xf32>
        %slice3A_849 = vector.extract_strided_slice %get3A_805 {offsets = [3], sizes = [1], strides = [1]} : vector<16xf32> to vector<1xf32>
        %squeeze3A_850 = vector.extract %slice3A_849[0] : f32 from vector<1xf32>
        %mul3A_851 = vector.broadcast %squeeze3A_850 : f32 to vector<16xf32>
        %mul3A_852 = arith.mulf %get3A_848, %mul3A_851 : vector<16xf32>
        %swap3A_853 = arith.index_cast %scan3A_801 : i32 to index
        %swap3A_854 = arith.constant 48 : index
        %swap3A_855 = tpu.vector_load %arg16[%swap3A_853, %swap3A_854] {strides = array<i32>} : memref<80x128xf32, #tpu.memory_space<vmem>>, vector<1x16xf32>,
        %swap3A_856 = vector.shape_cast %swap3A_855 : vector<1x16xf32> to vector<16xf32>
        %swap3A_857 = vector.shape_cast %mul3A_852 : vector<16xf32> to vector<1x16xf32>
        tpu.vector_store %arg16[%swap3A_853, %swap3A_854], %swap3A_857 {strides = array<i32>} : memref<80x128xf32, #tpu.memory_space<vmem>>, vector<1x16xf32>,
        %get3A_858 = arith.index_cast %scan3A_801 : i32 to index
        %get3A_859 = arith.constant 64 : index
        %get3A_860 = tpu.vector_load %arg16[%get3A_858, %get3A_859] {strides = array<i32>} : memref<80x128xf32, #tpu.memory_space<vmem>>, vector<1x16xf32>,
        %get3A_861 = vector.shape_cast %get3A_860 : vector<1x16xf32> to vector<16xf32>
        %slice3A_862 = vector.extract_strided_slice %get3A_805 {offsets = [4], sizes = [1], strides = [1]} : vector<16xf32> to vector<1xf32>
        %squeeze3A_863 = vector.extract %slice3A_862[0] : f32 from vector<1xf32>
        %mul3A_864 = vector.broadcast %squeeze3A_863 : f32 to vector<16xf32>
        %mul3A_865 = arith.mulf %get3A_861, %mul3A_864 : vector<16xf32>
        %swap3A_866 = arith.index_cast %scan3A_801 : i32 to index
        %swap3A_867 = arith.constant 64 : index
        %swap3A_868 = tpu.vector_load %arg16[%swap3A_866, %swap3A_867] {strides = array<i32>} : memref<80x128xf32, #tpu.memory_space<vmem>>, vector<1x16xf32>,
        %swap3A_869 = vector.shape_cast %swap3A_868 : vector<1x16xf32> to vector<16xf32>
        %swap3A_870 = vector.shape_cast %mul3A_865 : vector<16xf32> to vector<1x16xf32>
        tpu.vector_store %arg16[%swap3A_866, %swap3A_867], %swap3A_870 {strides = array<i32>} : memref<80x128xf32, #tpu.memory_space<vmem>>, vector<1x16xf32>,
        %get3A_871 = arith.index_cast %scan3A_801 : i32 to index
        %get3A_872 = arith.constant 80 : index
        %get3A_873 = tpu.vector_load %arg16[%get3A_871, %get3A_872] {strides = array<i32>} : memref<80x128xf32, #tpu.memory_space<vmem>>, vector<1x16xf32>,
        %get3A_874 = vector.shape_cast %get3A_873 : vector<1x16xf32> to vector<16xf32>
        %slice3A_875 = vector.extract_strided_slice %get3A_805 {offsets = [5], sizes = [1], strides = [1]} : vector<16xf32> to vector<1xf32>
        %squeeze3A_876 = vector.extract %slice3A_875[0] : f32 from vector<1xf32>
        %mul3A_877 = vector.broadcast %squeeze3A_876 : f32 to vector<16xf32>
        %mul3A_878 = arith.mulf %get3A_874, %mul3A_877 : vector<16xf32>
        %swap3A_879 = arith.index_cast %scan3A_801 : i32 to index
        %swap3A_880 = arith.constant 80 : index
        %swap3A_881 = tpu.vector_load %arg16[%swap3A_879, %swap3A_880] {strides = array<i32>} : memref<80x128xf32, #tpu.memory_space<vmem>>, vector<1x16xf32>,
        %swap3A_882 = vector.shape_cast %swap3A_881 : vector<1x16xf32> to vector<16xf32>
        %swap3A_883 = vector.shape_cast %mul3A_878 : vector<16xf32> to vector<1x16xf32>
        tpu.vector_store %arg16[%swap3A_879, %swap3A_880], %swap3A_883 {strides = array<i32>} : memref<80x128xf32, #tpu.memory_space<vmem>>, vector<1x16xf32>,
        %get3A_884 = arith.index_cast %scan3A_801 : i32 to index
        %get3A_885 = arith.constant 96 : index
        %get3A_886 = tpu.vector_load %arg16[%get3A_884, %get3A_885] {strides = array<i32>} : memref<80x128xf32, #tpu.memory_space<vmem>>, vector<1x16xf32>,
        %get3A_887 = vector.shape_cast %get3A_886 : vector<1x16xf32> to vector<16xf32>
        %slice3A_888 = vector.extract_strided_slice %get3A_805 {offsets = [6], sizes = [1], strides = [1]} : vector<16xf32> to vector<1xf32>
        %squeeze3A_889 = vector.extract %slice3A_888[0] : f32 from vector<1xf32>
        %mul3A_890 = vector.broadcast %squeeze3A_889 : f32 to vector<16xf32>
        %mul3A_891 = arith.mulf %get3A_887, %mul3A_890 : vector<16xf32>
        %swap3A_892 = arith.index_cast %scan3A_801 : i32 to index
        %swap3A_893 = arith.constant 96 : index
        %swap3A_894 = tpu.vector_load %arg16[%swap3A_892, %swap3A_893] {strides = array<i32>} : memref<80x128xf32, #tpu.memory_space<vmem>>, vector<1x16xf32>,
        %swap3A_895 = vector.shape_cast %swap3A_894 : vector<1x16xf32> to vector<16xf32>
        %swap3A_896 = vector.shape_cast %mul3A_891 : vector<16xf32> to vector<1x16xf32>
        tpu.vector_store %arg16[%swap3A_892, %swap3A_893], %swap3A_896 {strides = array<i32>} : memref<80x128xf32, #tpu.memory_space<vmem>>, vector<1x16xf32>,
        %get3A_897 = arith.index_cast %scan3A_801 : i32 to index
        %get3A_898 = arith.constant 112 : index
        %get3A_899 = tpu.vector_load %arg16[%get3A_897, %get3A_898] {strides = array<i32>} : memref<80x128xf32, #tpu.memory_space<vmem>>, vector<1x16xf32>,
        %get3A_900 = vector.shape_cast %get3A_899 : vector<1x16xf32> to vector<16xf32>
        %slice3A_901 = vector.extract_strided_slice %get3A_805 {offsets = [7], sizes = [1], strides = [1]} : vector<16xf32> to vector<1xf32>
        %squeeze3A_902 = vector.extract %slice3A_901[0] : f32 from vector<1xf32>
        %mul3A_903 = vector.broadcast %squeeze3A_902 : f32 to vector<16xf32>
        %mul3A_904 = arith.mulf %get3A_900, %mul3A_903 : vector<16xf32>
        %swap3A_905 = arith.index_cast %scan3A_801 : i32 to index
        %swap3A_906 = arith.constant 112 : index
        %swap3A_907 = tpu.vector_load %arg16[%swap3A_905, %swap3A_906] {strides = array<i32>} : memref<80x128xf32, #tpu.memory_space<vmem>>, vector<1x16xf32>,
        %swap3A_908 = vector.shape_cast %swap3A_907 : vector<1x16xf32> to vector<16xf32>
        %swap3A_909 = vector.shape_cast %mul3A_904 : vector<16xf32> to vector<1x16xf32>
        tpu.vector_store %arg16[%swap3A_905, %swap3A_906], %swap3A_909 {strides = array<i32>} : memref<80x128xf32, #tpu.memory_space<vmem>>, vector<1x16xf32>,
      }
      %scan3A_470 = arith.constant 80 : i32
      %dma_wait3A_471 = arith.constant 0 : i32
      %dma_wait3A_472 = arith.constant 0 : i32
      %dma_wait3A_473 = tpu.memref_slice %arg24[%dma_wait3A_471, %dma_wait3A_472] : memref<5008x16xf32, #tpu.memory_space<vmem_shared>> -> memref<5008x16xf32, #tpu.memory_space<vmem_shared>>
      tpu.wait_indirect_dma semaphore(%arg36 : memref<!tpu.dma_semaphore, #tpu.memory_space<semaphore_mem>>) src(%arg22 : memref<80x16xf32, #tpu.memory_space<vmem>>) dst(%dma_wait3A_473 : memref<5008x16xf32, #tpu.memory_space<vmem_shared>>)
      "tpu.region"() ({
        %run_scoped3A = tpu.sem_alloc : memref<!tpu.dma_semaphore, #tpu.memory_space<semaphore_mem>>
        %dma_start3A_693 = arith.constant 0 : i32
        %dma_start3A_694 = arith.constant 0 : i32
        %dma_start3A_695 = tpu.memref_slice %arg23[%dma_start3A_693, %dma_start3A_694] : memref<5008x128xf32, #tpu.memory_space<vmem_shared>> -> memref<5008x128xf32, #tpu.memory_space<vmem_shared>>
        tpu.enqueue_indirect_dma source(%arg16 : memref<80x128xf32, #tpu.memory_space<vmem>>) target(%dma_start3A_695 : memref<5008x128xf32, #tpu.memory_space<vmem_shared>>) offsets(%arg12 : memref<80xi32, #tpu.memory_space<vmem>>) semaphore(%run_scoped3A : memref<!tpu.dma_semaphore, #tpu.memory_space<semaphore_mem>>) {add = true}
        %dma_wait3A_696 = arith.constant 0 : i32
        %dma_wait3A_697 = arith.constant 0 : i32
        %dma_wait3A_698 = tpu.memref_slice %arg23[%dma_wait3A_696, %dma_wait3A_697] : memref<5008x128xf32, #tpu.memory_space<vmem_shared>> -> memref<5008x128xf32, #tpu.memory_space<vmem_shared>>
        tpu.wait_indirect_dma semaphore(%run_scoped3A : memref<!tpu.dma_semaphore, #tpu.memory_space<semaphore_mem>>) src(%arg16 : memref<80x128xf32, #tpu.memory_space<vmem>>) dst(%dma_wait3A_698 : memref<5008x128xf32, #tpu.memory_space<vmem_shared>>)
        tpu.yield
      }) : () -> ()
      %dma_wait3A_474 = arith.constant 0 : i32
      %dma_wait3A_475 = tpu.memref_slice %arg4[%dma_wait3A_474] : memref<320000xi32, #tpu.memory_space<hbm>> -> memref<80xi32, #tpu.memory_space<hbm>>
      %dma_wait3A_476 = arith.constant 0 : i32
      %dma_wait3A_477 = tpu.memref_slice %arg4[%dma_wait3A_476] : memref<320000xi32, #tpu.memory_space<hbm>> -> memref<80xi32, #tpu.memory_space<hbm>>
      tpu.wait_dma2 semaphore(%arg26 : memref<!tpu.dma_semaphore, #tpu.memory_space<semaphore_mem>>) src(%dma_wait3A_477 : memref<80xi32, #tpu.memory_space<hbm>>) dst(%arg10 : memref<80xi32, #tpu.memory_space<vmem>>)
      %dma_wait3A_478 = arith.constant 0 : i32
      %dma_wait3A_479 = tpu.memref_slice %arg5[%dma_wait3A_478] : memref<320000xi32, #tpu.memory_space<hbm>> -> memref<80xi32, #tpu.memory_space<hbm>>
      %dma_wait3A_480 = arith.constant 0 : i32
      %dma_wait3A_481 = tpu.memref_slice %arg5[%dma_wait3A_480] : memref<320000xi32, #tpu.memory_space<hbm>> -> memref<80xi32, #tpu.memory_space<hbm>>
      tpu.wait_dma2 semaphore(%arg27 : memref<!tpu.dma_semaphore, #tpu.memory_space<semaphore_mem>>) src(%dma_wait3A_481 : memref<80xi32, #tpu.memory_space<hbm>>) dst(%arg14 : memref<80xi32, #tpu.memory_space<vmem>>)
      %get3A_482 = arith.constant 0 : index
      %get3A_483 = tpu.vector_load %arg14[%get3A_482] {strides = array<i32>} : memref<80xi32, #tpu.memory_space<vmem>>, vector<16xi32>,
      %get3A_484 = vector.shape_cast %get3A_483 : vector<16xi32> to vector<16xi32>
      %sub3A_485 = vector.broadcast %mul3A_0 : i32 to vector<16xi32>
      %sub3A_486 = arith.subi %get3A_484, %sub3A_485 : vector<16xi32>
      %shift_right_arithmetic3A_487 = arith.constant 31 : i32
      %shift_right_arithmetic3A_488 = vector.broadcast %shift_right_arithmetic3A_487 : i32 to vector<16xi32>
      %shift_right_arithmetic3A_489 = arith.shrsi %sub3A_486, %shift_right_arithmetic3A_488 : vector<16xi32>
      %add3A_490 = arith.constant 1 : i32
      %add3A_491 = vector.broadcast %add3A_490 : i32 to vector<16xi32>
      %add3A_492 = arith.addi %add3A_491, %shift_right_arithmetic3A_489 : vector<16xi32>
      %sub3A_493 = arith.constant 4999 : i32
      %sub3A_494 = vector.broadcast %sub3A_493 : i32 to vector<16xi32>
      %sub3A_495 = arith.subi %sub3A_494, %sub3A_486 : vector<16xi32>
      %shift_right_arithmetic3A_496 = arith.constant 31 : i32
      %shift_right_arithmetic3A_497 = vector.broadcast %shift_right_arithmetic3A_496 : i32 to vector<16xi32>
      %shift_right_arithmetic3A_498 = arith.shrsi %sub3A_495, %shift_right_arithmetic3A_497 : vector<16xi32>
      %add3A_499 = arith.constant 1 : i32
      %add3A_500 = vector.broadcast %add3A_499 : i32 to vector<16xi32>
      %add3A_501 = arith.addi %add3A_500, %shift_right_arithmetic3A_498 : vector<16xi32>
      %mul3A_502 = arith.muli %add3A_492, %add3A_501 : vector<16xi32>
      %mul3A_503 = arith.muli %sub3A_486, %mul3A_502 : vector<16xi32>
      %sub3A_504 = arith.constant 1 : i32
      %sub3A_505 = vector.broadcast %sub3A_504 : i32 to vector<16xi32>
      %sub3A_506 = arith.subi %sub3A_505, %mul3A_502 : vector<16xi32>
      %mul3A_507 = arith.muli %add3A_37, %sub3A_506 : vector<16xi32>
      %add3A_508 = arith.addi %mul3A_503, %mul3A_507 : vector<16xi32>
      %swap3A_509 = arith.constant 0 : index
      %swap3A_510 = tpu.vector_load %arg12[%swap3A_509] {strides = array<i32>} : memref<80xi32, #tpu.memory_space<vmem>>, vector<16xi32>,
      %swap3A_511 = vector.shape_cast %swap3A_510 : vector<16xi32> to vector<16xi32>
      %swap3A_512 = vector.shape_cast %add3A_508 : vector<16xi32> to vector<16xi32>
      tpu.vector_store %arg12[%swap3A_509], %swap3A_512 {strides = array<i32>} : memref<80xi32, #tpu.memory_space<vmem>>, vector<16xi32>,
      %get3A_513 = arith.constant 16 : index
      %get3A_514 = tpu.vector_load %arg14[%get3A_513] {strides = array<i32>} : memref<80xi32, #tpu.memory_space<vmem>>, vector<16xi32>,
      %get3A_515 = vector.shape_cast %get3A_514 : vector<16xi32> to vector<16xi32>
      %sub3A_516 = vector.broadcast %mul3A_0 : i32 to vector<16xi32>
      %sub3A_517 = arith.subi %get3A_515, %sub3A_516 : vector<16xi32>
      %shift_right_arithmetic3A_518 = arith.constant 31 : i32
      %shift_right_arithmetic3A_519 = vector.broadcast %shift_right_arithmetic3A_518 : i32 to vector<16xi32>
      %shift_right_arithmetic3A_520 = arith.shrsi %sub3A_517, %shift_right_arithmetic3A_519 : vector<16xi32>
      %add3A_521 = arith.constant 1 : i32
      %add3A_522 = vector.broadcast %add3A_521 : i32 to vector<16xi32>
      %add3A_523 = arith.addi %add3A_522, %shift_right_arithmetic3A_520 : vector<16xi32>
      %sub3A_524 = arith.constant 4999 : i32
      %sub3A_525 = vector.broadcast %sub3A_524 : i32 to vector<16xi32>
      %sub3A_526 = arith.subi %sub3A_525, %sub3A_517 : vector<16xi32>
      %shift_right_arithmetic3A_527 = arith.constant 31 : i32
      %shift_right_arithmetic3A_528 = vector.broadcast %shift_right_arithmetic3A_527 : i32 to vector<16xi32>
      %shift_right_arithmetic3A_529 = arith.shrsi %sub3A_526, %shift_right_arithmetic3A_528 : vector<16xi32>
      %add3A_530 = arith.constant 1 : i32
      %add3A_531 = vector.broadcast %add3A_530 : i32 to vector<16xi32>
      %add3A_532 = arith.addi %add3A_531, %shift_right_arithmetic3A_529 : vector<16xi32>
      %mul3A_533 = arith.muli %add3A_523, %add3A_532 : vector<16xi32>
      %mul3A_534 = arith.muli %sub3A_517, %mul3A_533 : vector<16xi32>
      %sub3A_535 = arith.constant 1 : i32
      %sub3A_536 = vector.broadcast %sub3A_535 : i32 to vector<16xi32>
      %sub3A_537 = arith.subi %sub3A_536, %mul3A_533 : vector<16xi32>
      %mul3A_538 = arith.muli %add3A_37, %sub3A_537 : vector<16xi32>
      %add3A_539 = arith.addi %mul3A_534, %mul3A_538 : vector<16xi32>
      %swap3A_540 = arith.constant 16 : index
      %swap3A_541 = tpu.vector_load %arg12[%swap3A_540] {strides = array<i32>} : memref<80xi32, #tpu.memory_space<vmem>>, vector<16xi32>,
      %swap3A_542 = vector.shape_cast %swap3A_541 : vector<16xi32> to vector<16xi32>
      %swap3A_543 = vector.shape_cast %add3A_539 : vector<16xi32> to vector<16xi32>
      tpu.vector_store %arg12[%swap3A_540], %swap3A_543 {strides = array<i32>} : memref<80xi32, #tpu.memory_space<vmem>>, vector<16xi32>,
      %get3A_544 = arith.constant 32 : index
      %get3A_545 = tpu.vector_load %arg14[%get3A_544] {strides = array<i32>} : memref<80xi32, #tpu.memory_space<vmem>>, vector<16xi32>,
      %get3A_546 = vector.shape_cast %get3A_545 : vector<16xi32> to vector<16xi32>
      %sub3A_547 = vector.broadcast %mul3A_0 : i32 to vector<16xi32>
      %sub3A_548 = arith.subi %get3A_546, %sub3A_547 : vector<16xi32>
      %shift_right_arithmetic3A_549 = arith.constant 31 : i32
      %shift_right_arithmetic3A_550 = vector.broadcast %shift_right_arithmetic3A_549 : i32 to vector<16xi32>
      %shift_right_arithmetic3A_551 = arith.shrsi %sub3A_548, %shift_right_arithmetic3A_550 : vector<16xi32>
      %add3A_552 = arith.constant 1 : i32
      %add3A_553 = vector.broadcast %add3A_552 : i32 to vector<16xi32>
      %add3A_554 = arith.addi %add3A_553, %shift_right_arithmetic3A_551 : vector<16xi32>
      %sub3A_555 = arith.constant 4999 : i32
      %sub3A_556 = vector.broadcast %sub3A_555 : i32 to vector<16xi32>
      %sub3A_557 = arith.subi %sub3A_556, %sub3A_548 : vector<16xi32>
      %shift_right_arithmetic3A_558 = arith.constant 31 : i32
      %shift_right_arithmetic3A_559 = vector.broadcast %shift_right_arithmetic3A_558 : i32 to vector<16xi32>
      %shift_right_arithmetic3A_560 = arith.shrsi %sub3A_557, %shift_right_arithmetic3A_559 : vector<16xi32>
      %add3A_561 = arith.constant 1 : i32
      %add3A_562 = vector.broadcast %add3A_561 : i32 to vector<16xi32>
      %add3A_563 = arith.addi %add3A_562, %shift_right_arithmetic3A_560 : vector<16xi32>
      %mul3A_564 = arith.muli %add3A_554, %add3A_563 : vector<16xi32>
      %mul3A_565 = arith.muli %sub3A_548, %mul3A_564 : vector<16xi32>
      %sub3A_566 = arith.constant 1 : i32
      %sub3A_567 = vector.broadcast %sub3A_566 : i32 to vector<16xi32>
      %sub3A_568 = arith.subi %sub3A_567, %mul3A_564 : vector<16xi32>
      %mul3A_569 = arith.muli %add3A_37, %sub3A_568 : vector<16xi32>
      %add3A_570 = arith.addi %mul3A_565, %mul3A_569 : vector<16xi32>
      %swap3A_571 = arith.constant 32 : index
      %swap3A_572 = tpu.vector_load %arg12[%swap3A_571] {strides = array<i32>} : memref<80xi32, #tpu.memory_space<vmem>>, vector<16xi32>,
      %swap3A_573 = vector.shape_cast %swap3A_572 : vector<16xi32> to vector<16xi32>
      %swap3A_574 = vector.shape_cast %add3A_570 : vector<16xi32> to vector<16xi32>
      tpu.vector_store %arg12[%swap3A_571], %swap3A_574 {strides = array<i32>} : memref<80xi32, #tpu.memory_space<vmem>>, vector<16xi32>,
      %get3A_575 = arith.constant 48 : index
      %get3A_576 = tpu.vector_load %arg14[%get3A_575] {strides = array<i32>} : memref<80xi32, #tpu.memory_space<vmem>>, vector<16xi32>,
      %get3A_577 = vector.shape_cast %get3A_576 : vector<16xi32> to vector<16xi32>
      %sub3A_578 = vector.broadcast %mul3A_0 : i32 to vector<16xi32>
      %sub3A_579 = arith.subi %get3A_577, %sub3A_578 : vector<16xi32>
      %shift_right_arithmetic3A_580 = arith.constant 31 : i32
      %shift_right_arithmetic3A_581 = vector.broadcast %shift_right_arithmetic3A_580 : i32 to vector<16xi32>
      %shift_right_arithmetic3A_582 = arith.shrsi %sub3A_579, %shift_right_arithmetic3A_581 : vector<16xi32>
      %add3A_583 = arith.constant 1 : i32
      %add3A_584 = vector.broadcast %add3A_583 : i32 to vector<16xi32>
      %add3A_585 = arith.addi %add3A_584, %shift_right_arithmetic3A_582 : vector<16xi32>
      %sub3A_586 = arith.constant 4999 : i32
      %sub3A_587 = vector.broadcast %sub3A_586 : i32 to vector<16xi32>
      %sub3A_588 = arith.subi %sub3A_587, %sub3A_579 : vector<16xi32>
      %shift_right_arithmetic3A_589 = arith.constant 31 : i32
      %shift_right_arithmetic3A_590 = vector.broadcast %shift_right_arithmetic3A_589 : i32 to vector<16xi32>
      %shift_right_arithmetic3A_591 = arith.shrsi %sub3A_588, %shift_right_arithmetic3A_590 : vector<16xi32>
      %add3A_592 = arith.constant 1 : i32
      %add3A_593 = vector.broadcast %add3A_592 : i32 to vector<16xi32>
      %add3A_594 = arith.addi %add3A_593, %shift_right_arithmetic3A_591 : vector<16xi32>
      %mul3A_595 = arith.muli %add3A_585, %add3A_594 : vector<16xi32>
      %mul3A_596 = arith.muli %sub3A_579, %mul3A_595 : vector<16xi32>
      %sub3A_597 = arith.constant 1 : i32
      %sub3A_598 = vector.broadcast %sub3A_597 : i32 to vector<16xi32>
      %sub3A_599 = arith.subi %sub3A_598, %mul3A_595 : vector<16xi32>
      %mul3A_600 = arith.muli %add3A_37, %sub3A_599 : vector<16xi32>
      %add3A_601 = arith.addi %mul3A_596, %mul3A_600 : vector<16xi32>
      %swap3A_602 = arith.constant 48 : index
      %swap3A_603 = tpu.vector_load %arg12[%swap3A_602] {strides = array<i32>} : memref<80xi32, #tpu.memory_space<vmem>>, vector<16xi32>,
      %swap3A_604 = vector.shape_cast %swap3A_603 : vector<16xi32> to vector<16xi32>
      %swap3A_605 = vector.shape_cast %add3A_601 : vector<16xi32> to vector<16xi32>
      tpu.vector_store %arg12[%swap3A_602], %swap3A_605 {strides = array<i32>} : memref<80xi32, #tpu.memory_space<vmem>>, vector<16xi32>,
      %get3A_606 = arith.constant 64 : index
      %get3A_607 = tpu.vector_load %arg14[%get3A_606] {strides = array<i32>} : memref<80xi32, #tpu.memory_space<vmem>>, vector<16xi32>,
      %get3A_608 = vector.shape_cast %get3A_607 : vector<16xi32> to vector<16xi32>
      %sub3A_609 = vector.broadcast %mul3A_0 : i32 to vector<16xi32>
      %sub3A_610 = arith.subi %get3A_608, %sub3A_609 : vector<16xi32>
      %shift_right_arithmetic3A_611 = arith.constant 31 : i32
      %shift_right_arithmetic3A_612 = vector.broadcast %shift_right_arithmetic3A_611 : i32 to vector<16xi32>
      %shift_right_arithmetic3A_613 = arith.shrsi %sub3A_610, %shift_right_arithmetic3A_612 : vector<16xi32>
      %add3A_614 = arith.constant 1 : i32
      %add3A_615 = vector.broadcast %add3A_614 : i32 to vector<16xi32>
      %add3A_616 = arith.addi %add3A_615, %shift_right_arithmetic3A_613 : vector<16xi32>
      %sub3A_617 = arith.constant 4999 : i32
      %sub3A_618 = vector.broadcast %sub3A_617 : i32 to vector<16xi32>
      %sub3A_619 = arith.subi %sub3A_618, %sub3A_610 : vector<16xi32>
      %shift_right_arithmetic3A_620 = arith.constant 31 : i32
      %shift_right_arithmetic3A_621 = vector.broadcast %shift_right_arithmetic3A_620 : i32 to vector<16xi32>
      %shift_right_arithmetic3A_622 = arith.shrsi %sub3A_619, %shift_right_arithmetic3A_621 : vector<16xi32>
      %add3A_623 = arith.constant 1 : i32
      %add3A_624 = vector.broadcast %add3A_623 : i32 to vector<16xi32>
      %add3A_625 = arith.addi %add3A_624, %shift_right_arithmetic3A_622 : vector<16xi32>
      %mul3A_626 = arith.muli %add3A_616, %add3A_625 : vector<16xi32>
      %mul3A_627 = arith.muli %sub3A_610, %mul3A_626 : vector<16xi32>
      %sub3A_628 = arith.constant 1 : i32
      %sub3A_629 = vector.broadcast %sub3A_628 : i32 to vector<16xi32>
      %sub3A_630 = arith.subi %sub3A_629, %mul3A_626 : vector<16xi32>
      %mul3A_631 = arith.muli %add3A_37, %sub3A_630 : vector<16xi32>
      %add3A_632 = arith.addi %mul3A_627, %mul3A_631 : vector<16xi32>
      %swap3A_633 = arith.constant 64 : index
      %swap3A_634 = tpu.vector_load %arg12[%swap3A_633] {strides = array<i32>} : memref<80xi32, #tpu.memory_space<vmem>>, vector<16xi32>,
      %swap3A_635 = vector.shape_cast %swap3A_634 : vector<16xi32> to vector<16xi32>
      %swap3A_636 = vector.shape_cast %add3A_632 : vector<16xi32> to vector<16xi32>
      tpu.vector_store %arg12[%swap3A_633], %swap3A_636 {strides = array<i32>} : memref<80xi32, #tpu.memory_space<vmem>>, vector<16xi32>,
      %dma_start3A_637 = arith.constant 0 : i32
      %dma_start3A_638 = arith.constant 0 : i32
      %dma_start3A_639 = tpu.memref_slice %arg2[%dma_start3A_637, %dma_start3A_638] : memref<10000x128xf32, #tpu.memory_space<hbm>> -> memref<10000x128xf32, #tpu.memory_space<hbm>>
      tpu.enqueue_indirect_dma source(%dma_start3A_639 : memref<10000x128xf32, #tpu.memory_space<hbm>>) target(%arg16 : memref<80x128xf32, #tpu.memory_space<vmem>>) offsets(%arg10 : memref<80xi32, #tpu.memory_space<vmem>>) semaphore(%arg28 : memref<!tpu.dma_semaphore, #tpu.memory_space<semaphore_mem>>)
      %dma_start3A_640 = arith.constant 0 : i32
      %dma_start3A_641 = arith.constant 0 : i32
      %dma_start3A_642 = tpu.memref_slice %arg25[%dma_start3A_640, %dma_start3A_641] : memref<10000x16xf32, #tpu.memory_space<vmem_shared>> -> memref<10000x16xf32, #tpu.memory_space<vmem_shared>>
      tpu.enqueue_indirect_dma source(%dma_start3A_642 : memref<10000x16xf32, #tpu.memory_space<vmem_shared>>) target(%arg18 : memref<80x16xf32, #tpu.memory_space<vmem>>) offsets(%arg10 : memref<80xi32, #tpu.memory_space<vmem>>) semaphore(%arg29 : memref<!tpu.dma_semaphore, #tpu.memory_space<semaphore_mem>>)
      %dma_start3A_643 = arith.constant 0 : i32
      %dma_start3A_644 = arith.constant 0 : i32
      %dma_start3A_645 = tpu.memref_slice %arg25[%dma_start3A_643, %dma_start3A_644] : memref<10000x16xf32, #tpu.memory_space<vmem_shared>> -> memref<10000x16xf32, #tpu.memory_space<vmem_shared>>
      tpu.enqueue_indirect_dma source(%dma_start3A_645 : memref<10000x16xf32, #tpu.memory_space<vmem_shared>>) target(%arg20 : memref<80x16xf32, #tpu.memory_space<vmem>>) offsets(%arg14 : memref<80xi32, #tpu.memory_space<vmem>>) semaphore(%arg30 : memref<!tpu.dma_semaphore, #tpu.memory_space<semaphore_mem>>)
      %dma_wait3A_646 = arith.constant 0 : i32
      %dma_wait3A_647 = arith.constant 0 : i32
      %dma_wait3A_648 = tpu.memref_slice %arg2[%dma_wait3A_646, %dma_wait3A_647] : memref<10000x128xf32, #tpu.memory_space<hbm>> -> memref<80x128xf32, #tpu.memory_space<hbm>>
      %dma_wait3A_649 = arith.constant 0 : i32
      %dma_wait3A_650 = arith.constant 0 : i32
      %dma_wait3A_651 = tpu.memref_slice %arg2[%dma_wait3A_649, %dma_wait3A_650] : memref<10000x128xf32, #tpu.memory_space<hbm>> -> memref<80x128xf32, #tpu.memory_space<hbm>>
      tpu.wait_dma2 semaphore(%arg33 : memref<!tpu.dma_semaphore, #tpu.memory_space<semaphore_mem>>) src(%dma_wait3A_651 : memref<80x128xf32, #tpu.memory_space<hbm>>) dst(%arg17 : memref<80x128xf32, #tpu.memory_space<vmem>>)
      %dma_wait3A_652 = arith.constant 0 : i32
      %dma_wait3A_653 = arith.constant 0 : i32
      %dma_wait3A_654 = tpu.memref_slice %arg25[%dma_wait3A_652, %dma_wait3A_653] : memref<10000x16xf32, #tpu.memory_space<vmem_shared>> -> memref<80x16xf32, #tpu.memory_space<vmem_shared>>
      %dma_wait3A_655 = arith.constant 0 : i32
      %dma_wait3A_656 = arith.constant 0 : i32
      %dma_wait3A_657 = tpu.memref_slice %arg25[%dma_wait3A_655, %dma_wait3A_656] : memref<10000x16xf32, #tpu.memory_space<vmem_shared>> -> memref<80x16xf32, #tpu.memory_space<vmem_shared>>
      tpu.wait_dma2 semaphore(%arg34 : memref<!tpu.dma_semaphore, #tpu.memory_space<semaphore_mem>>) src(%dma_wait3A_657 : memref<80x16xf32, #tpu.memory_space<vmem_shared>>) dst(%arg19 : memref<80x16xf32, #tpu.memory_space<vmem>>)
      %dma_wait3A_658 = arith.constant 0 : i32
      %dma_wait3A_659 = arith.constant 0 : i32
      %dma_wait3A_660 = tpu.memref_slice %arg25[%dma_wait3A_658, %dma_wait3A_659] : memref<10000x16xf32, #tpu.memory_space<vmem_shared>> -> memref<80x16xf32, #tpu.memory_space<vmem_shared>>
      %dma_wait3A_661 = arith.constant 0 : i32
      %dma_wait3A_662 = arith.constant 0 : i32
      %dma_wait3A_663 = tpu.memref_slice %arg25[%dma_wait3A_661, %dma_wait3A_662] : memref<10000x16xf32, #tpu.memory_space<vmem_shared>> -> memref<80x16xf32, #tpu.memory_space<vmem_shared>>
      tpu.wait_dma2 semaphore(%arg35 : memref<!tpu.dma_semaphore, #tpu.memory_space<semaphore_mem>>) src(%dma_wait3A_663 : memref<80x16xf32, #tpu.memory_space<vmem_shared>>) dst(%arg21 : memref<80x16xf32, #tpu.memory_space<vmem>>)
      %add3A_664 = arith.constant 3 : i32
      %add3A_665 = arith.addi %mul3A_255, %add3A_664 : i32
      %min3A_666 = arith.constant 249 : i32
      %min3A_667 = arith.minsi %add3A_665, %min3A_666 : i32
      %mul3A_668 = arith.constant 80 : i32
      %mul3A_669 = arith.muli %min3A_667, %mul3A_668 : i32
      %add3A_670 = arith.addi %mul3A_13, %mul3A_669 : i32
      %dma_start3A_671 = tpu.memref_slice %arg4[%add3A_670] : memref<320000xi32, #tpu.memory_space<hbm>> -> memref<80xi32, #tpu.memory_space<hbm>>
      %dma_start3A_672 = tpu.memref_slice %arg4[%add3A_670] : memref<320000xi32, #tpu.memory_space<hbm>> -> memref<80xi32, #tpu.memory_space<hbm>>
      tpu.enqueue_dma source(%dma_start3A_672 : memref<80xi32, #tpu.memory_space<hbm>>) target(%arg11 : memref<80xi32, #tpu.memory_space<vmem>>) target_semaphore(%arg31 : memref<!tpu.dma_semaphore, #tpu.memory_space<semaphore_mem>>)
      %dma_start3A_673 = tpu.memref_slice %arg5[%add3A_670] : memref<320000xi32, #tpu.memory_space<hbm>> -> memref<80xi32, #tpu.memory_space<hbm>>
      %dma_start3A_674 = tpu.memref_slice %arg5[%add3A_670] : memref<320000xi32, #tpu.memory_space<hbm>> -> memref<80xi32, #tpu.memory_space<hbm>>
      tpu.enqueue_dma source(%dma_start3A_674 : memref<80xi32, #tpu.memory_space<hbm>>) target(%arg15 : memref<80xi32, #tpu.memory_space<vmem>>) target_semaphore(%arg32 : memref<!tpu.dma_semaphore, #tpu.memory_space<semaphore_mem>>)
      %scan3A_675 = arith.constant 0 : i32
      %scan3A_676 = arith.constant 0 : i32
      %scan3A_677 = arith.constant 80 : i32
      %scan3A_678 = arith.addi %scan3A_676, %scan3A_677 : i32
      %scan3A_679 = arith.constant 4 : i32
      scf.for %scan3A_693 = %scan3A_676 to %scan3A_678 step %scan3A_679  : i32 {
        %get3A_694 = arith.index_cast %scan3A_693 : i32 to index
        %get3A_695 = arith.constant 0 : index
        %get3A_696 = tpu.vector_load %arg19[%get3A_694, %get3A_695] {strides = array<i32>} : memref<80x16xf32, #tpu.memory_space<vmem>>, vector<1x16xf32>,
        %get3A_697 = vector.shape_cast %get3A_696 : vector<1x16xf32> to vector<16xf32>
        %get3A_698 = arith.index_cast %scan3A_693 : i32 to index
        %get3A_699 = arith.constant 0 : index
        %get3A_700 = tpu.vector_load %arg21[%get3A_698, %get3A_699] {strides = array<i32>} : memref<80x16xf32, #tpu.memory_space<vmem>>, vector<1x16xf32>,
        %get3A_701 = vector.shape_cast %get3A_700 : vector<1x16xf32> to vector<16xf32>
        %reshape3A = vector.shape_cast %select_n3A_31 : vector<16xi32> to vector<16x1xi32>
        %gather3A = vector.shape_cast %reshape3A : vector<16x1xi32> to vector<16xi32>
        %gather3A_702 = tpu.dynamic_gather %get3A_701[%gather3A] in [0] : vector<16xf32>, vector<16xi32> -> vector<16xf32>
        %add3A_703 = arith.addf %get3A_697, %gather3A_702 : vector<16xf32>
        %mul3A_704 = arith.constant 2.000000e-01 : f32
        %mul3A_705 = vector.broadcast %mul3A_704 : f32 to vector<16xf32>
        %mul3A_706 = arith.mulf %mul3A_705, %add3A_703 : vector<16xf32>
        %max3A = arith.maximumf %add3A_703, %mul3A_706 : vector<16xf32>
        %exp3A = math.exp %max3A : vector<16xf32>
        %swap3A_707 = arith.index_cast %scan3A_693 : i32 to index
        %swap3A_708 = arith.constant 0 : index
        %swap3A_709 = tpu.vector_load %arg22[%swap3A_707, %swap3A_708] {strides = array<i32>} : memref<80x16xf32, #tpu.memory_space<vmem>>, vector<1x16xf32>,
        %swap3A_710 = vector.shape_cast %swap3A_709 : vector<1x16xf32> to vector<16xf32>
        %swap3A_711 = vector.shape_cast %exp3A : vector<16xf32> to vector<1x16xf32>
        tpu.vector_store %arg22[%swap3A_707, %swap3A_708], %swap3A_711 {strides = array<i32>} : memref<80x16xf32, #tpu.memory_space<vmem>>, vector<1x16xf32>,
        %scan3A_712 = arith.constant 1 : i32
        %scan3A_713 = arith.addi %scan3A_693, %scan3A_712 : i32
        %get3A_714 = arith.index_cast %scan3A_713 : i32 to index
        %get3A_715 = arith.constant 0 : index
        %get3A_716 = tpu.vector_load %arg19[%get3A_714, %get3A_715] {strides = array<i32>} : memref<80x16xf32, #tpu.memory_space<vmem>>, vector<1x16xf32>,
        %get3A_717 = vector.shape_cast %get3A_716 : vector<1x16xf32> to vector<16xf32>
        %get3A_718 = arith.index_cast %scan3A_713 : i32 to index
        %get3A_719 = arith.constant 0 : index
        %get3A_720 = tpu.vector_load %arg21[%get3A_718, %get3A_719] {strides = array<i32>} : memref<80x16xf32, #tpu.memory_space<vmem>>, vector<1x16xf32>,
        %get3A_721 = vector.shape_cast %get3A_720 : vector<1x16xf32> to vector<16xf32>
        %reshape3A_722 = vector.shape_cast %select_n3A_31 : vector<16xi32> to vector<16x1xi32>
        %gather3A_723 = vector.shape_cast %reshape3A_722 : vector<16x1xi32> to vector<16xi32>
        %gather3A_724 = tpu.dynamic_gather %get3A_721[%gather3A_723] in [0] : vector<16xf32>, vector<16xi32> -> vector<16xf32>
        %add3A_725 = arith.addf %get3A_717, %gather3A_724 : vector<16xf32>
        %mul3A_726 = arith.constant 2.000000e-01 : f32
        %mul3A_727 = vector.broadcast %mul3A_726 : f32 to vector<16xf32>
        %mul3A_728 = arith.mulf %mul3A_727, %add3A_725 : vector<16xf32>
        %max3A_729 = arith.maximumf %add3A_725, %mul3A_728 : vector<16xf32>
        %exp3A_730 = math.exp %max3A_729 : vector<16xf32>
        %swap3A_731 = arith.index_cast %scan3A_713 : i32 to index
        %swap3A_732 = arith.constant 0 : index
        %swap3A_733 = tpu.vector_load %arg22[%swap3A_731, %swap3A_732] {strides = array<i32>} : memref<80x16xf32, #tpu.memory_space<vmem>>, vector<1x16xf32>,
        %swap3A_734 = vector.shape_cast %swap3A_733 : vector<1x16xf32> to vector<16xf32>
        %swap3A_735 = vector.shape_cast %exp3A_730 : vector<16xf32> to vector<1x16xf32>
        tpu.vector_store %arg22[%swap3A_731, %swap3A_732], %swap3A_735 {strides = array<i32>} : memref<80x16xf32, #tpu.memory_space<vmem>>, vector<1x16xf32>,
        %scan3A_736 = arith.constant 2 : i32
        %scan3A_737 = arith.addi %scan3A_693, %scan3A_736 : i32
        %get3A_738 = arith.index_cast %scan3A_737 : i32 to index
        %get3A_739 = arith.constant 0 : index
        %get3A_740 = tpu.vector_load %arg19[%get3A_738, %get3A_739] {strides = array<i32>} : memref<80x16xf32, #tpu.memory_space<vmem>>, vector<1x16xf32>,
        %get3A_741 = vector.shape_cast %get3A_740 : vector<1x16xf32> to vector<16xf32>
        %get3A_742 = arith.index_cast %scan3A_737 : i32 to index
        %get3A_743 = arith.constant 0 : index
        %get3A_744 = tpu.vector_load %arg21[%get3A_742, %get3A_743] {strides = array<i32>} : memref<80x16xf32, #tpu.memory_space<vmem>>, vector<1x16xf32>,
        %get3A_745 = vector.shape_cast %get3A_744 : vector<1x16xf32> to vector<16xf32>
        %reshape3A_746 = vector.shape_cast %select_n3A_31 : vector<16xi32> to vector<16x1xi32>
        %gather3A_747 = vector.shape_cast %reshape3A_746 : vector<16x1xi32> to vector<16xi32>
        %gather3A_748 = tpu.dynamic_gather %get3A_745[%gather3A_747] in [0] : vector<16xf32>, vector<16xi32> -> vector<16xf32>
        %add3A_749 = arith.addf %get3A_741, %gather3A_748 : vector<16xf32>
        %mul3A_750 = arith.constant 2.000000e-01 : f32
        %mul3A_751 = vector.broadcast %mul3A_750 : f32 to vector<16xf32>
        %mul3A_752 = arith.mulf %mul3A_751, %add3A_749 : vector<16xf32>
        %max3A_753 = arith.maximumf %add3A_749, %mul3A_752 : vector<16xf32>
        %exp3A_754 = math.exp %max3A_753 : vector<16xf32>
        %swap3A_755 = arith.index_cast %scan3A_737 : i32 to index
        %swap3A_756 = arith.constant 0 : index
        %swap3A_757 = tpu.vector_load %arg22[%swap3A_755, %swap3A_756] {strides = array<i32>} : memref<80x16xf32, #tpu.memory_space<vmem>>, vector<1x16xf32>,
        %swap3A_758 = vector.shape_cast %swap3A_757 : vector<1x16xf32> to vector<16xf32>
        %swap3A_759 = vector.shape_cast %exp3A_754 : vector<16xf32> to vector<1x16xf32>
        tpu.vector_store %arg22[%swap3A_755, %swap3A_756], %swap3A_759 {strides = array<i32>} : memref<80x16xf32, #tpu.memory_space<vmem>>, vector<1x16xf32>,
        %scan3A_760 = arith.constant 3 : i32
        %scan3A_761 = arith.addi %scan3A_693, %scan3A_760 : i32
        %get3A_762 = arith.index_cast %scan3A_761 : i32 to index
        %get3A_763 = arith.constant 0 : index
        %get3A_764 = tpu.vector_load %arg19[%get3A_762, %get3A_763] {strides = array<i32>} : memref<80x16xf32, #tpu.memory_space<vmem>>, vector<1x16xf32>,
        %get3A_765 = vector.shape_cast %get3A_764 : vector<1x16xf32> to vector<16xf32>
        %get3A_766 = arith.index_cast %scan3A_761 : i32 to index
        %get3A_767 = arith.constant 0 : index
        %get3A_768 = tpu.vector_load %arg21[%get3A_766, %get3A_767] {strides = array<i32>} : memref<80x16xf32, #tpu.memory_space<vmem>>, vector<1x16xf32>,
        %get3A_769 = vector.shape_cast %get3A_768 : vector<1x16xf32> to vector<16xf32>
        %reshape3A_770 = vector.shape_cast %select_n3A_31 : vector<16xi32> to vector<16x1xi32>
        %gather3A_771 = vector.shape_cast %reshape3A_770 : vector<16x1xi32> to vector<16xi32>
        %gather3A_772 = tpu.dynamic_gather %get3A_769[%gather3A_771] in [0] : vector<16xf32>, vector<16xi32> -> vector<16xf32>
        %add3A_773 = arith.addf %get3A_765, %gather3A_772 : vector<16xf32>
        %mul3A_774 = arith.constant 2.000000e-01 : f32
        %mul3A_775 = vector.broadcast %mul3A_774 : f32 to vector<16xf32>
        %mul3A_776 = arith.mulf %mul3A_775, %add3A_773 : vector<16xf32>
        %max3A_777 = arith.maximumf %add3A_773, %mul3A_776 : vector<16xf32>
        %exp3A_778 = math.exp %max3A_777 : vector<16xf32>
        %swap3A_779 = arith.index_cast %scan3A_761 : i32 to index
        %swap3A_780 = arith.constant 0 : index
        %swap3A_781 = tpu.vector_load %arg22[%swap3A_779, %swap3A_780] {strides = array<i32>} : memref<80x16xf32, #tpu.memory_space<vmem>>, vector<1x16xf32>,
        %swap3A_782 = vector.shape_cast %swap3A_781 : vector<1x16xf32> to vector<16xf32>
        %swap3A_783 = vector.shape_cast %exp3A_778 : vector<16xf32> to vector<1x16xf32>
        tpu.vector_store %arg22[%swap3A_779, %swap3A_780], %swap3A_783 {strides = array<i32>} : memref<80x16xf32, #tpu.memory_space<vmem>>, vector<1x16xf32>,
      }
      %scan3A_680 = arith.constant 80 : i32
      %dma_start3A_681 = arith.constant 0 : i32
      %dma_start3A_682 = arith.constant 0 : i32
      %dma_start3A_683 = tpu.memref_slice %arg24[%dma_start3A_681, %dma_start3A_682] : memref<5008x16xf32, #tpu.memory_space<vmem_shared>> -> memref<5008x16xf32, #tpu.memory_space<vmem_shared>>
      tpu.enqueue_indirect_dma source(%arg22 : memref<80x16xf32, #tpu.memory_space<vmem>>) target(%dma_start3A_683 : memref<5008x16xf32, #tpu.memory_space<vmem_shared>>) offsets(%arg13 : memref<80xi32, #tpu.memory_space<vmem>>) semaphore(%arg36 : memref<!tpu.dma_semaphore, #tpu.memory_space<semaphore_mem>>) {add = true}
      %scan3A_684 = arith.constant 0 : i32
      %scan3A_685 = arith.constant 0 : i32
      %scan3A_686 = arith.constant 80 : i32
      %scan3A_687 = arith.addi %scan3A_685, %scan3A_686 : i32
      %scan3A_688 = arith.constant 2 : i32
      scf.for %scan3A_693 = %scan3A_685 to %scan3A_687 step %scan3A_688  : i32 {
        %get3A_694 = arith.index_cast %scan3A_693 : i32 to index
        %get3A_695 = arith.constant 0 : index
        %get3A_696 = tpu.vector_load %arg22[%get3A_694, %get3A_695] {strides = array<i32>} : memref<80x16xf32, #tpu.memory_space<vmem>>, vector<1x16xf32>,
        %get3A_697 = vector.shape_cast %get3A_696 : vector<1x16xf32> to vector<16xf32>
        %get3A_698 = arith.index_cast %scan3A_693 : i32 to index
        %get3A_699 = arith.constant 0 : index
        %get3A_700 = tpu.vector_load %arg17[%get3A_698, %get3A_699] {strides = array<i32>} : memref<80x128xf32, #tpu.memory_space<vmem>>, vector<1x16xf32>,
        %get3A_701 = vector.shape_cast %get3A_700 : vector<1x16xf32> to vector<16xf32>
        %slice3A = vector.extract_strided_slice %get3A_697 {offsets = [0], sizes = [1], strides = [1]} : vector<16xf32> to vector<1xf32>
        %squeeze3A = vector.extract %slice3A[0] : f32 from vector<1xf32>
        %mul3A_702 = vector.broadcast %squeeze3A : f32 to vector<16xf32>
        %mul3A_703 = arith.mulf %get3A_701, %mul3A_702 : vector<16xf32>
        %swap3A_704 = arith.index_cast %scan3A_693 : i32 to index
        %swap3A_705 = arith.constant 0 : index
        %swap3A_706 = tpu.vector_load %arg17[%swap3A_704, %swap3A_705] {strides = array<i32>} : memref<80x128xf32, #tpu.memory_space<vmem>>, vector<1x16xf32>,
        %swap3A_707 = vector.shape_cast %swap3A_706 : vector<1x16xf32> to vector<16xf32>
        %swap3A_708 = vector.shape_cast %mul3A_703 : vector<16xf32> to vector<1x16xf32>
        tpu.vector_store %arg17[%swap3A_704, %swap3A_705], %swap3A_708 {strides = array<i32>} : memref<80x128xf32, #tpu.memory_space<vmem>>, vector<1x16xf32>,
        %get3A_709 = arith.index_cast %scan3A_693 : i32 to index
        %get3A_710 = arith.constant 16 : index
        %get3A_711 = tpu.vector_load %arg17[%get3A_709, %get3A_710] {strides = array<i32>} : memref<80x128xf32, #tpu.memory_space<vmem>>, vector<1x16xf32>,
        %get3A_712 = vector.shape_cast %get3A_711 : vector<1x16xf32> to vector<16xf32>
        %slice3A_713 = vector.extract_strided_slice %get3A_697 {offsets = [1], sizes = [1], strides = [1]} : vector<16xf32> to vector<1xf32>
        %squeeze3A_714 = vector.extract %slice3A_713[0] : f32 from vector<1xf32>
        %mul3A_715 = vector.broadcast %squeeze3A_714 : f32 to vector<16xf32>
        %mul3A_716 = arith.mulf %get3A_712, %mul3A_715 : vector<16xf32>
        %swap3A_717 = arith.index_cast %scan3A_693 : i32 to index
        %swap3A_718 = arith.constant 16 : index
        %swap3A_719 = tpu.vector_load %arg17[%swap3A_717, %swap3A_718] {strides = array<i32>} : memref<80x128xf32, #tpu.memory_space<vmem>>, vector<1x16xf32>,
        %swap3A_720 = vector.shape_cast %swap3A_719 : vector<1x16xf32> to vector<16xf32>
        %swap3A_721 = vector.shape_cast %mul3A_716 : vector<16xf32> to vector<1x16xf32>
        tpu.vector_store %arg17[%swap3A_717, %swap3A_718], %swap3A_721 {strides = array<i32>} : memref<80x128xf32, #tpu.memory_space<vmem>>, vector<1x16xf32>,
        %get3A_722 = arith.index_cast %scan3A_693 : i32 to index
        %get3A_723 = arith.constant 32 : index
        %get3A_724 = tpu.vector_load %arg17[%get3A_722, %get3A_723] {strides = array<i32>} : memref<80x128xf32, #tpu.memory_space<vmem>>, vector<1x16xf32>,
        %get3A_725 = vector.shape_cast %get3A_724 : vector<1x16xf32> to vector<16xf32>
        %slice3A_726 = vector.extract_strided_slice %get3A_697 {offsets = [2], sizes = [1], strides = [1]} : vector<16xf32> to vector<1xf32>
        %squeeze3A_727 = vector.extract %slice3A_726[0] : f32 from vector<1xf32>
        %mul3A_728 = vector.broadcast %squeeze3A_727 : f32 to vector<16xf32>
        %mul3A_729 = arith.mulf %get3A_725, %mul3A_728 : vector<16xf32>
        %swap3A_730 = arith.index_cast %scan3A_693 : i32 to index
        %swap3A_731 = arith.constant 32 : index
        %swap3A_732 = tpu.vector_load %arg17[%swap3A_730, %swap3A_731] {strides = array<i32>} : memref<80x128xf32, #tpu.memory_space<vmem>>, vector<1x16xf32>,
        %swap3A_733 = vector.shape_cast %swap3A_732 : vector<1x16xf32> to vector<16xf32>
        %swap3A_734 = vector.shape_cast %mul3A_729 : vector<16xf32> to vector<1x16xf32>
        tpu.vector_store %arg17[%swap3A_730, %swap3A_731], %swap3A_734 {strides = array<i32>} : memref<80x128xf32, #tpu.memory_space<vmem>>, vector<1x16xf32>,
        %get3A_735 = arith.index_cast %scan3A_693 : i32 to index
        %get3A_736 = arith.constant 48 : index
        %get3A_737 = tpu.vector_load %arg17[%get3A_735, %get3A_736] {strides = array<i32>} : memref<80x128xf32, #tpu.memory_space<vmem>>, vector<1x16xf32>,
        %get3A_738 = vector.shape_cast %get3A_737 : vector<1x16xf32> to vector<16xf32>
        %slice3A_739 = vector.extract_strided_slice %get3A_697 {offsets = [3], sizes = [1], strides = [1]} : vector<16xf32> to vector<1xf32>
        %squeeze3A_740 = vector.extract %slice3A_739[0] : f32 from vector<1xf32>
        %mul3A_741 = vector.broadcast %squeeze3A_740 : f32 to vector<16xf32>
        %mul3A_742 = arith.mulf %get3A_738, %mul3A_741 : vector<16xf32>
        %swap3A_743 = arith.index_cast %scan3A_693 : i32 to index
        %swap3A_744 = arith.constant 48 : index
        %swap3A_745 = tpu.vector_load %arg17[%swap3A_743, %swap3A_744] {strides = array<i32>} : memref<80x128xf32, #tpu.memory_space<vmem>>, vector<1x16xf32>,
        %swap3A_746 = vector.shape_cast %swap3A_745 : vector<1x16xf32> to vector<16xf32>
        %swap3A_747 = vector.shape_cast %mul3A_742 : vector<16xf32> to vector<1x16xf32>
        tpu.vector_store %arg17[%swap3A_743, %swap3A_744], %swap3A_747 {strides = array<i32>} : memref<80x128xf32, #tpu.memory_space<vmem>>, vector<1x16xf32>,
        %get3A_748 = arith.index_cast %scan3A_693 : i32 to index
        %get3A_749 = arith.constant 64 : index
        %get3A_750 = tpu.vector_load %arg17[%get3A_748, %get3A_749] {strides = array<i32>} : memref<80x128xf32, #tpu.memory_space<vmem>>, vector<1x16xf32>,
        %get3A_751 = vector.shape_cast %get3A_750 : vector<1x16xf32> to vector<16xf32>
        %slice3A_752 = vector.extract_strided_slice %get3A_697 {offsets = [4], sizes = [1], strides = [1]} : vector<16xf32> to vector<1xf32>
        %squeeze3A_753 = vector.extract %slice3A_752[0] : f32 from vector<1xf32>
        %mul3A_754 = vector.broadcast %squeeze3A_753 : f32 to vector<16xf32>
        %mul3A_755 = arith.mulf %get3A_751, %mul3A_754 : vector<16xf32>
        %swap3A_756 = arith.index_cast %scan3A_693 : i32 to index
        %swap3A_757 = arith.constant 64 : index
        %swap3A_758 = tpu.vector_load %arg17[%swap3A_756, %swap3A_757] {strides = array<i32>} : memref<80x128xf32, #tpu.memory_space<vmem>>, vector<1x16xf32>,
        %swap3A_759 = vector.shape_cast %swap3A_758 : vector<1x16xf32> to vector<16xf32>
        %swap3A_760 = vector.shape_cast %mul3A_755 : vector<16xf32> to vector<1x16xf32>
        tpu.vector_store %arg17[%swap3A_756, %swap3A_757], %swap3A_760 {strides = array<i32>} : memref<80x128xf32, #tpu.memory_space<vmem>>, vector<1x16xf32>,
        %get3A_761 = arith.index_cast %scan3A_693 : i32 to index
        %get3A_762 = arith.constant 80 : index
        %get3A_763 = tpu.vector_load %arg17[%get3A_761, %get3A_762] {strides = array<i32>} : memref<80x128xf32, #tpu.memory_space<vmem>>, vector<1x16xf32>,
        %get3A_764 = vector.shape_cast %get3A_763 : vector<1x16xf32> to vector<16xf32>
        %slice3A_765 = vector.extract_strided_slice %get3A_697 {offsets = [5], sizes = [1], strides = [1]} : vector<16xf32> to vector<1xf32>
        %squeeze3A_766 = vector.extract %slice3A_765[0] : f32 from vector<1xf32>
        %mul3A_767 = vector.broadcast %squeeze3A_766 : f32 to vector<16xf32>
        %mul3A_768 = arith.mulf %get3A_764, %mul3A_767 : vector<16xf32>
        %swap3A_769 = arith.index_cast %scan3A_693 : i32 to index
        %swap3A_770 = arith.constant 80 : index
        %swap3A_771 = tpu.vector_load %arg17[%swap3A_769, %swap3A_770] {strides = array<i32>} : memref<80x128xf32, #tpu.memory_space<vmem>>, vector<1x16xf32>,
        %swap3A_772 = vector.shape_cast %swap3A_771 : vector<1x16xf32> to vector<16xf32>
        %swap3A_773 = vector.shape_cast %mul3A_768 : vector<16xf32> to vector<1x16xf32>
        tpu.vector_store %arg17[%swap3A_769, %swap3A_770], %swap3A_773 {strides = array<i32>} : memref<80x128xf32, #tpu.memory_space<vmem>>, vector<1x16xf32>,
        %get3A_774 = arith.index_cast %scan3A_693 : i32 to index
        %get3A_775 = arith.constant 96 : index
        %get3A_776 = tpu.vector_load %arg17[%get3A_774, %get3A_775] {strides = array<i32>} : memref<80x128xf32, #tpu.memory_space<vmem>>, vector<1x16xf32>,
        %get3A_777 = vector.shape_cast %get3A_776 : vector<1x16xf32> to vector<16xf32>
        %slice3A_778 = vector.extract_strided_slice %get3A_697 {offsets = [6], sizes = [1], strides = [1]} : vector<16xf32> to vector<1xf32>
        %squeeze3A_779 = vector.extract %slice3A_778[0] : f32 from vector<1xf32>
        %mul3A_780 = vector.broadcast %squeeze3A_779 : f32 to vector<16xf32>
        %mul3A_781 = arith.mulf %get3A_777, %mul3A_780 : vector<16xf32>
        %swap3A_782 = arith.index_cast %scan3A_693 : i32 to index
        %swap3A_783 = arith.constant 96 : index
        %swap3A_784 = tpu.vector_load %arg17[%swap3A_782, %swap3A_783] {strides = array<i32>} : memref<80x128xf32, #tpu.memory_space<vmem>>, vector<1x16xf32>,
        %swap3A_785 = vector.shape_cast %swap3A_784 : vector<1x16xf32> to vector<16xf32>
        %swap3A_786 = vector.shape_cast %mul3A_781 : vector<16xf32> to vector<1x16xf32>
        tpu.vector_store %arg17[%swap3A_782, %swap3A_783], %swap3A_786 {strides = array<i32>} : memref<80x128xf32, #tpu.memory_space<vmem>>, vector<1x16xf32>,
        %get3A_787 = arith.index_cast %scan3A_693 : i32 to index
        %get3A_788 = arith.constant 112 : index
        %get3A_789 = tpu.vector_load %arg17[%get3A_787, %get3A_788] {strides = array<i32>} : memref<80x128xf32, #tpu.memory_space<vmem>>, vector<1x16xf32>,
        %get3A_790 = vector.shape_cast %get3A_789 : vector<1x16xf32> to vector<16xf32>
        %slice3A_791 = vector.extract_strided_slice %get3A_697 {offsets = [7], sizes = [1], strides = [1]} : vector<16xf32> to vector<1xf32>
        %squeeze3A_792 = vector.extract %slice3A_791[0] : f32 from vector<1xf32>
        %mul3A_793 = vector.broadcast %squeeze3A_792 : f32 to vector<16xf32>
        %mul3A_794 = arith.mulf %get3A_790, %mul3A_793 : vector<16xf32>
        %swap3A_795 = arith.index_cast %scan3A_693 : i32 to index
        %swap3A_796 = arith.constant 112 : index
        %swap3A_797 = tpu.vector_load %arg17[%swap3A_795, %swap3A_796] {strides = array<i32>} : memref<80x128xf32, #tpu.memory_space<vmem>>, vector<1x16xf32>,
        %swap3A_798 = vector.shape_cast %swap3A_797 : vector<1x16xf32> to vector<16xf32>
        %swap3A_799 = vector.shape_cast %mul3A_794 : vector<16xf32> to vector<1x16xf32>
        tpu.vector_store %arg17[%swap3A_795, %swap3A_796], %swap3A_799 {strides = array<i32>} : memref<80x128xf32, #tpu.memory_space<vmem>>, vector<1x16xf32>,
        %scan3A_800 = arith.constant 1 : i32
        %scan3A_801 = arith.addi %scan3A_693, %scan3A_800 : i32
        %get3A_802 = arith.index_cast %scan3A_801 : i32 to index
        %get3A_803 = arith.constant 0 : index
        %get3A_804 = tpu.vector_load %arg22[%get3A_802, %get3A_803] {strides = array<i32>} : memref<80x16xf32, #tpu.memory_space<vmem>>, vector<1x16xf32>,
        %get3A_805 = vector.shape_cast %get3A_804 : vector<1x16xf32> to vector<16xf32>
        %get3A_806 = arith.index_cast %scan3A_801 : i32 to index
        %get3A_807 = arith.constant 0 : index
        %get3A_808 = tpu.vector_load %arg17[%get3A_806, %get3A_807] {strides = array<i32>} : memref<80x128xf32, #tpu.memory_space<vmem>>, vector<1x16xf32>,
        %get3A_809 = vector.shape_cast %get3A_808 : vector<1x16xf32> to vector<16xf32>
        %slice3A_810 = vector.extract_strided_slice %get3A_805 {offsets = [0], sizes = [1], strides = [1]} : vector<16xf32> to vector<1xf32>
        %squeeze3A_811 = vector.extract %slice3A_810[0] : f32 from vector<1xf32>
        %mul3A_812 = vector.broadcast %squeeze3A_811 : f32 to vector<16xf32>
        %mul3A_813 = arith.mulf %get3A_809, %mul3A_812 : vector<16xf32>
        %swap3A_814 = arith.index_cast %scan3A_801 : i32 to index
        %swap3A_815 = arith.constant 0 : index
        %swap3A_816 = tpu.vector_load %arg17[%swap3A_814, %swap3A_815] {strides = array<i32>} : memref<80x128xf32, #tpu.memory_space<vmem>>, vector<1x16xf32>,
        %swap3A_817 = vector.shape_cast %swap3A_816 : vector<1x16xf32> to vector<16xf32>
        %swap3A_818 = vector.shape_cast %mul3A_813 : vector<16xf32> to vector<1x16xf32>
        tpu.vector_store %arg17[%swap3A_814, %swap3A_815], %swap3A_818 {strides = array<i32>} : memref<80x128xf32, #tpu.memory_space<vmem>>, vector<1x16xf32>,
        %get3A_819 = arith.index_cast %scan3A_801 : i32 to index
        %get3A_820 = arith.constant 16 : index
        %get3A_821 = tpu.vector_load %arg17[%get3A_819, %get3A_820] {strides = array<i32>} : memref<80x128xf32, #tpu.memory_space<vmem>>, vector<1x16xf32>,
        %get3A_822 = vector.shape_cast %get3A_821 : vector<1x16xf32> to vector<16xf32>
        %slice3A_823 = vector.extract_strided_slice %get3A_805 {offsets = [1], sizes = [1], strides = [1]} : vector<16xf32> to vector<1xf32>
        %squeeze3A_824 = vector.extract %slice3A_823[0] : f32 from vector<1xf32>
        %mul3A_825 = vector.broadcast %squeeze3A_824 : f32 to vector<16xf32>
        %mul3A_826 = arith.mulf %get3A_822, %mul3A_825 : vector<16xf32>
        %swap3A_827 = arith.index_cast %scan3A_801 : i32 to index
        %swap3A_828 = arith.constant 16 : index
        %swap3A_829 = tpu.vector_load %arg17[%swap3A_827, %swap3A_828] {strides = array<i32>} : memref<80x128xf32, #tpu.memory_space<vmem>>, vector<1x16xf32>,
        %swap3A_830 = vector.shape_cast %swap3A_829 : vector<1x16xf32> to vector<16xf32>
        %swap3A_831 = vector.shape_cast %mul3A_826 : vector<16xf32> to vector<1x16xf32>
        tpu.vector_store %arg17[%swap3A_827, %swap3A_828], %swap3A_831 {strides = array<i32>} : memref<80x128xf32, #tpu.memory_space<vmem>>, vector<1x16xf32>,
        %get3A_832 = arith.index_cast %scan3A_801 : i32 to index
        %get3A_833 = arith.constant 32 : index
        %get3A_834 = tpu.vector_load %arg17[%get3A_832, %get3A_833] {strides = array<i32>} : memref<80x128xf32, #tpu.memory_space<vmem>>, vector<1x16xf32>,
        %get3A_835 = vector.shape_cast %get3A_834 : vector<1x16xf32> to vector<16xf32>
        %slice3A_836 = vector.extract_strided_slice %get3A_805 {offsets = [2], sizes = [1], strides = [1]} : vector<16xf32> to vector<1xf32>
        %squeeze3A_837 = vector.extract %slice3A_836[0] : f32 from vector<1xf32>
        %mul3A_838 = vector.broadcast %squeeze3A_837 : f32 to vector<16xf32>
        %mul3A_839 = arith.mulf %get3A_835, %mul3A_838 : vector<16xf32>
        %swap3A_840 = arith.index_cast %scan3A_801 : i32 to index
        %swap3A_841 = arith.constant 32 : index
        %swap3A_842 = tpu.vector_load %arg17[%swap3A_840, %swap3A_841] {strides = array<i32>} : memref<80x128xf32, #tpu.memory_space<vmem>>, vector<1x16xf32>,
        %swap3A_843 = vector.shape_cast %swap3A_842 : vector<1x16xf32> to vector<16xf32>
        %swap3A_844 = vector.shape_cast %mul3A_839 : vector<16xf32> to vector<1x16xf32>
        tpu.vector_store %arg17[%swap3A_840, %swap3A_841], %swap3A_844 {strides = array<i32>} : memref<80x128xf32, #tpu.memory_space<vmem>>, vector<1x16xf32>,
        %get3A_845 = arith.index_cast %scan3A_801 : i32 to index
        %get3A_846 = arith.constant 48 : index
        %get3A_847 = tpu.vector_load %arg17[%get3A_845, %get3A_846] {strides = array<i32>} : memref<80x128xf32, #tpu.memory_space<vmem>>, vector<1x16xf32>,
        %get3A_848 = vector.shape_cast %get3A_847 : vector<1x16xf32> to vector<16xf32>
        %slice3A_849 = vector.extract_strided_slice %get3A_805 {offsets = [3], sizes = [1], strides = [1]} : vector<16xf32> to vector<1xf32>
        %squeeze3A_850 = vector.extract %slice3A_849[0] : f32 from vector<1xf32>
        %mul3A_851 = vector.broadcast %squeeze3A_850 : f32 to vector<16xf32>
        %mul3A_852 = arith.mulf %get3A_848, %mul3A_851 : vector<16xf32>
        %swap3A_853 = arith.index_cast %scan3A_801 : i32 to index
        %swap3A_854 = arith.constant 48 : index
        %swap3A_855 = tpu.vector_load %arg17[%swap3A_853, %swap3A_854] {strides = array<i32>} : memref<80x128xf32, #tpu.memory_space<vmem>>, vector<1x16xf32>,
        %swap3A_856 = vector.shape_cast %swap3A_855 : vector<1x16xf32> to vector<16xf32>
        %swap3A_857 = vector.shape_cast %mul3A_852 : vector<16xf32> to vector<1x16xf32>
        tpu.vector_store %arg17[%swap3A_853, %swap3A_854], %swap3A_857 {strides = array<i32>} : memref<80x128xf32, #tpu.memory_space<vmem>>, vector<1x16xf32>,
        %get3A_858 = arith.index_cast %scan3A_801 : i32 to index
        %get3A_859 = arith.constant 64 : index
        %get3A_860 = tpu.vector_load %arg17[%get3A_858, %get3A_859] {strides = array<i32>} : memref<80x128xf32, #tpu.memory_space<vmem>>, vector<1x16xf32>,
        %get3A_861 = vector.shape_cast %get3A_860 : vector<1x16xf32> to vector<16xf32>
        %slice3A_862 = vector.extract_strided_slice %get3A_805 {offsets = [4], sizes = [1], strides = [1]} : vector<16xf32> to vector<1xf32>
        %squeeze3A_863 = vector.extract %slice3A_862[0] : f32 from vector<1xf32>
        %mul3A_864 = vector.broadcast %squeeze3A_863 : f32 to vector<16xf32>
        %mul3A_865 = arith.mulf %get3A_861, %mul3A_864 : vector<16xf32>
        %swap3A_866 = arith.index_cast %scan3A_801 : i32 to index
        %swap3A_867 = arith.constant 64 : index
        %swap3A_868 = tpu.vector_load %arg17[%swap3A_866, %swap3A_867] {strides = array<i32>} : memref<80x128xf32, #tpu.memory_space<vmem>>, vector<1x16xf32>,
        %swap3A_869 = vector.shape_cast %swap3A_868 : vector<1x16xf32> to vector<16xf32>
        %swap3A_870 = vector.shape_cast %mul3A_865 : vector<16xf32> to vector<1x16xf32>
        tpu.vector_store %arg17[%swap3A_866, %swap3A_867], %swap3A_870 {strides = array<i32>} : memref<80x128xf32, #tpu.memory_space<vmem>>, vector<1x16xf32>,
        %get3A_871 = arith.index_cast %scan3A_801 : i32 to index
        %get3A_872 = arith.constant 80 : index
        %get3A_873 = tpu.vector_load %arg17[%get3A_871, %get3A_872] {strides = array<i32>} : memref<80x128xf32, #tpu.memory_space<vmem>>, vector<1x16xf32>,
        %get3A_874 = vector.shape_cast %get3A_873 : vector<1x16xf32> to vector<16xf32>
        %slice3A_875 = vector.extract_strided_slice %get3A_805 {offsets = [5], sizes = [1], strides = [1]} : vector<16xf32> to vector<1xf32>
        %squeeze3A_876 = vector.extract %slice3A_875[0] : f32 from vector<1xf32>
        %mul3A_877 = vector.broadcast %squeeze3A_876 : f32 to vector<16xf32>
        %mul3A_878 = arith.mulf %get3A_874, %mul3A_877 : vector<16xf32>
        %swap3A_879 = arith.index_cast %scan3A_801 : i32 to index
        %swap3A_880 = arith.constant 80 : index
        %swap3A_881 = tpu.vector_load %arg17[%swap3A_879, %swap3A_880] {strides = array<i32>} : memref<80x128xf32, #tpu.memory_space<vmem>>, vector<1x16xf32>,
        %swap3A_882 = vector.shape_cast %swap3A_881 : vector<1x16xf32> to vector<16xf32>
        %swap3A_883 = vector.shape_cast %mul3A_878 : vector<16xf32> to vector<1x16xf32>
        tpu.vector_store %arg17[%swap3A_879, %swap3A_880], %swap3A_883 {strides = array<i32>} : memref<80x128xf32, #tpu.memory_space<vmem>>, vector<1x16xf32>,
        %get3A_884 = arith.index_cast %scan3A_801 : i32 to index
        %get3A_885 = arith.constant 96 : index
        %get3A_886 = tpu.vector_load %arg17[%get3A_884, %get3A_885] {strides = array<i32>} : memref<80x128xf32, #tpu.memory_space<vmem>>, vector<1x16xf32>,
        %get3A_887 = vector.shape_cast %get3A_886 : vector<1x16xf32> to vector<16xf32>
        %slice3A_888 = vector.extract_strided_slice %get3A_805 {offsets = [6], sizes = [1], strides = [1]} : vector<16xf32> to vector<1xf32>
        %squeeze3A_889 = vector.extract %slice3A_888[0] : f32 from vector<1xf32>
        %mul3A_890 = vector.broadcast %squeeze3A_889 : f32 to vector<16xf32>
        %mul3A_891 = arith.mulf %get3A_887, %mul3A_890 : vector<16xf32>
        %swap3A_892 = arith.index_cast %scan3A_801 : i32 to index
        %swap3A_893 = arith.constant 96 : index
        %swap3A_894 = tpu.vector_load %arg17[%swap3A_892, %swap3A_893] {strides = array<i32>} : memref<80x128xf32, #tpu.memory_space<vmem>>, vector<1x16xf32>,
        %swap3A_895 = vector.shape_cast %swap3A_894 : vector<1x16xf32> to vector<16xf32>
        %swap3A_896 = vector.shape_cast %mul3A_891 : vector<16xf32> to vector<1x16xf32>
        tpu.vector_store %arg17[%swap3A_892, %swap3A_893], %swap3A_896 {strides = array<i32>} : memref<80x128xf32, #tpu.memory_space<vmem>>, vector<1x16xf32>,
        %get3A_897 = arith.index_cast %scan3A_801 : i32 to index
        %get3A_898 = arith.constant 112 : index
        %get3A_899 = tpu.vector_load %arg17[%get3A_897, %get3A_898] {strides = array<i32>} : memref<80x128xf32, #tpu.memory_space<vmem>>, vector<1x16xf32>,
        %get3A_900 = vector.shape_cast %get3A_899 : vector<1x16xf32> to vector<16xf32>
        %slice3A_901 = vector.extract_strided_slice %get3A_805 {offsets = [7], sizes = [1], strides = [1]} : vector<16xf32> to vector<1xf32>
        %squeeze3A_902 = vector.extract %slice3A_901[0] : f32 from vector<1xf32>
        %mul3A_903 = vector.broadcast %squeeze3A_902 : f32 to vector<16xf32>
        %mul3A_904 = arith.mulf %get3A_900, %mul3A_903 : vector<16xf32>
        %swap3A_905 = arith.index_cast %scan3A_801 : i32 to index
        %swap3A_906 = arith.constant 112 : index
        %swap3A_907 = tpu.vector_load %arg17[%swap3A_905, %swap3A_906] {strides = array<i32>} : memref<80x128xf32, #tpu.memory_space<vmem>>, vector<1x16xf32>,
        %swap3A_908 = vector.shape_cast %swap3A_907 : vector<1x16xf32> to vector<16xf32>
        %swap3A_909 = vector.shape_cast %mul3A_904 : vector<16xf32> to vector<1x16xf32>
        tpu.vector_store %arg17[%swap3A_905, %swap3A_906], %swap3A_909 {strides = array<i32>} : memref<80x128xf32, #tpu.memory_space<vmem>>, vector<1x16xf32>,
      }
      %scan3A_689 = arith.constant 80 : i32
      %dma_wait3A_690 = arith.constant 0 : i32
      %dma_wait3A_691 = arith.constant 0 : i32
      %dma_wait3A_692 = tpu.memref_slice %arg24[%dma_wait3A_690, %dma_wait3A_691] : memref<5008x16xf32, #tpu.memory_space<vmem_shared>> -> memref<5008x16xf32, #tpu.memory_space<vmem_shared>>
      tpu.wait_indirect_dma semaphore(%arg36 : memref<!tpu.dma_semaphore, #tpu.memory_space<semaphore_mem>>) src(%arg22 : memref<80x16xf32, #tpu.memory_space<vmem>>) dst(%dma_wait3A_692 : memref<5008x16xf32, #tpu.memory_space<vmem_shared>>)
      "tpu.region"() ({
        %run_scoped3A = tpu.sem_alloc : memref<!tpu.dma_semaphore, #tpu.memory_space<semaphore_mem>>
        %dma_start3A_693 = arith.constant 0 : i32
        %dma_start3A_694 = arith.constant 0 : i32
        %dma_start3A_695 = tpu.memref_slice %arg23[%dma_start3A_693, %dma_start3A_694] : memref<5008x128xf32, #tpu.memory_space<vmem_shared>> -> memref<5008x128xf32, #tpu.memory_space<vmem_shared>>
        tpu.enqueue_indirect_dma source(%arg17 : memref<80x128xf32, #tpu.memory_space<vmem>>) target(%dma_start3A_695 : memref<5008x128xf32, #tpu.memory_space<vmem_shared>>) offsets(%arg13 : memref<80xi32, #tpu.memory_space<vmem>>) semaphore(%run_scoped3A : memref<!tpu.dma_semaphore, #tpu.memory_space<semaphore_mem>>) {add = true}
        %dma_wait3A_696 = arith.constant 0 : i32
        %dma_wait3A_697 = arith.constant 0 : i32
        %dma_wait3A_698 = tpu.memref_slice %arg23[%dma_wait3A_696, %dma_wait3A_697] : memref<5008x128xf32, #tpu.memory_space<vmem_shared>> -> memref<5008x128xf32, #tpu.memory_space<vmem_shared>>
        tpu.wait_indirect_dma semaphore(%run_scoped3A : memref<!tpu.dma_semaphore, #tpu.memory_space<semaphore_mem>>) src(%arg17 : memref<80x128xf32, #tpu.memory_space<vmem>>) dst(%dma_wait3A_698 : memref<5008x128xf32, #tpu.memory_space<vmem_shared>>)
        tpu.yield
      }) : () -> ()
    }
    %scan3A_220 = arith.constant 125 : i32
    %dma_wait3A_221 = arith.constant 0 : i32
    %dma_wait3A_222 = tpu.memref_slice %arg4[%dma_wait3A_221] : memref<320000xi32, #tpu.memory_space<hbm>> -> memref<80xi32, #tpu.memory_space<hbm>>
    %dma_wait3A_223 = arith.constant 0 : i32
    %dma_wait3A_224 = tpu.memref_slice %arg4[%dma_wait3A_223] : memref<320000xi32, #tpu.memory_space<hbm>> -> memref<80xi32, #tpu.memory_space<hbm>>
    tpu.wait_dma2 semaphore(%arg31 : memref<!tpu.dma_semaphore, #tpu.memory_space<semaphore_mem>>) src(%dma_wait3A_224 : memref<80xi32, #tpu.memory_space<hbm>>) dst(%arg11 : memref<80xi32, #tpu.memory_space<vmem>>)
    %dma_wait3A_225 = arith.constant 0 : i32
    %dma_wait3A_226 = tpu.memref_slice %arg5[%dma_wait3A_225] : memref<320000xi32, #tpu.memory_space<hbm>> -> memref<80xi32, #tpu.memory_space<hbm>>
    %dma_wait3A_227 = arith.constant 0 : i32
    %dma_wait3A_228 = tpu.memref_slice %arg5[%dma_wait3A_227] : memref<320000xi32, #tpu.memory_space<hbm>> -> memref<80xi32, #tpu.memory_space<hbm>>
    tpu.wait_dma2 semaphore(%arg32 : memref<!tpu.dma_semaphore, #tpu.memory_space<semaphore_mem>>) src(%dma_wait3A_228 : memref<80xi32, #tpu.memory_space<hbm>>) dst(%arg15 : memref<80xi32, #tpu.memory_space<vmem>>)
    %dma_wait3A_229 = arith.constant 0 : i32
    %dma_wait3A_230 = arith.constant 0 : i32
    %dma_wait3A_231 = tpu.memref_slice %arg2[%dma_wait3A_229, %dma_wait3A_230] : memref<10000x128xf32, #tpu.memory_space<hbm>> -> memref<80x128xf32, #tpu.memory_space<hbm>>
    %dma_wait3A_232 = arith.constant 0 : i32
    %dma_wait3A_233 = arith.constant 0 : i32
    %dma_wait3A_234 = tpu.memref_slice %arg2[%dma_wait3A_232, %dma_wait3A_233] : memref<10000x128xf32, #tpu.memory_space<hbm>> -> memref<80x128xf32, #tpu.memory_space<hbm>>
    tpu.wait_dma2 semaphore(%arg28 : memref<!tpu.dma_semaphore, #tpu.memory_space<semaphore_mem>>) src(%dma_wait3A_234 : memref<80x128xf32, #tpu.memory_space<hbm>>) dst(%arg16 : memref<80x128xf32, #tpu.memory_space<vmem>>)
    %dma_wait3A_235 = arith.constant 0 : i32
    %dma_wait3A_236 = arith.constant 0 : i32
    %dma_wait3A_237 = tpu.memref_slice %arg25[%dma_wait3A_235, %dma_wait3A_236] : memref<10000x16xf32, #tpu.memory_space<vmem_shared>> -> memref<80x16xf32, #tpu.memory_space<vmem_shared>>
    %dma_wait3A_238 = arith.constant 0 : i32
    %dma_wait3A_239 = arith.constant 0 : i32
    %dma_wait3A_240 = tpu.memref_slice %arg25[%dma_wait3A_238, %dma_wait3A_239] : memref<10000x16xf32, #tpu.memory_space<vmem_shared>> -> memref<80x16xf32, #tpu.memory_space<vmem_shared>>
    tpu.wait_dma2 semaphore(%arg29 : memref<!tpu.dma_semaphore, #tpu.memory_space<semaphore_mem>>) src(%dma_wait3A_240 : memref<80x16xf32, #tpu.memory_space<vmem_shared>>) dst(%arg18 : memref<80x16xf32, #tpu.memory_space<vmem>>)
    %dma_wait3A_241 = arith.constant 0 : i32
    %dma_wait3A_242 = arith.constant 0 : i32
    %dma_wait3A_243 = tpu.memref_slice %arg25[%dma_wait3A_241, %dma_wait3A_242] : memref<10000x16xf32, #tpu.memory_space<vmem_shared>> -> memref<80x16xf32, #tpu.memory_space<vmem_shared>>
    %dma_wait3A_244 = arith.constant 0 : i32
    %dma_wait3A_245 = arith.constant 0 : i32
    %dma_wait3A_246 = tpu.memref_slice %arg25[%dma_wait3A_244, %dma_wait3A_245] : memref<10000x16xf32, #tpu.memory_space<vmem_shared>> -> memref<80x16xf32, #tpu.memory_space<vmem_shared>>
    tpu.wait_dma2 semaphore(%arg30 : memref<!tpu.dma_semaphore, #tpu.memory_space<semaphore_mem>>) src(%dma_wait3A_246 : memref<80x16xf32, #tpu.memory_space<vmem_shared>>) dst(%arg20 : memref<80x16xf32, #tpu.memory_space<vmem>>)
    %barrier3A_247 = arith.constant 0 : index
    tpu.barrier barrier_id(%barrier3A_247)
    "tpu.region"() ({
      %run_scoped3A = tpu.sem_alloc : memref<!tpu.dma_semaphore, #tpu.memory_space<semaphore_mem>>
      %dma_start3A_253 = arith.constant 0 : i32
      %dma_start3A_254 = tpu.memref_slice %arg8[%arg0, %mul3A_2, %dma_start3A_253] : memref<2x5000x128xf32, #tpu.memory_space<hbm>> -> memref<1x312x128xf32, #tpu.memory_space<hbm>>
      %dma_start3A_255 = tpu.memref_squeeze %dma_start3A_254 : memref<1x312x128xf32, #tpu.memory_space<hbm>> -> memref<312x128xf32, #tpu.memory_space<hbm>>
      %dma_start3A_256 = arith.constant 0 : i32
      %dma_start3A_257 = tpu.memref_slice %arg23[%mul3A_2, %dma_start3A_256] : memref<5008x128xf32, #tpu.memory_space<vmem_shared>> -> memref<312x128xf32, #tpu.memory_space<vmem_shared>>
      tpu.enqueue_dma source(%dma_start3A_257 : memref<312x128xf32, #tpu.memory_space<vmem_shared>>) target(%dma_start3A_255 : memref<312x128xf32, #tpu.memory_space<hbm>>) target_semaphore(%run_scoped3A : memref<!tpu.dma_semaphore, #tpu.memory_space<semaphore_mem>>)
      %dma_wait3A_258 = arith.constant 0 : i32
      %dma_wait3A_259 = tpu.memref_slice %arg8[%arg0, %mul3A_2, %dma_wait3A_258] : memref<2x5000x128xf32, #tpu.memory_space<hbm>> -> memref<1x312x128xf32, #tpu.memory_space<hbm>>
      %dma_wait3A_260 = tpu.memref_squeeze %dma_wait3A_259 : memref<1x312x128xf32, #tpu.memory_space<hbm>> -> memref<312x128xf32, #tpu.memory_space<hbm>>
      %dma_wait3A_261 = arith.constant 0 : i32
      %dma_wait3A_262 = tpu.memref_slice %arg23[%mul3A_2, %dma_wait3A_261] : memref<5008x128xf32, #tpu.memory_space<vmem_shared>> -> memref<312x128xf32, #tpu.memory_space<vmem_shared>>
      tpu.wait_dma2 semaphore(%run_scoped3A : memref<!tpu.dma_semaphore, #tpu.memory_space<semaphore_mem>>) src(%dma_wait3A_262 : memref<312x128xf32, #tpu.memory_space<vmem_shared>>) dst(%dma_wait3A_260 : memref<312x128xf32, #tpu.memory_space<hbm>>)
      tpu.yield
    }) : () -> ()
    "tpu.region"() ({
      %run_scoped3A = tpu.sem_alloc : memref<!tpu.dma_semaphore, #tpu.memory_space<semaphore_mem>>
      %dma_start3A_253 = arith.constant 0 : i32
      %dma_start3A_254 = tpu.memref_slice %arg9[%arg0, %mul3A_2, %dma_start3A_253] : memref<2x5000x16xf32, #tpu.memory_space<hbm>> -> memref<1x312x16xf32, #tpu.memory_space<hbm>>
      %dma_start3A_255 = tpu.memref_squeeze %dma_start3A_254 : memref<1x312x16xf32, #tpu.memory_space<hbm>> -> memref<312x16xf32, #tpu.memory_space<hbm>>
      %dma_start3A_256 = arith.constant 0 : i32
      %dma_start3A_257 = tpu.memref_slice %arg24[%mul3A_2, %dma_start3A_256] : memref<5008x16xf32, #tpu.memory_space<vmem_shared>> -> memref<312x16xf32, #tpu.memory_space<vmem_shared>>
      tpu.enqueue_dma source(%dma_start3A_257 : memref<312x16xf32, #tpu.memory_space<vmem_shared>>) target(%dma_start3A_255 : memref<312x16xf32, #tpu.memory_space<hbm>>) target_semaphore(%run_scoped3A : memref<!tpu.dma_semaphore, #tpu.memory_space<semaphore_mem>>)
      %dma_wait3A_258 = arith.constant 0 : i32
      %dma_wait3A_259 = tpu.memref_slice %arg9[%arg0, %mul3A_2, %dma_wait3A_258] : memref<2x5000x16xf32, #tpu.memory_space<hbm>> -> memref<1x312x16xf32, #tpu.memory_space<hbm>>
      %dma_wait3A_260 = tpu.memref_squeeze %dma_wait3A_259 : memref<1x312x16xf32, #tpu.memory_space<hbm>> -> memref<312x16xf32, #tpu.memory_space<hbm>>
      %dma_wait3A_261 = arith.constant 0 : i32
      %dma_wait3A_262 = tpu.memref_slice %arg24[%mul3A_2, %dma_wait3A_261] : memref<5008x16xf32, #tpu.memory_space<vmem_shared>> -> memref<312x16xf32, #tpu.memory_space<vmem_shared>>
      tpu.wait_dma2 semaphore(%run_scoped3A : memref<!tpu.dma_semaphore, #tpu.memory_space<semaphore_mem>>) src(%dma_wait3A_262 : memref<312x16xf32, #tpu.memory_space<vmem_shared>>) dst(%dma_wait3A_260 : memref<312x16xf32, #tpu.memory_space<hbm>>)
      tpu.yield
    }) : () -> ()
    %eq3A_248 = arith.constant 0 : i32
    %eq3A_249 = arith.cmpi eq, %arg1, %eq3A_248 : i32
    %convert_element_type3A_250 = arith.extui %eq3A_249 : i1 to i32
    %cond3A_251 = arith.constant 0 : i32
    %cond3A_252 = arith.cmpi ne, %convert_element_type3A_250, %cond3A_251 : i32
    scf.if %cond3A_252 {
      "tpu.region"() ({
        %run_scoped3A = tpu.sem_alloc : memref<!tpu.dma_semaphore, #tpu.memory_space<semaphore_mem>>
        %dma_start3A_253 = arith.constant 4992 : i32
        %dma_start3A_254 = arith.constant 0 : i32
        %dma_start3A_255 = tpu.memref_slice %arg8[%arg0, %dma_start3A_253, %dma_start3A_254] : memref<2x5000x128xf32, #tpu.memory_space<hbm>> -> memref<1x8x128xf32, #tpu.memory_space<hbm>>
        %dma_start3A_256 = tpu.memref_squeeze %dma_start3A_255 : memref<1x8x128xf32, #tpu.memory_space<hbm>> -> memref<8x128xf32, #tpu.memory_space<hbm>>
        %dma_start3A_257 = arith.constant 4992 : i32
        %dma_start3A_258 = arith.constant 0 : i32
        %dma_start3A_259 = tpu.memref_slice %arg23[%dma_start3A_257, %dma_start3A_258] : memref<5008x128xf32, #tpu.memory_space<vmem_shared>> -> memref<8x128xf32, #tpu.memory_space<vmem_shared>>
        tpu.enqueue_dma source(%dma_start3A_259 : memref<8x128xf32, #tpu.memory_space<vmem_shared>>) target(%dma_start3A_256 : memref<8x128xf32, #tpu.memory_space<hbm>>) target_semaphore(%run_scoped3A : memref<!tpu.dma_semaphore, #tpu.memory_space<semaphore_mem>>)
        %dma_wait3A_260 = arith.constant 4992 : i32
        %dma_wait3A_261 = arith.constant 0 : i32
        %dma_wait3A_262 = tpu.memref_slice %arg8[%arg0, %dma_wait3A_260, %dma_wait3A_261] : memref<2x5000x128xf32, #tpu.memory_space<hbm>> -> memref<1x8x128xf32, #tpu.memory_space<hbm>>
        %dma_wait3A_263 = tpu.memref_squeeze %dma_wait3A_262 : memref<1x8x128xf32, #tpu.memory_space<hbm>> -> memref<8x128xf32, #tpu.memory_space<hbm>>
        %dma_wait3A_264 = arith.constant 4992 : i32
        %dma_wait3A_265 = arith.constant 0 : i32
        %dma_wait3A_266 = tpu.memref_slice %arg23[%dma_wait3A_264, %dma_wait3A_265] : memref<5008x128xf32, #tpu.memory_space<vmem_shared>> -> memref<8x128xf32, #tpu.memory_space<vmem_shared>>
        tpu.wait_dma2 semaphore(%run_scoped3A : memref<!tpu.dma_semaphore, #tpu.memory_space<semaphore_mem>>) src(%dma_wait3A_266 : memref<8x128xf32, #tpu.memory_space<vmem_shared>>) dst(%dma_wait3A_263 : memref<8x128xf32, #tpu.memory_space<hbm>>)
        tpu.yield
      }) : () -> ()
      "tpu.region"() ({
        %run_scoped3A = tpu.sem_alloc : memref<!tpu.dma_semaphore, #tpu.memory_space<semaphore_mem>>
        %dma_start3A_253 = arith.constant 4992 : i32
        %dma_start3A_254 = arith.constant 0 : i32
        %dma_start3A_255 = tpu.memref_slice %arg9[%arg0, %dma_start3A_253, %dma_start3A_254] : memref<2x5000x16xf32, #tpu.memory_space<hbm>> -> memref<1x8x16xf32, #tpu.memory_space<hbm>>
        %dma_start3A_256 = tpu.memref_squeeze %dma_start3A_255 : memref<1x8x16xf32, #tpu.memory_space<hbm>> -> memref<8x16xf32, #tpu.memory_space<hbm>>
        %dma_start3A_257 = arith.constant 4992 : i32
        %dma_start3A_258 = arith.constant 0 : i32
        %dma_start3A_259 = tpu.memref_slice %arg24[%dma_start3A_257, %dma_start3A_258] : memref<5008x16xf32, #tpu.memory_space<vmem_shared>> -> memref<8x16xf32, #tpu.memory_space<vmem_shared>>
        tpu.enqueue_dma source(%dma_start3A_259 : memref<8x16xf32, #tpu.memory_space<vmem_shared>>) target(%dma_start3A_256 : memref<8x16xf32, #tpu.memory_space<hbm>>) target_semaphore(%run_scoped3A : memref<!tpu.dma_semaphore, #tpu.memory_space<semaphore_mem>>)
        %dma_wait3A_260 = arith.constant 4992 : i32
        %dma_wait3A_261 = arith.constant 0 : i32
        %dma_wait3A_262 = tpu.memref_slice %arg9[%arg0, %dma_wait3A_260, %dma_wait3A_261] : memref<2x5000x16xf32, #tpu.memory_space<hbm>> -> memref<1x8x16xf32, #tpu.memory_space<hbm>>
        %dma_wait3A_263 = tpu.memref_squeeze %dma_wait3A_262 : memref<1x8x16xf32, #tpu.memory_space<hbm>> -> memref<8x16xf32, #tpu.memory_space<hbm>>
        %dma_wait3A_264 = arith.constant 4992 : i32
        %dma_wait3A_265 = arith.constant 0 : i32
        %dma_wait3A_266 = tpu.memref_slice %arg24[%dma_wait3A_264, %dma_wait3A_265] : memref<5008x16xf32, #tpu.memory_space<vmem_shared>> -> memref<8x16xf32, #tpu.memory_space<vmem_shared>>
        tpu.wait_dma2 semaphore(%run_scoped3A : memref<!tpu.dma_semaphore, #tpu.memory_space<semaphore_mem>>) src(%dma_wait3A_266 : memref<8x16xf32, #tpu.memory_space<vmem_shared>>) dst(%dma_wait3A_263 : memref<8x16xf32, #tpu.memory_space<hbm>>)
        tpu.yield
      }) : () -> ()
    } else {
    }
    return
  }
}

module attributes {stable_mosaic.version = 14 : i64} {
  func.func @_prologue_body(%arg0: i32, %arg1: memref<1000x128xf32, #tpu.memory_space<vmem>>, %arg2: memref<128x128xf32, #tpu.memory_space<vmem>>, %arg3: memref<128x32xf32, #tpu.memory_space<vmem>>, %arg4: memref<1xf32, #tpu.memory_space<smem>>, %arg5: memref<1000x128xf32, #tpu.memory_space<vmem>>, %arg6: memref<1000x32xf32, #tpu.memory_space<vmem>>) attributes {dimension_semantics = [#tpu.dimension_semantics<arbitrary>], iteration_bounds = array<i64: 10>, scalar_prefetch = 0 : i64, scratch_operands = 0 : i64, tpu.core_type = #tpu.core_type<tc>, window_params = [{transform_indices = @transform_0, window_bounds = array<i64: 1000, 128>}, {pipeline_mode = #tpu.pipeline_mode<synchronous>, transform_indices = @transform_1, window_bounds = array<i64: 128, 128>}, {pipeline_mode = #tpu.pipeline_mode<synchronous>, transform_indices = @transform_2, window_bounds = array<i64: 128, 32>}, {transform_indices = @transform_3, window_bounds = array<i64: 1>}, {transform_indices = @transform_4, window_bounds = array<i64: 1000, 128>}, {transform_indices = @transform_5, window_bounds = array<i64: 1000, 32>}]} {
    %get3A = arith.constant 0 : index
    %get3A_0 = arith.constant 0 : index
    %get3A_1 = vector.load %arg1[%get3A, %get3A_0] : memref<1000x128xf32, #tpu.memory_space<vmem>>, vector<1000x128xf32>
    %get3A_2 = arith.constant 0 : index
    %get3A_3 = arith.constant 0 : index
    %get3A_4 = vector.load %arg2[%get3A_2, %get3A_3] : memref<128x128xf32, #tpu.memory_space<vmem>>, vector<128x128xf32>
    %dot_general3A = arith.constant dense<0.000000e+00> : vector<1000x128xf32>
    %dot_general3A_5 = tpu.matmul %get3A_1, %get3A_4, %dot_general3A {dimension_numbers = #tpu.dot_dimension_numbers<[1], [0], [0], [1], [0, 0, 1, 1], [], []>, transpose_lhs_hint = false} : vector<1000x128xf32>, vector<128x128xf32>, vector<1000x128xf32> -> vector<1000x128xf32>
    %swap3A = arith.constant 0 : index
    %swap3A_6 = arith.constant 0 : index
    %swap3A_7 = vector.load %arg5[%swap3A, %swap3A_6] : memref<1000x128xf32, #tpu.memory_space<vmem>>, vector<1000x128xf32>
    tpu.vector_store %arg5[%swap3A, %swap3A_6], %dot_general3A_5 {strides = array<i32>} : memref<1000x128xf32, #tpu.memory_space<vmem>>, vector<1000x128xf32>,
    %get3A_8 = arith.constant 0 : index
    %get3A_9 = arith.constant 0 : index
    %get3A_10 = vector.load %arg3[%get3A_8, %get3A_9] : memref<128x32xf32, #tpu.memory_space<vmem>>, vector<128x32xf32>
    %dot_general3A_11 = arith.constant dense<0.000000e+00> : vector<1000x32xf32>
    %dot_general3A_12 = tpu.matmul %dot_general3A_5, %get3A_10, %dot_general3A_11 {dimension_numbers = #tpu.dot_dimension_numbers<[1], [0], [0], [1], [0, 0, 1, 1], [], []>, transpose_lhs_hint = false} : vector<1000x128xf32>, vector<128x32xf32>, vector<1000x32xf32> -> vector<1000x32xf32>
    %iota3A = tpu.iota {dimensions = array<i32: 1>} : vector<1000x32xi32>
    %lt3A = arith.constant 8 : i32
    %lt3A_13 = vector.broadcast %lt3A : i32 to vector<1000x32xi32>
    %lt3A_14 = arith.cmpi slt, %iota3A, %lt3A_13 : vector<1000x32xi32>
    %get3A_15 = arith.constant 0 : index
    %get3A_16 = memref.load %arg4[%get3A_15] : memref<1xf32, #tpu.memory_space<smem>>
    %jit3A = arith.constant 0.000000e+00 : f32
    %broadcast_in_dim3A = vector.broadcast %get3A_16 : f32 to vector<1000x32xf32>
    %broadcast_in_dim3A_17 = vector.broadcast %jit3A : f32 to vector<1000x32xf32>
    %select_n3A = arith.select %lt3A_14, %broadcast_in_dim3A, %broadcast_in_dim3A_17 : vector<1000x32xi1>, vector<1000x32xf32>
    %add3A = arith.addf %dot_general3A_12, %select_n3A : vector<1000x32xf32>
    %swap3A_18 = arith.constant 0 : index
    %swap3A_19 = arith.constant 0 : index
    %swap3A_20 = vector.load %arg6[%swap3A_18, %swap3A_19] : memref<1000x32xf32, #tpu.memory_space<vmem>>, vector<1000x32xf32>
    tpu.vector_store %arg6[%swap3A_18, %swap3A_19], %add3A {strides = array<i32>} : memref<1000x32xf32, #tpu.memory_space<vmem>>, vector<1000x32xf32>,
    return
  }
  func.func @transform_0(%arg0: i32) -> (i32, i32) {
    %c0_i32 = arith.constant 0 : i32
    %c0_i32_0 = arith.constant 0 : i32
    return %arg0, %c0_i32 : i32, i32
  }
  func.func @transform_1(%arg0: i32) -> (i32, i32) {
    %c0_i32 = arith.constant 0 : i32
    %c0_i32_0 = arith.constant 0 : i32
    %c0_i32_1 = arith.constant 0 : i32
    return %c0_i32, %c0_i32_0 : i32, i32
  }
  func.func @transform_2(%arg0: i32) -> (i32, i32) {
    %c0_i32 = arith.constant 0 : i32
    %c0_i32_0 = arith.constant 0 : i32
    %c0_i32_1 = arith.constant 0 : i32
    return %c0_i32, %c0_i32_0 : i32, i32
  }
  func.func @transform_3(%arg0: i32) -> i32 {
    %c0_i32 = arith.constant 0 : i32
    %c0_i32_0 = arith.constant 0 : i32
    return %c0_i32 : i32
  }
  func.func @transform_4(%arg0: i32) -> (i32, i32) {
    %c0_i32 = arith.constant 0 : i32
    %c0_i32_0 = arith.constant 0 : i32
    return %arg0, %c0_i32 : i32, i32
  }
  func.func @transform_5(%arg0: i32) -> (i32, i32) {
    %c0_i32 = arith.constant 0 : i32
    %c0_i32_0 = arith.constant 0 : i32
    return %arg0, %c0_i32 : i32, i32
  }
}

module attributes {stable_mosaic.version = 14 : i64} {
  func.func @_epilogue_body(%arg0: i32, %arg1: memref<1x1000x128xf32, #tpu.memory_space<vmem>>, %arg2: memref<1x1000x16xf32, #tpu.memory_space<vmem>>, %arg3: memref<1000x128xf32, #tpu.memory_space<vmem>>, %arg4: memref<1000x16xf32, #tpu.memory_space<vmem>>, %arg5: memref<1000x16xf32, #tpu.memory_space<vmem>>, %arg6: memref<16x128xf32, #tpu.memory_space<vmem>>, %arg7: memref<1000x128xf32, #tpu.memory_space<vmem>>) attributes {dimension_semantics = [#tpu.dimension_semantics<arbitrary>], iteration_bounds = array<i64: 10>, scalar_prefetch = 0 : i64, scratch_operands = 0 : i64, tpu.core_type = #tpu.core_type<tc>, window_params = [{transform_indices = @transform_0, window_bounds = array<i64: 1, 1000, 128>}, {transform_indices = @transform_1, window_bounds = array<i64: 1, 1000, 16>}, {transform_indices = @transform_2, window_bounds = array<i64: 1000, 128>}, {transform_indices = @transform_3, window_bounds = array<i64: 1000, 16>}, {transform_indices = @transform_4, window_bounds = array<i64: 1000, 16>}, {pipeline_mode = #tpu.pipeline_mode<synchronous>, transform_indices = @transform_5, window_bounds = array<i64: 16, 128>}, {transform_indices = @transform_6, window_bounds = array<i64: 1000, 128>}]} {
    %get3A = arith.constant 0 : index
    %get3A_0 = arith.constant 0 : index
    %get3A_1 = arith.constant 0 : index
    %get3A_2 = vector.load %arg1[%get3A, %get3A_0, %get3A_1] : memref<1x1000x128xf32, #tpu.memory_space<vmem>>, vector<1x1000x128xf32>
    %get3A_3 = vector.shape_cast %get3A_2 : vector<1x1000x128xf32> to vector<1000x128xf32>
    %get3A_4 = arith.constant 0 : index
    %get3A_5 = arith.constant 0 : index
    %get3A_6 = arith.constant 0 : index
    %get3A_7 = vector.load %arg2[%get3A_4, %get3A_5, %get3A_6] : memref<1x1000x16xf32, #tpu.memory_space<vmem>>, vector<1x1000x16xf32>
    %get3A_8 = vector.shape_cast %get3A_7 : vector<1x1000x16xf32> to vector<1000x16xf32>
    %get3A_9 = arith.constant 0 : index
    %get3A_10 = arith.constant 0 : index
    %get3A_11 = vector.load %arg4[%get3A_9, %get3A_10] : memref<1000x16xf32, #tpu.memory_space<vmem>>, vector<1000x16xf32>
    %get3A_12 = arith.constant 0 : index
    %get3A_13 = arith.constant 0 : index
    %get3A_14 = vector.load %arg5[%get3A_12, %get3A_13] : memref<1000x16xf32, #tpu.memory_space<vmem>>, vector<1000x16xf32>
    %add3A = arith.addf %get3A_11, %get3A_14 : vector<1000x16xf32>
    %mul3A = arith.constant 2.000000e-01 : f32
    %mul3A_15 = vector.broadcast %mul3A : f32 to vector<1000x16xf32>
    %mul3A_16 = arith.mulf %mul3A_15, %add3A : vector<1000x16xf32>
    %max3A = arith.maximumf %add3A, %mul3A_16 : vector<1000x16xf32>
    %exp3A = math.exp %max3A : vector<1000x16xf32>
    %get3A_17 = arith.constant 0 : index
    %get3A_18 = arith.constant 0 : index
    %get3A_19 = vector.load %arg6[%get3A_17, %get3A_18] : memref<16x128xf32, #tpu.memory_space<vmem>>, vector<16x128xf32>
    %dot_general3A = arith.constant dense<0.000000e+00> : vector<1000x128xf32>
    %dot_general3A_20 = tpu.matmul %exp3A, %get3A_19, %dot_general3A {dimension_numbers = #tpu.dot_dimension_numbers<[1], [0], [0], [1], [0, 0, 1, 1], [], []>, transpose_lhs_hint = false} : vector<1000x16xf32>, vector<16x128xf32>, vector<1000x128xf32> -> vector<1000x128xf32>
    %add3A_21 = arith.addf %get3A_8, %exp3A : vector<1000x16xf32>
    %dot_general3A_22 = arith.constant dense<0.000000e+00> : vector<1000x128xf32>
    %dot_general3A_23 = tpu.matmul %add3A_21, %get3A_19, %dot_general3A_22 {dimension_numbers = #tpu.dot_dimension_numbers<[1], [0], [0], [1], [0, 0, 1, 1], [], []>, transpose_lhs_hint = false} : vector<1000x16xf32>, vector<16x128xf32>, vector<1000x128xf32> -> vector<1000x128xf32>
    %get3A_24 = arith.constant 0 : index
    %get3A_25 = arith.constant 0 : index
    %get3A_26 = vector.load %arg3[%get3A_24, %get3A_25] : memref<1000x128xf32, #tpu.memory_space<vmem>>, vector<1000x128xf32>
    %mul3A_27 = arith.mulf %dot_general3A_20, %get3A_26 : vector<1000x128xf32>
    %add3A_28 = arith.addf %get3A_3, %mul3A_27 : vector<1000x128xf32>
    %div3A = arith.divf %add3A_28, %dot_general3A_23 : vector<1000x128xf32>
    %swap3A = arith.constant 0 : index
    %swap3A_29 = arith.constant 0 : index
    %swap3A_30 = vector.load %arg7[%swap3A, %swap3A_29] : memref<1000x128xf32, #tpu.memory_space<vmem>>, vector<1000x128xf32>
    tpu.vector_store %arg7[%swap3A, %swap3A_29], %div3A {strides = array<i32>} : memref<1000x128xf32, #tpu.memory_space<vmem>>, vector<1000x128xf32>,
    return
  }
  func.func @transform_0(%arg0: i32) -> (i32, i32, i32) {
    %jit3A = arith.constant 5 : i32
    %div3A = arith.divsi %arg0, %jit3A : i32
    %sign3A = arith.constant 0 : i32
    %sign3A_0 = arith.cmpi sgt, %arg0, %sign3A : i32
    %sign3A_1 = arith.extui %sign3A_0 : i1 to i32
    %sign3A_2 = arith.constant 0 : i32
    %sign3A_3 = arith.cmpi slt, %arg0, %sign3A_2 : i32
    %sign3A_4 = arith.extui %sign3A_3 : i1 to i32
    %sign3A_5 = arith.subi %sign3A_1, %sign3A_4 : i32
    %sign3A_6 = arith.constant 0 : i32
    %sign3A_7 = arith.cmpi sgt, %jit3A, %sign3A_6 : i32
    %sign3A_8 = arith.extui %sign3A_7 : i1 to i32
    %sign3A_9 = arith.constant 0 : i32
    %sign3A_10 = arith.cmpi slt, %jit3A, %sign3A_9 : i32
    %sign3A_11 = arith.extui %sign3A_10 : i1 to i32
    %sign3A_12 = arith.subi %sign3A_8, %sign3A_11 : i32
    %ne3A = arith.cmpi ne, %sign3A_5, %sign3A_12 : i32
    %rem3A = arith.remsi %arg0, %jit3A : i32
    %ne3A_13 = arith.constant 0 : i32
    %ne3A_14 = arith.cmpi ne, %rem3A, %ne3A_13 : i32
    %and3A = arith.andi %ne3A, %ne3A_14 : i1
    %sub3A = arith.constant 1 : i32
    %sub3A_15 = arith.subi %div3A, %sub3A : i32
    %select_n3A = arith.select %and3A, %sub3A_15, %div3A : i32
    %jit3A_16 = arith.constant 5 : i32
    %eq3A = arith.constant 0 : i32
    %eq3A_17 = arith.cmpi eq, %jit3A_16, %eq3A : i32
    %jit3A_18 = arith.constant 1 : i32
    %select_n3A_19 = arith.select %eq3A_17, %jit3A_18, %jit3A_16 : i32
    %rem3A_20 = arith.remsi %arg0, %select_n3A_19 : i32
    %ne3A_21 = arith.constant 0 : i32
    %ne3A_22 = arith.cmpi ne, %rem3A_20, %ne3A_21 : i32
    %lt3A = arith.constant 0 : i32
    %lt3A_23 = arith.cmpi slt, %rem3A_20, %lt3A : i32
    %lt3A_24 = arith.constant 0 : i32
    %lt3A_25 = arith.cmpi slt, %select_n3A_19, %lt3A_24 : i32
    %ne3A_26 = arith.xori %lt3A_23, %lt3A_25 : i1
    %and3A_27 = arith.andi %ne3A_26, %ne3A_22 : i1
    %add3A = arith.addi %rem3A_20, %select_n3A_19 : i32
    %select_n3A_28 = arith.select %and3A_27, %add3A, %rem3A_20 : i32
    %c0_i32 = arith.constant 0 : i32
    %c0_i32_29 = arith.constant 0 : i32
    return %select_n3A, %select_n3A_28, %c0_i32 : i32, i32, i32
  }
  func.func @transform_1(%arg0: i32) -> (i32, i32, i32) {
    %jit3A = arith.constant 5 : i32
    %div3A = arith.divsi %arg0, %jit3A : i32
    %sign3A = arith.constant 0 : i32
    %sign3A_0 = arith.cmpi sgt, %arg0, %sign3A : i32
    %sign3A_1 = arith.extui %sign3A_0 : i1 to i32
    %sign3A_2 = arith.constant 0 : i32
    %sign3A_3 = arith.cmpi slt, %arg0, %sign3A_2 : i32
    %sign3A_4 = arith.extui %sign3A_3 : i1 to i32
    %sign3A_5 = arith.subi %sign3A_1, %sign3A_4 : i32
    %sign3A_6 = arith.constant 0 : i32
    %sign3A_7 = arith.cmpi sgt, %jit3A, %sign3A_6 : i32
    %sign3A_8 = arith.extui %sign3A_7 : i1 to i32
    %sign3A_9 = arith.constant 0 : i32
    %sign3A_10 = arith.cmpi slt, %jit3A, %sign3A_9 : i32
    %sign3A_11 = arith.extui %sign3A_10 : i1 to i32
    %sign3A_12 = arith.subi %sign3A_8, %sign3A_11 : i32
    %ne3A = arith.cmpi ne, %sign3A_5, %sign3A_12 : i32
    %rem3A = arith.remsi %arg0, %jit3A : i32
    %ne3A_13 = arith.constant 0 : i32
    %ne3A_14 = arith.cmpi ne, %rem3A, %ne3A_13 : i32
    %and3A = arith.andi %ne3A, %ne3A_14 : i1
    %sub3A = arith.constant 1 : i32
    %sub3A_15 = arith.subi %div3A, %sub3A : i32
    %select_n3A = arith.select %and3A, %sub3A_15, %div3A : i32
    %jit3A_16 = arith.constant 5 : i32
    %eq3A = arith.constant 0 : i32
    %eq3A_17 = arith.cmpi eq, %jit3A_16, %eq3A : i32
    %jit3A_18 = arith.constant 1 : i32
    %select_n3A_19 = arith.select %eq3A_17, %jit3A_18, %jit3A_16 : i32
    %rem3A_20 = arith.remsi %arg0, %select_n3A_19 : i32
    %ne3A_21 = arith.constant 0 : i32
    %ne3A_22 = arith.cmpi ne, %rem3A_20, %ne3A_21 : i32
    %lt3A = arith.constant 0 : i32
    %lt3A_23 = arith.cmpi slt, %rem3A_20, %lt3A : i32
    %lt3A_24 = arith.constant 0 : i32
    %lt3A_25 = arith.cmpi slt, %select_n3A_19, %lt3A_24 : i32
    %ne3A_26 = arith.xori %lt3A_23, %lt3A_25 : i1
    %and3A_27 = arith.andi %ne3A_26, %ne3A_22 : i1
    %add3A = arith.addi %rem3A_20, %select_n3A_19 : i32
    %select_n3A_28 = arith.select %and3A_27, %add3A, %rem3A_20 : i32
    %c0_i32 = arith.constant 0 : i32
    %c0_i32_29 = arith.constant 0 : i32
    return %select_n3A, %select_n3A_28, %c0_i32 : i32, i32, i32
  }
  func.func @transform_2(%arg0: i32) -> (i32, i32) {
    %c0_i32 = arith.constant 0 : i32
    %c0_i32_0 = arith.constant 0 : i32
    return %arg0, %c0_i32 : i32, i32
  }
  func.func @transform_3(%arg0: i32) -> (i32, i32) {
    %c0_i32 = arith.constant 0 : i32
    %c0_i32_0 = arith.constant 0 : i32
    return %arg0, %c0_i32 : i32, i32
  }
  func.func @transform_4(%arg0: i32) -> (i32, i32) {
    %c0_i32 = arith.constant 0 : i32
    %c0_i32_0 = arith.constant 0 : i32
    return %arg0, %c0_i32 : i32, i32
  }
  func.func @transform_5(%arg0: i32) -> (i32, i32) {
    %c0_i32 = arith.constant 0 : i32
    %c0_i32_0 = arith.constant 0 : i32
    %c0_i32_1 = arith.constant 0 : i32
    return %c0_i32, %c0_i32_0 : i32, i32
  }
  func.func @transform_6(%arg0: i32) -> (i32, i32) {
    %c0_i32 = arith.constant 0 : i32
    %c0_i32_0 = arith.constant 0 : i32
    return %arg0, %c0_i32 : i32, i32
  }
}

</mosaic_0001>

<sc_bundles>
// kernel: kernel.5.cloned.1.call-start
scs
__scs_entry_jumppad:
0x0: {  	(pc) =	sbr.rel $0x88, $3  }
0x1: {  	(tag) =	ssettag $0x0;
	lr =	simm.s32 $0x1  }
0x2: {  	[smem:$0x3F9C] =	sst lr;
	_ =	strace $0xD0000000  }
0x3: {  	_ = 	snop  }
0x4: {  	_ = 	snop  }
0x5: {  	_ = 	snop  }
0x6: {  	_ = 	snop  }
0x7: {  	_ = 	snop  }
__scs_overlays_trampoline_lowered:
0x8: {  	[smem:$0x3FAB] =	sst s0  }
0x9: {  	[smem:$0x3FAC] =	sst s1  }
0xa: {  	[smem:$0x3FAD] =	sst s2  }
0xb: {  	[smem:$0x3FAE] =	sst s3  }
0xc: {  	[smem:$0x3FAF] =	sst s4  }
0xd: {  	[smem:$0x3FB0] =	sst s5  }
0xe: {  	[smem:$0x3FB1] =	sst s6  }
0xf: {  	[smem:$0x3FB2] =	sst s7  }
0x10: {  	[smem:$0x3FB3] =	sst s8  }
0x11: {  	[smem:$0x3FB4] =	sst s9;
	s0 =	simm.s32 @!p0 $0x0  }
0x12: {  	s1 =	sld [smem:$0x3F9A];
	s0 =	simm.s32 @p0 $0x1  }
0x13: {  	[smem:$0x3FB5] =	sst s0;
	s0 =	simm.s32 @!p1 $0x0  }
0x14: {  	s2 =	sld [smem:$0x3F99];
	s0 =	simm.s32 @p1 $0x1  }
0x15: {  	[smem:$0x3FB6] =	sst s0;
	s0 =	simm.s32 @!p2 $0x0  }
0x16: {  	s3 =	sld [smem:$0x3FDB];
	s0 =	simm.s32 @p2 $0x1  }
0x17: {  	s4 =	simm.s32 $0x1BF5;
	[smem:$0x3FB8] =	sst s0  }
0x18: {  	s0 =	sld [smem:$0x3F9B];
	_ =	swait.ge [sflag:s4], $0x0  }
0x19: {  	s7 =	sld [smem:$0x3F9C]  }
0x1a: {  	s8 =	sadd.s32 $0xFFFFE003, lr  }
0x1b: {  	s9 =	sadd.s32 $0xFFFFFEF7, lr;
	s5 =	simm.s32 $0xFFFFFFFF;
	p2 =	slt.u32 s8, $0xFFFFF086  }
0x1c: {  	p1 =	slt.u32 s9, $0xF7A;
	s5 =	simm.s32 @!p2 $0x0  }
0x1d: {  	s5 =	simm.s32 @p1 $0x1;
	p0 =	seq.s32 s7, s2  }
0x1e: {  	s7 =	smul.u32 @!p0 $0xF7A, s2;
	p2 =	seq.s32 @!p0 s5, $0x0  }
0x1f: {  	s9 =	smul.u32 $0xF7A, s1;
	s8 =	simm.s32 @!p0 $0x1BF5;
	p2 =	por !p2, p0  }
0x20: {  	[sflag:s8] =	ssyncset.s32 @!p0 $0xFFFFF086;
	s6 =	sadd.s32 @!p0 s3, s7;
	s7 =	simm.s32 @!p0 $0x108  }
0x21: {  	s3 =	sadd.s32 s3, s9;
	s6 =	sadd.s32 @!p0 $0x88, s6;
	s7 =	simm.s32 @p2 $0x1082  }
0x22: {  	[simem:s7], [sflag:s8] =	dma.local @!p0 [hbm:s6], $0xF7A  }
0x23: {  	s9 =	sor.u32 $0xD0000000, s2;
	s6 =	simm.s32 $0x108;
	_ =	swait.ge @!p0 [sflag:s8], $0x0  }
0x24: {  	s3 =	sadd.s32 $0x88, s3;
	s6 =	simm.s32 @!p1 $0x1082;
	[sflag:s4] =	ssyncset.s32 $0xFFFFF086  }
0x25: {  	[simem:s6], [sflag:s4] =	dma.local [hbm:s3], $0xF7A  }
0x26: {  	[smem:$0x3F9C] =	sst s1;
	(tag) =	ssettag s2;
	_ =	strace s9  }
0x27: {  	s1 =	sld [smem:$0x3FAC]  }
0x28: {  	s2 =	sld [smem:$0x3FAD]  }
0x29: {  	s4 =	sld [smem:$0x3FAF]  }
0x2a: {  	p0 =	seq.s32 s5, $0x0;
	s5 =	sld [smem:$0x3FB0]  }
0x2b: {  	s6 =	sld [smem:$0x3FB1]  }
0x2c: {  	s7 =	sld [smem:$0x3FB2]  }
0x2d: {  	s3 =	simm.s32 $0x108;
	s8 =	sld [smem:$0x3FB3]  }
0x2e: {  	s3 =	simm.s32 @!p0 $0x1082;
	s9 =	sld [smem:$0x3FB4]  }
0x2f: {  	lr =	sadd.s32 s0, s3;
	s0 =	sld [smem:$0x3FAB]  }
0x30: {  	s3 =	sld [smem:$0x3FAE]  }
0x31: {  	[smem:$0x3FB7] =	sst s10  }
0x32: {  	s10 =	sld [smem:$0x3FB5];
	_ =	sdelay $0x3  }
0x33: {  	p0 =	seq.s32 s10, $0x1;
	s10 =	sld [smem:$0x3FB7];
	_ =	sdelay $0x3  }
0x34: {  	[smem:$0x3FB7] =	sst s10  }
0x35: {  	s10 =	sld [smem:$0x3FB6];
	_ =	sdelay $0x3  }
0x36: {  	p1 =	seq.s32 s10, $0x1;
	s10 =	sld [smem:$0x3FB7];
	_ =	sdelay $0x3  }
0x37: {  	[smem:$0x3FB7] =	sst s10  }
0x38: {  	s10 =	sld [smem:$0x3FB8]  }
0x39: {  	_ = 	snop;
	(pc) =	sbr.ind lr, $3  }
0x3a: {  	_ = 	snop  }
0x3b: {  	_ = 	snop  }
0x3c: {  	p2 =	seq.s32 s10, $0x1;
	s10 =	sld [smem:$0x3FB7]  }
0x3d: {  	_ =	shalt  }
0x3e: {  	_ =	shalt  }
0x3f: {  	_ =	shalt  }
0x40: {  	_ =	shalt  }
0x41: {  	_ =	shalt  }
0x42: {  	_ =	shalt  }
0x43: {  	_ =	shalt  }
0x44: {  	_ =	shalt  }
0x45: {  	_ =	shalt  }
0x46: {  	_ =	shalt  }
0x47: {  	_ =	shalt  }
0x48: {  	_ =	shalt  }
0x49: {  	_ =	shalt  }
0x4a: {  	_ =	shalt  }
0x4b: {  	_ =	shalt  }
0x4c: {  	_ =	shalt  }
0x4d: {  	_ =	shalt  }
0x4e: {  	_ =	shalt  }
0x4f: {  	_ =	shalt  }
0x50: {  	_ =	shalt  }
0x51: {  	_ =	shalt  }
0x52: {  	_ =	shalt  }
0x53: {  	_ =	shalt  }
0x54: {  	_ =	shalt  }
0x55: {  	_ =	shalt  }
0x56: {  	_ =	shalt  }
0x57: {  	_ =	shalt  }
0x58: {  	_ =	shalt  }
0x59: {  	_ =	shalt  }
0x5a: {  	_ =	shalt  }
0x5b: {  	_ =	shalt  }
0x5c: {  	_ =	shalt  }
0x5d: {  	_ =	shalt  }
0x5e: {  	_ =	shalt  }
0x5f: {  	_ =	shalt  }
0x60: {  	_ =	shalt  }
0x61: {  	_ =	shalt  }
0x62: {  	_ =	shalt  }
0x63: {  	_ =	shalt  }
0x64: {  	_ =	shalt  }
0x65: {  	_ =	shalt  }
0x66: {  	_ =	shalt  }
0x67: {  	_ =	shalt  }
0x68: {  	_ =	shalt  }
0x69: {  	_ =	shalt  }
0x6a: {  	_ =	shalt  }
0x6b: {  	_ =	shalt  }
0x6c: {  	_ =	shalt  }
0x6d: {  	_ =	shalt  }
0x6e: {  	_ =	shalt  }
0x6f: {  	_ =	shalt  }
0x70: {  	_ =	shalt  }
0x71: {  	_ =	shalt  }
0x72: {  	_ =	shalt  }
0x73: {  	_ =	shalt  }
0x74: {  	_ =	shalt  }
0x75: {  	_ =	shalt  }
0x76: {  	_ =	shalt  }
0x77: {  	_ =	shalt  }
0x78: {  	_ =	shalt  }
0x79: {  	_ =	shalt  }
0x7a: {  	_ =	shalt  }
0x7b: {  	_ =	shalt  }
0x7c: {  	_ =	shalt  }
0x7d: {  	_ =	shalt  }
0x7e: {  	_ =	shalt  }
0x7f: {  	_ =	shalt  }
0x80: {  	_ =	shalt  }
0x81: {  	_ =	shalt  }
0x82: {  	_ =	shalt  }
0x83: {  	_ =	shalt  }
0x84: {  	_ =	shalt  }
0x85: {  	_ =	shalt  }
0x86: {  	_ =	shalt  }
0x87: {  	_ =	shalt  }
.Lfunc_end0:
.L_simem_size_0:
called_computation_lowered:
.L_overlay_start_0:
0x88: {  	s2 =	sld [smem:$0x3FD9]  }
0x89: {  	s3 =	sld [smem:$0x3FFE];
	_ =	sdelay $0x1  }
0x8a: {  	s1 =	srdreg.scid  }
0x8b: {  	s0 =	sand.u32 $0x1, s1  }
0x8c: {  	s17 =	sshll.u32 s0, $0xA;
	s2 =	sadd.s32 s3, s2  }
0x8d: {  	s2 =	sadd.s32 s2, s17  }
0x8e: {  	[smem:$0x3FC3] =	sst s2  }
0x8f: {  	_ = 	snop  }
0x90: {  	s2 =	sld [smem:$0x3FD0];
	(tm) =	ssettm $0x1  }
0x91: {  	s18 =	sld [smem:$0x3FFB];
	_ =	sdelay $0x3  }
0x92: {  	_ =	strace s18  }
0x93: {  	s3 =	sld [smem:$0x3FFC];
	_ =	sdelay $0x3  }
0x94: {  	_ =	strace s3  }
0x95: {  	s3 =	sld [smem:$0x3FFD];
	_ =	sdelay $0x3  }
0x96: {  	_ =	strace s3  }
0x97: {  	_ =	strace $0x8FFFFFFF  }
0x98: {  	s19 =	sld [smem:$0x3FDB];
	_ =	sdelay $0x1  }
0x99: {  	s4 =	simm.s32 $_scs_section_size  }
0x9a: {  	s5 =	simm.s32 $_size__tile_overlayer_lowered;
	s6 =	simm.s32 $_tile_overlayer_lowered  }
0x9b: {  	s22 =	simm.s32 $0x1BFF;
	s21 =	sshll.u32 s6, $0x1;
	s3 =	sadd.s32 s4, s19  }
0x9c: {  	s7 =	simm.s32 $0x0;
	s20 =	sshll.u32 s5, $0x1;
	s5 =	sadd.s32 s21, s3  }
0x9d: {  	[timem:s7], [sflag:s22] =	dma.local [hbm:s5], s20  }
0x9e: {  	_ =	swait.ge [sflag:s22], s20  }
0x9f: {  	s4 =	ssub.s32 $0x0, s20;
	[sflag:s22] =	ssyncset.done $0x0  }
0xa0: {  	[sflag:s22] =	ssyncadd.s32 s4;
	_ =	sdelay $0x1  }
0xa1: {  	s23 =	simm.s32 $0x1B8B  }
0xa2: {  	_ =	swait.ge [sflag:s23], $0x1  }
0xa3: {  	[sflag:s23] =	ssyncset.done $0x0  }
0xa4: {  	s25 =	simm.s32 $0x1B8E;
	s24 =	sld [smem:$0x3FFE];
	[sflag:s23] =	ssyncadd.s32 $0xFFFFFFFF  }
0xa5: {  	s26 =	simm.s32 $execute0_lowered;
	[smem:$0x3FD2] =	sst s25  }
0xa6: {  	s5 =	sshll.u32 s26, $0x1;
	_ =	strace $0x80000046;
	[dreg:$0x1] =	wrdreg $0xFFFFFFFF  }
0xa7: {  	s28 =	simm.s32 $_size_execute0_lowered;
	s3 =	sadd.s32 s3, s5;
	[dreg:$0x0] =	wrdreg $0x0  }
0xa8: {  	s5 =	sshll.u32 s28, $0x1;
	[dreg:$0x2] =	wrdreg s3  }
0xa9: {  	[dreg:$0x3] =	wrdreg s5  }
0xaa: {  	[dreg:$0x4] =	wrdreg $0xC0  }
0xab: {  	_ =	task [dreg:s7], $0x5FFFF  }
0xac: {  	[dreg:$0x1] =	wrdreg $0xFFFFFFFF  }
0xad: {  	[dreg:$0x0] =	wrdreg $0x60  }
0xae: {  	[dreg:$0x2] =	wrdreg s2  }
0xaf: {  	[dreg:$0x3] =	wrdreg s24  }
0xb0: {  	[dreg:$0x4] =	wrdreg $0x6AE00  }
0xb1: {  	[dreg:$0x5] =	wrdreg $0x11AF00  }
0xb2: {  	[dreg:$0x6] =	wrdreg $0x107600  }
0xb3: {  	[dreg:$0x7] =	wrdreg $0x9  }
0xb4: {  	_ =	task.clear_ibuf [dreg:s7], $0x8FFFF;
	_ =	strace $0x90000046  }
0xb5: {  	s29 =	simm.s32 $0x9;
	_ =	strace $0x80000048  }
0xb6: {  	_ =	swait.ge [sflag:s29], $0x1  }
0xb7: {  	[sflag:s29] =	ssyncadd.s32 $0xFFFFFFFF  }
0xb8: {  	_ =	strace $0x90000048  }
0xb9: {  	_ =	sfence  }
0xba: {  	s30 =	sld [smem:$0x0];
	_ =	sdelay $0x2  }
0xbb: {  	s31 =	sshll.u32 s1, $0xD;
	s1 =	sshrl.u32 s1, $0x2  }
0xbc: {  	s3 =	sand.u32 $0x4000, s31;
	s1 =	sadd.s32 s1, s30  }
0xbd: {  	s0 =	sor.u32 s3, s0;
	s1 =	sshll.u32 s1, $0x11  }
0xbe: {  	s0 =	sor.u32 s1, s0  }
0xbf: {  	s0 =	sadd.s32 $0x8F2B, s0  }
0xc0: {  	[sflag:s0] =	ssyncadd.remote.s32 $0x1  }
0xc1: {  	_ =	sfence.sel $0xFFFF  }
0xc2: {  	[dreg:$0x0] =	wrdreg $0xFFFFFFFF;
	(pc) =	sbr.abs _section_cstart, $3  }
0xc3: {  	[dreg:$0x1] =	wrdreg $0xFFFFFFFF  }
0xc4: {  	_ =	task.clear_ibuf [dreg:s7], $0x2FFFF;
	_ =	strace $0x9FFFFFFF  }
0xc5: {  	(tm) =	ssettm $0x7FFFFFFF  }
tec
execute0_lowered:
.L_overlay_start_1:
0x0: {  	(tag) =	ssettag $0x1  }
0x1: {  	s24 =	rddreg [dreg:$0x0]  }
0x2: {  	s1 =	rddreg [dreg:$0x1]  }
0x3: {  	s17 =	rddreg [dreg:$0x2]  }
0x4: {  	s3 =	rddreg [dreg:$0x3]  }
0x5: {  	s2 =	stileid.u32;
	s18 =	rddreg [dreg:$0x4]  }
0x6: {  	s5 =	simm.s32 $0x0;
	s16 =	srdreg.scid;
	s28 =	simm.s32 $0x5  }
0x7: {  	s29 =	simm.s32 $0xA0;
	s30 =	simm.s32 $0x65E0;
	s4 =	smul.u32 $0x2700, s2  }
0x8: {  	s31 =	simm.s32 $0xB;
	[smem:$0x7FF] =	sst s5;
	s9 =	smul.u32 $0x9C00, s2  }
0x9: {  	s6 =	sadd.s32 $0x10800, s1;
	s10 =	smul.u32 $0x1380, s2;
	s7 =	sadd.s32 $0x6A00, s1  }
0xa: {  	s12 =	sand.u32 $0x1, s16;
	s15 =	sadd.s32 $0x35800, s1;
	s16 =	sadd.s32 $0x30800, s1  }
0xb: {  	s21 =	sshll.u32 s2, $0x6;
	p1 =	seq.s32 s2, $0x1;
	p0 =	sne.s32 s2, $0x0  }
0xc: {  	_ =	strace $0x80000047;
	s13 =	ssub.s32 $0x2, s12;
	s22 =	smul.u32 $0x9C400, s12  }
0xd: {  	s25 =	smul.u32 $0x13880, s12;
	s0 =	sshrl.u32 s4, $0x3;
	s11 =	sshrl.u32 s9, $0x3  }
0xe: {  	s19 =	sshrl.u32 s10, $0x3;
	s20 =	sshrl.u32 s13, $0x1;
	s4 =	sadd.s32 s4, s3  }
0xf: {  	s23 =	sadd.s32 s10, s18;
	s8 =	sadd.s32 s0, s1;
	s11 =	sadd.s32 s11, s1  }
0x10: {  	s14 =	sadd.s32 s19, s1;
	s19 =	sadd.s32 s9, s17;
	[dreg:$0xa] =	wrdreg s23  }
0x11: {  	s13 =	ssub.s32 s13, s20;
	s23 =	sadd.s32 $0x2DE00, s1;
	[dreg:$0x6] =	wrdreg s19  }
0x12: {  	s0 =	smul.u32 $0x1388, s12;
	s20 =	sor.u32 $0x1C0C, s21;
	[dreg:$0xf] =	wrdreg s23  }
0x13: {  	s9 =	sadd.s32 s9, s22;
	s11 =	sadd.s32 $0x1A600, s11;
	[dreg:$0x8] =	wrdreg s20  }
0x14: {  	s10 =	sadd.s32 s10, s25;
	s8 =	sadd.s32 $0x1A00, s8;
	[dreg:$0x7] =	wrdreg s11  }
0x15: {  	s26 =	sadd.s32 $0x2E000, s14;
	s14 =	sadd.s32 $0x6800, s1;
	[dreg:$0x9] =	wrdreg s8  }
0x16: {  	s9 =	sshrl.u32 s9, $0x3;
	s19 =	sshrl.u32 s10, $0x3;
	[dreg:$0xb] =	wrdreg s26  }
0x17: {  	s1 =	sadd.s32 $0x30700, s1;
	s23 =	sadd.s32 $0x27000, s3;
	[dreg:$0xc] =	wrdreg s14  }
0x18: {  	s10 =	simm.s32 $0x9;
	s11 =	sshrl.u32 s22, $0x3;
	[dreg:$0x10] =	wrdreg s1  }
0x19: {  	s9 =	sadd.s32 s15, s9;
	s22 =	smul.u32 $0x4E20, s2;
	[dreg:$0x1b] =	wrdreg s23  }
0x1a: {  	s8 =	sshrl.u32 s25, $0x3;
	[dreg:$0xd] =	wrdreg s9;
	s21 =	sadd.s32 s15, s11  }
0x1b: {  	s9 =	sadd.s32 s16, s19;
	s8 =	sadd.s32 s16, s8;
	s11 =	simm.s32 $0x50  }
0x1c: {  	[dreg:$0xe] =	wrdreg s9;
	s25 =	sshrl.u32 s22, $0x3;
	s14 =	sadd.s32 $0xA0, s22  }
0x1d: {  	s15 =	sadd.s32 $0xF0, s22;
	s16 =	sadd.s32 $0x13800, s21;
	[dreg:$0x15] =	wrdreg s14  }
0x1e: {  	s19 =	sadd.s32 $0x2700, s8;
	s21 =	smax.u32 s13, $0x1;
	[dreg:$0x16] =	wrdreg s15  }
0x1f: {  	s22 =	sshrl.u32 s4, $0x3;
	s8 =	simm.s32 $0x1;
	[dreg:$0x17] =	wrdreg s16  }
0x20: {  	s4 =	simm.s32 $0x0;
	s26 =	sadd.s32 s6, s25;
	[dreg:$0x18] =	wrdreg s19  }
0x21: {  	s9 =	sadd.s32 s7, s25;
	s1 =	sadd.s32 $0xA, s25;
	[dreg:$0x19] =	wrdreg s21  }
0x22: {  	[dreg:$0x1a] =	wrdreg s22;
	s25 =	sadd.s32 $0x9C000, s17;
	s17 =	simm.s32 $0xC  }
0x23: {  	v0 =	vimm.s32 $0xFEDCBA98;
	s16 =	simm.s32 $0x190;
	s14 =	simm.s32 $0x6;
	[dreg:$0x11] =	wrdreg s26  }
0x24: {  	v1 =	vimm.s32 $0x76543210;
	v0 =	vunpack.c.l.s4.s8 v0;
	s19 =	simm.s32 $0x7;
	s15 =	simm.s32 $0x29E0;
	[dreg:$0x12] =	wrdreg s9  }
0x25: {  	v1 =	vunpack.c.l.s4.s8 v1;
	s21 =	simm.s32 $0xA;
	s12 =	sadd.s32 s6, s1;
	[dreg:$0x1c] =	wrdreg s25  }
0x26: {  	v0 =	vunpack.c.0.s8.s32 v0;
	s22 =	simm.s32 $0xF0;
	s1 =	sadd.s32 s7, s1;
	[dreg:$0x13] =	wrdreg s12  }
0x27: {  	v2 =	vunpack.c.0.s8.s32 v1;
	s26 =	sadd.s32 $0x13800, s18;
	s18 =	simm.s32 $0x140;
	[dreg:$0x14] =	wrdreg s1  }
0x28: {  	v1 =	vlaneseq.u32;
	v3 =	vand.u32 $0xF, v0;
	s9 =	simm.s32 $0x2;
	s25 =	simm.s32 $0x3;
	[dreg:$0x1d] =	wrdreg s26  }
0x29: {  	v1 =	vor.u32 $0x1388, v1;
	v0 =	vmov s0;
	v2 =	vcombine.low v3, v2;
	s12 =	simm.s32 $0x1E0;
	s26 =	simm.s32 $0x4;
	s1 =	simm.s32 $0x8  }
.LBB2_1:
0x2a: {  	s0 =	rddreg [dreg:$0x6]  }
0x2b: {  	s23 =	rddreg [dreg:$0x7];
	s2 =	sshrl.u32 s0, $0x3  }
0x2c: {  	[dreg:$0x1f] =	wrdreg s2  }
0x2d: {  	[spmem:s2], [sflag:s20] =	dma.local [hbm:s23], $0x1380  }
0x2e: {  	_ =	swait.ge [sflag:s17], $0x1380  }
0x2f: {  	[sflag:s17] =	ssyncset.done $0x0;
	s13 =	rddreg [dreg:$0x9]  }
0x30: {  	s23 =	rddreg [dreg:$0x1a];
	[sflag:s17] =	ssyncadd.s32 $0xFFFFEC80  }
0x31: {  	[spmem:s23], [sflag:s20] =	dma.local [hbm:s13], $0x4E0  }
0x32: {  	_ =	swait.ge [sflag:s17], $0x4E0  }
0x33: {  	s2 =	rddreg [dreg:$0xa]  }
0x34: {  	[sflag:s17] =	ssyncset.done $0x0;
	s23 =	rddreg [dreg:$0xb];
	s13 =	sshrl.u32 s2, $0x3  }
.Ltmp0:
0x35: {  	[sflag:s17] =	ssyncadd.s32 $0xFFFFFB20;
	[smem:$0x7FD] =	sst s13;
	(pc) =	sbr.rel @p1 .LBB2_4-.Ltmp0, $4  }
0x36: {  	[spmem:s13], [sflag:s20] =	dma.local [hbm:s23], $0x270  }
0x37: {  	_ =	swait.ge [sflag:s17], $0x270  }
0x38: {  	[sflag:s17] =	ssyncset.done $0x0;
	s0 =	rddreg [dreg:$0xc]  }
0x39: {  	s2 =	rddreg [dreg:$0x1b];
	[sflag:s17] =	ssyncadd.s32 $0xFFFFFD90  }
.Ltmp1:
0x3a: {  	(pc) =	sbr.rel @p0 .LBB2_5-.Ltmp1, $1  }
0x3b: {  	_ =	sdelay $0x3  }
0x3c: {  	s0 =	rddreg [dreg:$0x1c]  }
0x3d: {  	s2 =	rddreg [dreg:$0xf];
	s0 =	sshrl.u32 s0, $0x3  }
0x3e: {  	[spmem:s0], [sflag:s20] =	dma.local [hbm:s2], $0x100  }
0x3f: {  	_ =	swait.ge [sflag:s17], $0x100  }
0x40: {  	[sflag:s17] =	ssyncset.done $0x0;
	s0 =	rddreg [dreg:$0x10]  }
0x41: {  	s2 =	rddreg [dreg:$0x1d];
	[sflag:s17] =	ssyncadd.s32 $0xFFFFFF00  }
.LBB2_4:
0x42: {  	s2 =	sshrl.u32 s2, $0x3  }
0x43: {  	[spmem:s2], [sflag:s20] =	dma.local [hbm:s0], $0x20  }
0x44: {  	_ =	swait.ge [sflag:s17], $0x20  }
0x45: {  	[sflag:s17] =	ssyncset.done $0x0  }
0x46: {  	[sflag:s17] =	ssyncadd.s32 $0xFFFFFFE0  }
.LBB2_5:
0x47: {  	[dreg:$0x1e] =	wrdreg s4  }
0x48: {  	[bflag:$0x0] =	sbarrier.arrive $0xFFFF  }
0x49: {  	s13 =	simm.s32 $0x0;
	s0 =	rddreg [dreg:$0x11]  }
0x4a: {  	[tilespmem:s13], [sflag:$0x1] =	stream.linear.gather [hbm4b:s0+s13], $0x50, $0x38;
	[tilespmem:$0x14200] =	vst v63  }
0x4b: {  	s23 =	rddreg [dreg:$0x12]  }
0x4c: {  	[tilespmem:s18], [sflag:$0x2] =	stream.linear.gather [hbm4b:s23+s13], $0x50, $0x38;
	[tilespmem:$0x14200] =	vst v63  }
0x4d: {  	_ =	swait.ge [sflag:s8], $0x50  }
0x4e: {  	[sflag:s8] =	ssyncset.done $0x0  }
0x4f: {  	[sflag:s8] =	ssyncadd.s32 $0xFFFFFFB0  }
0x50: {  	_ =	swait.ge [sflag:s9], $0x50  }
0x51: {  	[sflag:s9] =	ssyncset.done $0x0  }
0x52: {  	[sflag:s9] =	ssyncadd.s32 $0xFFFFFFB0  }
0x53: {  	v3 =	vld [tilespmem:$0x140]  }
0x54: {  	v4 =	vld [tilespmem:$0x150]  }
0x55: {  	v6 =	vld [tilespmem:$0x160]  }
0x56: {  	v8 =	vld [tilespmem:$0x170]  }
0x57: {  	v9 =	vld [tilespmem:$0x180];
	_ =	sdelay $0x2  }
0x58: {  	v3 =	vsub.s32 v3, v0  }
0x59: {  	v4 =	vsub.s32 v4, v0;
	v6 =	vsub.s32 v6, v0;
	v57 =	vsub.s32 v8, v0  }
0x5a: {  	v9 =	vsub.s32 v9, v0;
	v5 =	vadd.s32 $0xFFFFEC78, v3;
	vm0 =	vlt.s32 v3, $0x0  }
0x5b: {  	v7 =	vadd.s32 $0xFFFFEC78, v4;
	vm12 =	vlt.s32 v4, $0x0;
	v10 =	vadd.s32 $0xFFFFEC78, v6  }
0x5c: {  	vm13 =	vlt.s32 v6, $0x0;
	v8 =	vadd.s32 $0xFFFFEC78, v57;
	vm14 =	vlt.s32 v57, $0x0  }
0x5d: {  	v58 =	vadd.s32 $0xFFFFEC78, v9;
	vm15 =	vlt.s32 v9, $0x0;
	v5 =	vshrl.u32 v5, $0x1F  }
0x5e: {  	v7 =	vshrl.u32 v7, $0x1F;
	v10 =	vshrl.u32 v10, $0x1F;
	v8 =	vshrl.u32 v8, $0x1F  }
0x5f: {  	v5 =	vsel vm0, $0x0, v5;
	v7 =	vsel vm12, $0x0, v7;
	v56 =	vsel vm13, $0x0, v10  }
0x60: {  	v8 =	vsel vm14, $0x0, v8;
	v3 =	vmul.u32 v3, v5;
	v5 =	vxor.u32 $0x1, v5  }
0x61: {  	v10 =	vshrl.u32 v58, $0x1F;
	v4 =	vmul.u32 v4, v7;
	v5 =	vmul.u32 v1, v5  }
0x62: {  	v7 =	vxor.u32 $0x1, v7;
	v6 =	vmul.u32 v6, v56;
	v11 =	vxor.u32 $0x1, v8  }
0x63: {  	v7 =	vmul.u32 v1, v7;
	v3 =	vadd.s32 v3, v5;
	v5 =	vxor.u32 $0x1, v56  }
0x64: {  	v10 =	vsel vm15, $0x0, v10;
	v59 =	vmul.u32 v1, v11;
	v5 =	vmul.u32 v1, v5  }
0x65: {  	v60 =	vxor.u32 $0x1, v10;
	v4 =	vadd.s32 v4, v7;
	[tilespmem:$0xA0] =	vst v3;
	v3 =	vmul.u32 v57, v8  }
0x66: {  	v62 =	vmul.u32 v9, v10;
	v63 =	vmul.u32 v1, v60;
	[tilespmem:$0xB0] =	vst v4;
	v61 =	vadd.s32 v6, v5  }
0x67: {  	v3 =	vadd.s32 v3, v59;
	[tilespmem:$0xC0] =	vst v61  }
0x68: {  	[tilespmem:$0xD0] =	vst v3;
	v3 =	vadd.s32 v62, v63  }
0x69: {  	[tilespmem:$0xE0] =	vst v3  }
0x6a: {  	[tilespmem:s12], [sflag:$0x3] =	stream.indirect.gather [hbm4b:s24+s11], $0x80, s13, s11, $0xb8;
	[tilespmem:$0x14200] =	vst v63  }
0x6b: {  	s2 =	simm.s32 $0x51E0  }
0x6c: {  	[tilespmem:s2], [sflag:$0x4] =	stream.indirect.gather [spmem:s3], $0x10, s13, s11, $0xb8;
	[tilespmem:$0x14200] =	vst v63  }
0x6d: {  	s4 =	simm.s32 $0x5BE0  }
0x6e: {  	[tilespmem:s4], [sflag:$0x5] =	stream.indirect.gather [spmem:s3], $0x10, s18, s11, $0xb8;
	[tilespmem:$0x14200] =	vst v63  }
0x6f: {  	s20 =	rddreg [dreg:$0x13]  }
0x70: {  	[tilespmem:s11], [sflag:$0x6] =	stream.linear.gather [hbm4b:s20+s13], $0x50, $0x38;
	[tilespmem:$0x14200] =	vst v63  }
0x71: {  	s23 =	rddreg [dreg:$0x14]  }
0x72: {  	[tilespmem:s16], [sflag:$0x7] =	stream.linear.gather [hbm4b:s23+s13], $0x50, $0x38;
	[tilespmem:$0x14200] =	vst v63  }
.LBB2_6:
0x73: {  	_ =	swait.ge [sflag:s14], $0x50  }
0x74: {  	[sflag:s14] =	ssyncset.done $0x0  }
0x75: {  	[sflag:s14] =	ssyncadd.s32 $0xFFFFFFB0  }
0x76: {  	_ =	swait.ge [sflag:s19], $0x50  }
0x77: {  	[sflag:s19] =	ssyncset.done $0x0  }
0x78: {  	[sflag:s19] =	ssyncadd.s32 $0xFFFFFFB0  }
0x79: {  	v3 =	vld [tilespmem:$0x190]  }
0x7a: {  	v4 =	vld [tilespmem:$0x1A0]  }
0x7b: {  	v6 =	vld [tilespmem:$0x1B0]  }
0x7c: {  	v8 =	vld [tilespmem:$0x1C0]  }
0x7d: {  	v9 =	vld [tilespmem:$0x1D0];
	_ =	sdelay $0x2  }
0x7e: {  	v3 =	vsub.s32 v3, v0  }
0x7f: {  	v4 =	vsub.s32 v4, v0;
	v6 =	vsub.s32 v6, v0;
	v53 =	vsub.s32 v8, v0  }
0x80: {  	v9 =	vsub.s32 v9, v0;
	v5 =	vadd.s32 $0xFFFFEC78, v3;
	vm0 =	vlt.s32 v3, $0x0  }
0x81: {  	v7 =	vadd.s32 $0xFFFFEC78, v4;
	vm12 =	vlt.s32 v4, $0x0;
	v10 =	vadd.s32 $0xFFFFEC78, v6  }
0x82: {  	vm13 =	vlt.s32 v6, $0x0;
	v8 =	vadd.s32 $0xFFFFEC78, v53;
	vm14 =	vlt.s32 v53, $0x0  }
0x83: {  	v54 =	vadd.s32 $0xFFFFEC78, v9;
	vm15 =	vlt.s32 v9, $0x0;
	v5 =	vshrl.u32 v5, $0x1F  }
0x84: {  	v7 =	vshrl.u32 v7, $0x1F;
	v10 =	vshrl.u32 v10, $0x1F;
	v8 =	vshrl.u32 v8, $0x1F  }
0x85: {  	v5 =	vsel vm0, $0x0, v5;
	v7 =	vsel vm12, $0x0, v7;
	v52 =	vsel vm13, $0x0, v10  }
0x86: {  	v8 =	vsel vm14, $0x0, v8;
	v3 =	vmul.u32 v3, v5;
	v5 =	vxor.u32 $0x1, v5  }
0x87: {  	v10 =	vshrl.u32 v54, $0x1F;
	v4 =	vmul.u32 v4, v7;
	v5 =	vmul.u32 v1, v5  }
0x88: {  	v7 =	vxor.u32 $0x1, v7;
	v6 =	vmul.u32 v6, v52;
	v11 =	vxor.u32 $0x1, v8  }
0x89: {  	v7 =	vmul.u32 v1, v7;
	v3 =	vadd.s32 v3, v5;
	v5 =	vxor.u32 $0x1, v52  }
0x8a: {  	v10 =	vsel vm15, $0x0, v10;
	v55 =	vmul.u32 v1, v11;
	v5 =	vmul.u32 v1, v5  }
0x8b: {  	v56 =	vxor.u32 $0x1, v10;
	v4 =	vadd.s32 v4, v7;
	[tilespmem:$0xF0] =	vst v3;
	v3 =	vmul.u32 v53, v8  }
0x8c: {  	v58 =	vmul.u32 v9, v10;
	v59 =	vmul.u32 v1, v56;
	[tilespmem:$0x100] =	vst v4;
	v57 =	vadd.s32 v6, v5  }
0x8d: {  	v3 =	vadd.s32 v3, v55;
	[tilespmem:$0x110] =	vst v57  }
0x8e: {  	[tilespmem:$0x120] =	vst v3;
	v3 =	vadd.s32 v58, v59  }
0x8f: {  	[tilespmem:$0x130] =	vst v3  }
0x90: {  	[tilespmem:s15], [sflag:$0x8] =	stream.indirect.gather [hbm4b:s24+s11], $0x80, s11, s11, $0xb8;
	[tilespmem:$0x14200] =	vst v63  }
0x91: {  	s0 =	simm.s32 $0x56E0  }
0x92: {  	[tilespmem:s0], [sflag:$0x9] =	stream.indirect.gather [spmem:s3], $0x10, s11, s11, $0xb8;
	[tilespmem:$0x14200] =	vst v63  }
0x93: {  	s2 =	simm.s32 $0x60E0  }
0x94: {  	[tilespmem:s2], [sflag:$0xA] =	stream.indirect.gather [spmem:s3], $0x10, s16, s11, $0xb8;
	[tilespmem:$0x14200] =	vst v63  }
0x95: {  	_ =	swait.ge [sflag:s25], $0x2800  }
0x96: {  	[sflag:s25] =	ssyncset.done $0x0  }
0x97: {  	[sflag:s25] =	ssyncadd.s32 $0xFFFFD800  }
0x98: {  	_ =	swait.ge [sflag:s26], $0x500  }
0x99: {  	s15 =	sshll.u32 s13, $0x1;
	[sflag:s26] =	ssyncset.done $0x0  }
0x9a: {  	s4 =	smin.u32 s15, $0xF7;
	[sflag:s26] =	ssyncadd.s32 $0xFFFFFB00  }
0x9b: {  	s0 =	smul.u32 $0x50, s4;
	_ =	swait.ge [sflag:s28], $0x500  }
0x9c: {  	s2 =	rddreg [dreg:$0x15]  }
0x9d: {  	s0 =	sadd.s32 s0, s2  }
0x9e: {  	[sflag:s28] =	ssyncset.done $0x0;
	s0 =	sshrl.u32 s0, $0x3  }
0x9f: {  	[sflag:s28] =	ssyncadd.s32 $0xFFFFFB00;
	s23 =	sadd.s32 s6, s0  }
0xa0: {  	[tilespmem:s5], [sflag:$0x1] =	stream.linear.gather [hbm4b:s23+s5], $0x50, $0x38;
	[tilespmem:$0x14200] =	vst v63  }
0xa1: {  	s20 =	smov.u32 s24;
	s24 =	simm.s32 $0x5C00;
	s0 =	sadd.s32 s7, s0  }
0xa2: {  	[tilespmem:s18], [sflag:$0x2] =	stream.linear.gather [hbm4b:s0+s5], $0x50, $0x38;
	[tilespmem:$0x14200] =	vst v63  }
0xa3: {  	v3 =	vld [tilespmem:s24+$0xFFFFFFE0]  }
0xa4: {  	s2 =	simm.s32 $0x5200  }
0xa5: {  	v60 =	vld [tilespmem:s2+$0xFFFFFFE0];
	_ =	sdelay $0x2  }
0xa6: {  	v3 =	vperm.xlane v3, v2;
	_ =	sdelay $0x1  }
0xa7: {  	v3 =	vadd.f32 v3, v60;
	_ =	sdelay $0x1  }
0xa8: {  	v4 =	vmul.f32 $2.000000030e-01, v3;
	_ =	sdelay $0x1  }
0xa9: {  	v3 =	vmax.f32 v3, v4  }
0xaa: {  	v3 =	vmul.f32 $1.442695020e+00, v3;
	_ =	sdelay $0x1  }
0xab: {  	(erf) = vpow2.f32 v3;
	_ =	sdelay $0x8  }
0xac: {  	s4 =	simm.s32 $0x6600;
	v3 =	vpop (erf)  }
0xad: {  	[tilespmem:s4+$0xFFFFFFE0] =	vst v3  }
0xae: {  	v3 =	vld [tilespmem:s24+$0xFFFFFFF0];
	_ =	sdelay $0x1  }
0xaf: {  	v61 =	vld [tilespmem:s2+$0xFFFFFFF0];
	_ =	sdelay $0x2  }
0xb0: {  	v3 =	vperm.xlane v3, v2;
	_ =	sdelay $0x1  }
0xb1: {  	v3 =	vadd.f32 v3, v61;
	_ =	sdelay $0x1  }
0xb2: {  	v4 =	vmul.f32 $2.000000030e-01, v3;
	_ =	sdelay $0x1  }
0xb3: {  	v3 =	vmax.f32 v3, v4  }
0xb4: {  	v3 =	vmul.f32 $1.442695020e+00, v3;
	_ =	sdelay $0x1  }
0xb5: {  	(erf) = vpow2.f32 v3;
	_ =	sdelay $0x8  }
0xb6: {  	v3 =	vpop (erf)  }
0xb7: {  	[tilespmem:s4+$0xFFFFFFF0] =	vst v3  }
0xb8: {  	v3 =	vld [tilespmem:s24+$0x0];
	_ =	sdelay $0x1  }
0xb9: {  	v62 =	vld [tilespmem:s2+$0x0];
	_ =	sdelay $0x2  }
0xba: {  	v3 =	vperm.xlane v3, v2;
	_ =	sdelay $0x1  }
0xbb: {  	v3 =	vadd.f32 v3, v62;
	_ =	sdelay $0x1  }
0xbc: {  	v4 =	vmul.f32 $2.000000030e-01, v3;
	_ =	sdelay $0x1  }
0xbd: {  	v3 =	vmax.f32 v3, v4  }
0xbe: {  	v3 =	vmul.f32 $1.442695020e+00, v3;
	_ =	sdelay $0x1  }
0xbf: {  	(erf) = vpow2.f32 v3;
	_ =	sdelay $0x8  }
0xc0: {  	v3 =	vpop (erf)  }
0xc1: {  	[tilespmem:s4+$0x0] =	vst v3  }
0xc2: {  	v3 =	vld [tilespmem:s24+$0x10];
	_ =	sdelay $0x1  }
0xc3: {  	v63 =	vld [tilespmem:s2+$0x10];
	_ =	sdelay $0x2  }
0xc4: {  	v3 =	vperm.xlane v3, v2;
	_ =	sdelay $0x1  }
0xc5: {  	v3 =	vadd.f32 v3, v63;
	_ =	sdelay $0x1  }
0xc6: {  	v4 =	vmul.f32 $2.000000030e-01, v3;
	_ =	sdelay $0x1  }
0xc7: {  	v3 =	vmax.f32 v3, v4  }
0xc8: {  	v3 =	vmul.f32 $1.442695020e+00, v3;
	_ =	sdelay $0x1  }
0xc9: {  	(erf) = vpow2.f32 v3;
	_ =	sdelay $0x8  }
0xca: {  	v3 =	vpop (erf)  }
0xcb: {  	s23 =	simm.s32 $0x5C40;
	s0 =	simm.s32 $0x0;
	[tilespmem:s4+$0x10] =	vst v3  }
.LBB2_7:
0xcc: {  	v3 =	vld [tilespmem:s23+$0xFFFFFFE0];
	s0 =	sadd.s32 $0x4, s0;
	s2 =	sadd.s32 $0x40, s2  }
0xcd: {  	v4 =	vld [tilespmem:s2+$0xFFFFFFE0];
	p2 =	slt.u32 s0, $0x4C;
	_ =	sdelay $0x3  }
0xce: {  	v3 =	vperm.xlane v3, v2;
	_ =	sdelay $0x1  }
0xcf: {  	v3 =	vadd.f32 v3, v4;
	_ =	sdelay $0x1  }
0xd0: {  	v4 =	vmul.f32 $2.000000030e-01, v3;
	_ =	sdelay $0x1  }
0xd1: {  	v3 =	vmax.f32 v3, v4  }
0xd2: {  	v3 =	vmul.f32 $1.442695020e+00, v3;
	_ =	sdelay $0x1  }
0xd3: {  	(erf) = vpow2.f32 v3;
	_ =	sdelay $0x8  }
0xd4: {  	s4 =	sadd.s32 $0x40, s4;
	v3 =	vpop (erf)  }
0xd5: {  	[tilespmem:s4+$0xFFFFFFE0] =	vst v3  }
0xd6: {  	v3 =	vld [tilespmem:s23+$0xFFFFFFF0];
	_ =	sdelay $0x1  }
0xd7: {  	v4 =	vld [tilespmem:s2+$0xFFFFFFF0];
	_ =	sdelay $0x2  }
0xd8: {  	v3 =	vperm.xlane v3, v2;
	_ =	sdelay $0x1  }
0xd9: {  	v3 =	vadd.f32 v3, v4;
	_ =	sdelay $0x1  }
0xda: {  	v4 =	vmul.f32 $2.000000030e-01, v3;
	_ =	sdelay $0x1  }
0xdb: {  	v3 =	vmax.f32 v3, v4  }
0xdc: {  	v3 =	vmul.f32 $1.442695020e+00, v3;
	_ =	sdelay $0x1  }
0xdd: {  	(erf) = vpow2.f32 v3;
	_ =	sdelay $0x8  }
0xde: {  	v3 =	vpop (erf)  }
0xdf: {  	[tilespmem:s4+$0xFFFFFFF0] =	vst v3  }
0xe0: {  	v3 =	vld [tilespmem:s23+$0x0];
	_ =	sdelay $0x1  }
0xe1: {  	v4 =	vld [tilespmem:s2+$0x0];
	_ =	sdelay $0x2  }
0xe2: {  	v3 =	vperm.xlane v3, v2;
	_ =	sdelay $0x1  }
0xe3: {  	v3 =	vadd.f32 v3, v4;
	_ =	sdelay $0x1  }
0xe4: {  	v4 =	vmul.f32 $2.000000030e-01, v3;
	_ =	sdelay $0x1  }
0xe5: {  	v3 =	vmax.f32 v3, v4  }
0xe6: {  	v3 =	vmul.f32 $1.442695020e+00, v3;
	_ =	sdelay $0x1  }
0xe7: {  	(erf) = vpow2.f32 v3;
	_ =	sdelay $0x8  }
0xe8: {  	v3 =	vpop (erf)  }
0xe9: {  	[tilespmem:s4+$0x0] =	vst v3  }
0xea: {  	v3 =	vld [tilespmem:s23+$0x10]  }
0xeb: {  	v4 =	vld [tilespmem:s2+$0x10];
	_ =	sdelay $0x3  }
0xec: {  	v3 =	vperm.xlane v3, v2;
	_ =	sdelay $0x1  }
0xed: {  	v3 =	vadd.f32 v3, v4;
	_ =	sdelay $0x1  }
0xee: {  	v4 =	vmul.f32 $2.000000030e-01, v3;
	_ =	sdelay $0x1  }
0xef: {  	v3 =	vmax.f32 v3, v4  }
0xf0: {  	v3 =	vmul.f32 $1.442695020e+00, v3;
	_ =	sdelay $0x1  }
0xf1: {  	(erf) = vpow2.f32 v3;
	_ =	sdelay $0x5  }
.Ltmp2:
0xf2: {  	(pc) =	sbr.rel @p2 .LBB2_7-.Ltmp2, $3  }
0xf3: {  	_ =	sdelay $0x1  }
0xf4: {  	v3 =	vpop (erf)  }
0xf5: {  	s23 =	sadd.s32 $0x40, s23;
	[tilespmem:s4+$0x10] =	vst v3  }
0xf6: {  	s0 =	rddreg [dreg:$0x4]  }
0xf7: {  	[spmem:s0] =	stream.indirect.scatter.add.f32 [tilespmem:s30], [sflag:$0xB], $0x10, s29, s11, $0xb8;
	[tilespmem:$0x14200] =	vst v63  }
0xf8: {  	s0 =	simm.s32 $0x65F0  }
0xf9: {  	v4 =	vld [tilespmem:s0+$0xFFFFFFF0]  }
0xfa: {  	s2 =	simm.s32 $0x260  }
0xfb: {  	v6 =	vld [tilespmem:s2+$0xFFFFFFC0]  }
0xfc: {  	v7 =	vld [tilespmem:s2+$0xFFFFFF90]  }
0xfd: {  	v10 =	vld [tilespmem:s2+$0xFFFFFFB0]  }
0xfe: {  	v3 =	vld [tilespmem:s2+$0xFFFFFFE0];
	v8 =	vbroadcast v4, $0x4  }
0xff: {  	v9 =	vld [tilespmem:s2+$0xFFFFFFA0];
	v5 =	vbroadcast v4, $0x0  }
0x100: {  	v12 =	vbroadcast v4, $0x1;
	v13 =	vmul.f32 v6, v8;
	v6 =	vld [tilespmem:s2+$0xFFFFFF80]  }
0x101: {  	v11 =	vbroadcast v4, $0x2;
	v15 =	vbroadcast v4, $0x3;
	v8 =	vld [tilespmem:s2+$0xFFFFFFF0]  }
0x102: {  	v14 =	vmul.f32 v7, v12;
	v7 =	vbroadcast v4, $0x5  }
0x103: {  	s23 =	simm.s32 $0x0;
	s24 =	simm.s32 $0x260;
	s4 =	simm.s32 $0x65F0;
	v12 =	vmul.f32 v10, v15;
	v10 =	vld [tilespmem:s2+$0xFFFFFFD0];
	[tilespmem:s2+$0xFFFFFFC0] =	vst v13;
	v13 =	vbroadcast v4, $0x6  }
.LBB2_9:
0x104: {  	s23 =	sadd.s32 $0x2, s23;
	[tilespmem:s2+$0xFFFFFF90] =	vst v14;
	v9 =	vmul.f32 v9, v11;
	v4 =	vbroadcast v4, $0x7;
	s0 =	sadd.s32 $0x20, s0;
	s24 =	sadd.s32 $0x100, s24  }
0x105: {  	p2 =	slt.u32 s23, $0x4E;
	v5 =	vmul.f32 v5, v6;
	[tilespmem:s2+$0xFFFFFFB0] =	vst v12;
	v3 =	vmul.f32 v3, v13  }
0x106: {  	[tilespmem:s2+$0xFFFFFFA0] =	vst v9;
	v4 =	vmul.f32 v8, v4  }
0x107: {  	[tilespmem:s2+$0xFFFFFFE0] =	vst v3  }
0x108: {  	v3 =	vmul.f32 v10, v7;
	[tilespmem:s2+$0xFFFFFFF0] =	vst v4  }
0x109: {  	[tilespmem:s2+$0xFFFFFF80] =	vst v5  }
0x10a: {  	[tilespmem:s2+$0xFFFFFFD0] =	vst v3;
	v3 =	vld [tilespmem:s2+$0x10]  }
0x10b: {  	v4 =	vld [tilespmem:s4+$0x0];
	s4 =	smov.u32 s0  }
0x10c: {  	v5 =	vld [tilespmem:s2+$0x70]  }
0x10d: {  	v6 =	vld [tilespmem:s2+$0x0]  }
0x10e: {  	v7 =	vld [tilespmem:s2+$0x20]  }
0x10f: {  	v8 =	vld [tilespmem:s2+$0x40]  }
0x110: {  	v9 =	vbroadcast v4, $0x0;
	v10 =	vld [tilespmem:s2+$0x30];
	v11 =	vbroadcast v4, $0x7  }
0x111: {  	v12 =	vbroadcast v4, $0x2;
	v14 =	vbroadcast v4, $0x6;
	v13 =	vld [tilespmem:s2+$0x60]  }
0x112: {  	v6 =	vmul.f32 v9, v6;
	v9 =	vbroadcast v4, $0x4;
	v15 =	vld [tilespmem:s2+$0x50]  }
0x113: {  	v7 =	vmul.f32 v7, v12;
	v12 =	vbroadcast v4, $0x3  }
0x114: {  	[tilespmem:s2+$0x0] =	vst v6;
	v6 =	vbroadcast v4, $0x1;
	v8 =	vmul.f32 v8, v9  }
0x115: {  	v4 =	vbroadcast v4, $0x5;
	[tilespmem:s2+$0x20] =	vst v7;
	v7 =	vmul.f32 v10, v12  }
0x116: {  	v5 =	vmul.f32 v5, v11;
	[tilespmem:s2+$0x40] =	vst v8;
	v8 =	vmul.f32 v13, v14  }
0x117: {  	v3 =	vmul.f32 v3, v6;
	[tilespmem:s2+$0x30] =	vst v7;
	v4 =	vmul.f32 v15, v4  }
0x118: {  	[tilespmem:s2+$0x70] =	vst v5  }
0x119: {  	[tilespmem:s2+$0x10] =	vst v3  }
0x11a: {  	[tilespmem:s2+$0x60] =	vst v8  }
0x11b: {  	[tilespmem:s2+$0x50] =	vst v4;
	s2 =	smov.u32 s24  }
0x11c: {  	v4 =	vld [tilespmem:s0+$0xFFFFFFF0]  }
0x11d: {  	v3 =	vld [tilespmem:s24+$0xFFFFFFE0]  }
0x11e: {  	v7 =	vld [tilespmem:s24+$0xFFFFFFC0]  }
0x11f: {  	v10 =	vld [tilespmem:s24+$0xFFFFFF90]  }
0x120: {  	v12 =	vld [tilespmem:s24+$0xFFFFFFB0]  }
.Ltmp3:
0x121: {  	v5 =	vbroadcast v4, $0x0;
	v9 =	vld [tilespmem:s24+$0xFFFFFFA0];
	v8 =	vbroadcast v4, $0x4;
	(pc) =	sbr.rel @p2 .LBB2_9-.Ltmp3, $4  }
0x122: {  	v13 =	vbroadcast v4, $0x1;
	v11 =	vbroadcast v4, $0x2;
	v6 =	vld [tilespmem:s24+$0xFFFFFF80]  }
0x123: {  	v15 =	vbroadcast v4, $0x3;
	v16 =	vmul.f32 v7, v8;
	v8 =	vld [tilespmem:s24+$0xFFFFFFF0]  }
0x124: {  	v7 =	vbroadcast v4, $0x5;
	v14 =	vmul.f32 v10, v13  }
0x125: {  	v13 =	vbroadcast v4, $0x6;
	v12 =	vmul.f32 v12, v15;
	[tilespmem:s24+$0xFFFFFFC0] =	vst v16;
	v10 =	vld [tilespmem:s24+$0xFFFFFFD0]  }
0x126: {  	[tilespmem:s2+$0xFFFFFF90] =	vst v14;
	v9 =	vmul.f32 v9, v11  }
0x127: {  	v4 =	vbroadcast v4, $0x7;
	[tilespmem:s2+$0xFFFFFFB0] =	vst v12;
	v3 =	vmul.f32 v3, v13  }
0x128: {  	v5 =	vmul.f32 v5, v6;
	[tilespmem:s2+$0xFFFFFFA0] =	vst v9  }
0x129: {  	v4 =	vmul.f32 v8, v4;
	[tilespmem:s2+$0xFFFFFFE0] =	vst v3  }
0x12a: {  	[tilespmem:s2+$0xFFFFFF80] =	vst v5;
	v3 =	vmul.f32 v10, v7  }
0x12b: {  	[tilespmem:s2+$0xFFFFFFF0] =	vst v4  }
0x12c: {  	[tilespmem:s2+$0xFFFFFFD0] =	vst v3  }
0x12d: {  	v3 =	vld [tilespmem:s4+$0x0];
	_ =	sdelay $0x1  }
0x12e: {  	v25 =	vld [tilespmem:s2+$0x0]  }
0x12f: {  	v26 =	vld [tilespmem:s2+$0x20]  }
0x130: {  	v27 =	vld [tilespmem:s2+$0x40]  }
0x131: {  	v29 =	vld [tilespmem:s2+$0x30];
	v28 =	vbroadcast v3, $0x0  }
0x132: {  	v30 =	vld [tilespmem:s2+$0x70];
	v31 =	vbroadcast v3, $0x2  }
0x133: {  	v32 =	vld [tilespmem:s2+$0x10];
	v33 =	vbroadcast v3, $0x4;
	v4 =	vmul.f32 v28, v25  }
0x134: {  	v34 =	vld [tilespmem:s2+$0x60];
	v35 =	vbroadcast v3, $0x3;
	v5 =	vmul.f32 v26, v31  }
0x135: {  	v37 =	vld [tilespmem:s2+$0x50];
	v36 =	vbroadcast v3, $0x7;
	v38 =	vmul.f32 v27, v33;
	[tilespmem:s2+$0x0] =	vst v4  }
0x136: {  	v39 =	vbroadcast v3, $0x1;
	v40 =	vmul.f32 v29, v35;
	[tilespmem:s2+$0x20] =	vst v5  }
0x137: {  	v41 =	vbroadcast v3, $0x6;
	v42 =	vmul.f32 v30, v36;
	[tilespmem:s2+$0x40] =	vst v38  }
0x138: {  	v3 =	vbroadcast v3, $0x5;
	v6 =	vmul.f32 v32, v39;
	[tilespmem:s2+$0x30] =	vst v40  }
0x139: {  	v43 =	vmul.f32 v34, v41;
	[tilespmem:s2+$0x70] =	vst v42  }
0x13a: {  	v3 =	vmul.f32 v37, v3;
	[tilespmem:s2+$0x10] =	vst v6  }
0x13b: {  	[tilespmem:s2+$0x60] =	vst v43  }
0x13c: {  	[tilespmem:s2+$0x50] =	vst v3  }
0x13d: {  	_ =	swait.ge [sflag:s31], $0x500  }
0x13e: {  	[sflag:s31] =	ssyncset.done $0x0  }
0x13f: {  	[sflag:s31] =	ssyncadd.s32 $0xFFFFFB00  }
0x140: {  	s0 =	rddreg [dreg:$0x2]  }
0x141: {  	[spmem:s0] =	stream.indirect.scatter.add.f32 [tilespmem:s12], [sflag:$0xC], $0x80, s29, s11, $0xb8;
	[tilespmem:$0x14200] =	vst v63  }
0x142: {  	_ =	swait.ge [sflag:s17], $0x2800  }
0x143: {  	[sflag:s17] =	ssyncset.done $0x0  }
0x144: {  	[sflag:s17] =	ssyncadd.s32 $0xFFFFD800  }
0x145: {  	_ =	swait.ge [sflag:s8], $0x50  }
0x146: {  	[sflag:s8] =	ssyncset.done $0x0  }
0x147: {  	[sflag:s8] =	ssyncadd.s32 $0xFFFFFFB0  }
0x148: {  	_ =	swait.ge [sflag:s9], $0x50  }
0x149: {  	[sflag:s9] =	ssyncset.done $0x0  }
0x14a: {  	[sflag:s9] =	ssyncadd.s32 $0xFFFFFFB0  }
0x14b: {  	v3 =	vld [tilespmem:$0x140]  }
0x14c: {  	v44 =	vld [tilespmem:$0x150]  }
0x14d: {  	v46 =	vld [tilespmem:$0x160]  }
0x14e: {  	v48 =	vld [tilespmem:$0x170]  }
0x14f: {  	v49 =	vld [tilespmem:$0x180];
	_ =	sdelay $0x2  }
0x150: {  	v3 =	vsub.s32 v3, v0  }
0x151: {  	v4 =	vsub.s32 v44, v0;
	v6 =	vsub.s32 v46, v0;
	v52 =	vsub.s32 v48, v0  }
0x152: {  	v9 =	vsub.s32 v49, v0;
	v45 =	vadd.s32 $0xFFFFEC78, v3;
	vm0 =	vlt.s32 v3, $0x0  }
0x153: {  	v47 =	vadd.s32 $0xFFFFEC78, v4;
	vm12 =	vlt.s32 v4, $0x0;
	v50 =	vadd.s32 $0xFFFFEC78, v6  }
0x154: {  	vm13 =	vlt.s32 v6, $0x0;
	v8 =	vadd.s32 $0xFFFFEC78, v52;
	vm14 =	vlt.s32 v52, $0x0  }
0x155: {  	v53 =	vadd.s32 $0xFFFFEC78, v9;
	vm15 =	vlt.s32 v9, $0x0;
	v5 =	vshrl.u32 v45, $0x1F  }
0x156: {  	v7 =	vshrl.u32 v47, $0x1F;
	v10 =	vshrl.u32 v50, $0x1F;
	v8 =	vshrl.u32 v8, $0x1F  }
0x157: {  	v5 =	vsel vm0, $0x0, v5;
	v7 =	vsel vm12, $0x0, v7;
	v51 =	vsel vm13, $0x0, v10  }
0x158: {  	v8 =	vsel vm14, $0x0, v8;
	v3 =	vmul.u32 v3, v5;
	v5 =	vxor.u32 $0x1, v5  }
0x159: {  	v10 =	vshrl.u32 v53, $0x1F;
	v4 =	vmul.u32 v4, v7;
	v5 =	vmul.u32 v1, v5  }
0x15a: {  	v7 =	vxor.u32 $0x1, v7;
	v6 =	vmul.u32 v6, v51;
	v54 =	vxor.u32 $0x1, v8  }
0x15b: {  	v7 =	vmul.u32 v1, v7;
	v3 =	vadd.s32 v3, v5;
	v5 =	vxor.u32 $0x1, v51  }
0x15c: {  	v10 =	vsel vm15, $0x0, v10;
	v55 =	vmul.u32 v1, v54;
	v5 =	vmul.u32 v1, v5  }
0x15d: {  	v56 =	vxor.u32 $0x1, v10;
	v4 =	vadd.s32 v4, v7;
	[tilespmem:$0xA0] =	vst v3;
	v3 =	vmul.u32 v52, v8  }
0x15e: {  	v58 =	vmul.u32 v9, v10;
	v59 =	vmul.u32 v1, v56;
	[tilespmem:$0xB0] =	vst v4;
	v57 =	vadd.s32 v6, v5  }
0x15f: {  	v3 =	vadd.s32 v3, v55;
	[tilespmem:$0xC0] =	vst v57  }
0x160: {  	[tilespmem:$0xD0] =	vst v3;
	v3 =	vadd.s32 v58, v59  }
0x161: {  	[tilespmem:$0xE0] =	vst v3  }
0x162: {  	[tilespmem:s12], [sflag:$0x3] =	stream.indirect.gather [hbm4b:s20+s11], $0x80, s5, s11, $0xb8;
	[tilespmem:$0x14200] =	vst v63  }
0x163: {  	s23 =	simm.s32 $0x51E0  }
0x164: {  	[tilespmem:s23], [sflag:$0x4] =	stream.indirect.gather [spmem:s3], $0x10, s5, s11, $0xb8;
	[tilespmem:$0x14200] =	vst v63  }
0x165: {  	s2 =	simm.s32 $0x5BE0  }
0x166: {  	[tilespmem:s2], [sflag:$0x5] =	stream.indirect.gather [spmem:s3], $0x10, s18, s11, $0xb8;
	[tilespmem:$0x14200] =	vst v63  }
0x167: {  	_ =	swait.ge [sflag:s1], $0x2800  }
0x168: {  	[sflag:s1] =	ssyncset.done $0x0  }
0x169: {  	[sflag:s1] =	ssyncadd.s32 $0xFFFFD800  }
0x16a: {  	_ =	swait.ge [sflag:s10], $0x500  }
0x16b: {  	[sflag:s10] =	ssyncset.done $0x0  }
0x16c: {  	s4 =	smin.u32 s15, $0xF6;
	[sflag:s10] =	ssyncadd.s32 $0xFFFFFB00  }
0x16d: {  	s0 =	smul.u32 $0x50, s4;
	_ =	swait.ge [sflag:s21], $0x500  }
0x16e: {  	s15 =	rddreg [dreg:$0x16]  }
0x16f: {  	s0 =	sadd.s32 s0, s15  }
0x170: {  	[sflag:s21] =	ssyncset.done $0x0;
	s0 =	sshrl.u32 s0, $0x3  }
0x171: {  	s24 =	smov.u32 s20;
	[sflag:s21] =	ssyncadd.s32 $0xFFFFFB00;
	s20 =	sadd.s32 s6, s0  }
0x172: {  	[tilespmem:s11], [sflag:$0x6] =	stream.linear.gather [hbm4b:s20+s5], $0x50, $0x38;
	[tilespmem:$0x14200] =	vst v63  }
0x173: {  	s23 =	simm.s32 $0x6100;
	s0 =	sadd.s32 s7, s0  }
0x174: {  	[tilespmem:s16], [sflag:$0x7] =	stream.linear.gather [hbm4b:s0+s5], $0x50, $0x38;
	[tilespmem:$0x14200] =	vst v63  }
0x175: {  	v3 =	vld [tilespmem:s23+$0xFFFFFFE0]  }
0x176: {  	s2 =	simm.s32 $0x5700  }
0x177: {  	v60 =	vld [tilespmem:s2+$0xFFFFFFE0];
	_ =	sdelay $0x2  }
0x178: {  	v3 =	vperm.xlane v3, v2;
	_ =	sdelay $0x1  }
0x179: {  	v3 =	vadd.f32 v3, v60;
	_ =	sdelay $0x1  }
0x17a: {  	v4 =	vmul.f32 $2.000000030e-01, v3;
	_ =	sdelay $0x1  }
0x17b: {  	v3 =	vmax.f32 v3, v4  }
0x17c: {  	v3 =	vmul.f32 $1.442695020e+00, v3;
	_ =	sdelay $0x1  }
0x17d: {  	(erf) = vpow2.f32 v3;
	_ =	sdelay $0x8  }
0x17e: {  	s4 =	simm.s32 $0x6600;
	v3 =	vpop (erf)  }
0x17f: {  	[tilespmem:s4+$0xFFFFFFE0] =	vst v3  }
0x180: {  	v3 =	vld [tilespmem:s23+$0xFFFFFFF0];
	_ =	sdelay $0x1  }
0x181: {  	v61 =	vld [tilespmem:s2+$0xFFFFFFF0];
	_ =	sdelay $0x2  }
0x182: {  	v3 =	vperm.xlane v3, v2;
	_ =	sdelay $0x1  }
0x183: {  	v3 =	vadd.f32 v3, v61;
	_ =	sdelay $0x1  }
0x184: {  	v4 =	vmul.f32 $2.000000030e-01, v3;
	_ =	sdelay $0x1  }
0x185: {  	v3 =	vmax.f32 v3, v4  }
0x186: {  	v3 =	vmul.f32 $1.442695020e+00, v3;
	_ =	sdelay $0x1  }
0x187: {  	(erf) = vpow2.f32 v3;
	_ =	sdelay $0x8  }
0x188: {  	v3 =	vpop (erf)  }
0x189: {  	[tilespmem:s4+$0xFFFFFFF0] =	vst v3  }
0x18a: {  	v3 =	vld [tilespmem:s23+$0x0];
	_ =	sdelay $0x1  }
0x18b: {  	v62 =	vld [tilespmem:s2+$0x0];
	_ =	sdelay $0x2  }
0x18c: {  	v3 =	vperm.xlane v3, v2;
	_ =	sdelay $0x1  }
0x18d: {  	v3 =	vadd.f32 v3, v62;
	_ =	sdelay $0x1  }
0x18e: {  	v4 =	vmul.f32 $2.000000030e-01, v3;
	_ =	sdelay $0x1  }
0x18f: {  	v3 =	vmax.f32 v3, v4  }
0x190: {  	v3 =	vmul.f32 $1.442695020e+00, v3;
	_ =	sdelay $0x1  }
0x191: {  	(erf) = vpow2.f32 v3;
	_ =	sdelay $0x8  }
0x192: {  	v3 =	vpop (erf)  }
0x193: {  	[tilespmem:s4+$0x0] =	vst v3  }
0x194: {  	v3 =	vld [tilespmem:s23+$0x10];
	_ =	sdelay $0x1  }
0x195: {  	v63 =	vld [tilespmem:s2+$0x10];
	_ =	sdelay $0x2  }
0x196: {  	v3 =	vperm.xlane v3, v2;
	_ =	sdelay $0x1  }
0x197: {  	v3 =	vadd.f32 v3, v63;
	_ =	sdelay $0x1  }
0x198: {  	v4 =	vmul.f32 $2.000000030e-01, v3;
	_ =	sdelay $0x1  }
0x199: {  	v3 =	vmax.f32 v3, v4  }
0x19a: {  	v3 =	vmul.f32 $1.442695020e+00, v3;
	_ =	sdelay $0x1  }
0x19b: {  	(erf) = vpow2.f32 v3;
	_ =	sdelay $0x8  }
0x19c: {  	v3 =	vpop (erf)  }
0x19d: {  	s15 =	simm.s32 $0x6140;
	s0 =	simm.s32 $0x0;
	[tilespmem:s4+$0x10] =	vst v3  }
.LBB2_11:
0x19e: {  	v3 =	vld [tilespmem:s15+$0xFFFFFFE0];
	s0 =	sadd.s32 $0x4, s0;
	s2 =	sadd.s32 $0x40, s2  }
0x19f: {  	v4 =	vld [tilespmem:s2+$0xFFFFFFE0];
	p2 =	slt.u32 s0, $0x4C;
	_ =	sdelay $0x3  }
0x1a0: {  	v3 =	vperm.xlane v3, v2;
	_ =	sdelay $0x1  }
0x1a1: {  	v3 =	vadd.f32 v3, v4;
	_ =	sdelay $0x1  }
0x1a2: {  	v4 =	vmul.f32 $2.000000030e-01, v3;
	_ =	sdelay $0x1  }
0x1a3: {  	v3 =	vmax.f32 v3, v4  }
0x1a4: {  	v3 =	vmul.f32 $1.442695020e+00, v3;
	_ =	sdelay $0x1  }
0x1a5: {  	(erf) = vpow2.f32 v3;
	_ =	sdelay $0x8  }
0x1a6: {  	s4 =	sadd.s32 $0x40, s4;
	v3 =	vpop (erf)  }
0x1a7: {  	[tilespmem:s4+$0xFFFFFFE0] =	vst v3  }
0x1a8: {  	v3 =	vld [tilespmem:s15+$0xFFFFFFF0];
	_ =	sdelay $0x1  }
0x1a9: {  	v4 =	vld [tilespmem:s2+$0xFFFFFFF0];
	_ =	sdelay $0x2  }
0x1aa: {  	v3 =	vperm.xlane v3, v2;
	_ =	sdelay $0x1  }
0x1ab: {  	v3 =	vadd.f32 v3, v4;
	_ =	sdelay $0x1  }
0x1ac: {  	v4 =	vmul.f32 $2.000000030e-01, v3;
	_ =	sdelay $0x1  }
0x1ad: {  	v3 =	vmax.f32 v3, v4  }
0x1ae: {  	v3 =	vmul.f32 $1.442695020e+00, v3;
	_ =	sdelay $0x1  }
0x1af: {  	(erf) = vpow2.f32 v3;
	_ =	sdelay $0x8  }
0x1b0: {  	v3 =	vpop (erf)  }
0x1b1: {  	[tilespmem:s4+$0xFFFFFFF0] =	vst v3  }
0x1b2: {  	v3 =	vld [tilespmem:s15+$0x0];
	_ =	sdelay $0x1  }
0x1b3: {  	v4 =	vld [tilespmem:s2+$0x0];
	_ =	sdelay $0x2  }
0x1b4: {  	v3 =	vperm.xlane v3, v2;
	_ =	sdelay $0x1  }
0x1b5: {  	v3 =	vadd.f32 v3, v4;
	_ =	sdelay $0x1  }
0x1b6: {  	v4 =	vmul.f32 $2.000000030e-01, v3;
	_ =	sdelay $0x1  }
0x1b7: {  	v3 =	vmax.f32 v3, v4  }
0x1b8: {  	v3 =	vmul.f32 $1.442695020e+00, v3;
	_ =	sdelay $0x1  }
0x1b9: {  	(erf) = vpow2.f32 v3;
	_ =	sdelay $0x8  }
0x1ba: {  	v3 =	vpop (erf)  }
0x1bb: {  	[tilespmem:s4+$0x0] =	vst v3  }
0x1bc: {  	v3 =	vld [tilespmem:s15+$0x10]  }
0x1bd: {  	v4 =	vld [tilespmem:s2+$0x10];
	_ =	sdelay $0x3  }
0x1be: {  	v3 =	vperm.xlane v3, v2;
	_ =	sdelay $0x1  }
0x1bf: {  	v3 =	vadd.f32 v3, v4;
	_ =	sdelay $0x1  }
0x1c0: {  	v4 =	vmul.f32 $2.000000030e-01, v3;
	_ =	sdelay $0x1  }
0x1c1: {  	v3 =	vmax.f32 v3, v4  }
0x1c2: {  	v3 =	vmul.f32 $1.442695020e+00, v3;
	_ =	sdelay $0x1  }
0x1c3: {  	(erf) = vpow2.f32 v3;
	_ =	sdelay $0x5  }
.Ltmp4:
0x1c4: {  	(pc) =	sbr.rel @p2 .LBB2_11-.Ltmp4, $3  }
0x1c5: {  	_ =	sdelay $0x1  }
0x1c6: {  	v3 =	vpop (erf)  }
0x1c7: {  	s15 =	sadd.s32 $0x40, s15;
	[tilespmem:s4+$0x10] =	vst v3  }
0x1c8: {  	s0 =	rddreg [dreg:$0x4]  }
0x1c9: {  	[spmem:s0] =	stream.indirect.scatter.add.f32 [tilespmem:s30], [sflag:$0xB], $0x10, s22, s11, $0xb8;
	[tilespmem:$0x14200] =	vst v63  }
0x1ca: {  	s0 =	simm.s32 $0x65F0  }
0x1cb: {  	v4 =	vld [tilespmem:s0+$0xFFFFFFF0]  }
0x1cc: {  	s2 =	simm.s32 $0x2A60  }
0x1cd: {  	v6 =	vld [tilespmem:s2+$0xFFFFFFC0]  }
0x1ce: {  	v7 =	vld [tilespmem:s2+$0xFFFFFF90]  }
0x1cf: {  	v10 =	vld [tilespmem:s2+$0xFFFFFFB0]  }
0x1d0: {  	v3 =	vld [tilespmem:s2+$0xFFFFFFE0];
	v8 =	vbroadcast v4, $0x4  }
0x1d1: {  	v9 =	vld [tilespmem:s2+$0xFFFFFFA0];
	v5 =	vbroadcast v4, $0x0  }
0x1d2: {  	v12 =	vbroadcast v4, $0x1;
	v13 =	vmul.f32 v6, v8;
	v6 =	vld [tilespmem:s2+$0xFFFFFF80]  }
0x1d3: {  	v11 =	vbroadcast v4, $0x2;
	v15 =	vbroadcast v4, $0x3;
	v8 =	vld [tilespmem:s2+$0xFFFFFFF0]  }
0x1d4: {  	v14 =	vmul.f32 v7, v12;
	v7 =	vbroadcast v4, $0x5  }
0x1d5: {  	s15 =	simm.s32 $0x0;
	s23 =	simm.s32 $0x2A60;
	s4 =	simm.s32 $0x65F0;
	v12 =	vmul.f32 v10, v15;
	v10 =	vld [tilespmem:s2+$0xFFFFFFD0];
	[tilespmem:s2+$0xFFFFFFC0] =	vst v13;
	v13 =	vbroadcast v4, $0x6  }
.LBB2_13:
0x1d6: {  	s15 =	sadd.s32 $0x2, s15;
	[tilespmem:s2+$0xFFFFFF90] =	vst v14;
	v9 =	vmul.f32 v9, v11;
	v4 =	vbroadcast v4, $0x7;
	s0 =	sadd.s32 $0x20, s0;
	s23 =	sadd.s32 $0x100, s23  }
0x1d7: {  	p2 =	slt.u32 s15, $0x4E;
	v5 =	vmul.f32 v5, v6;
	[tilespmem:s2+$0xFFFFFFB0] =	vst v12;
	v3 =	vmul.f32 v3, v13  }
0x1d8: {  	[tilespmem:s2+$0xFFFFFFA0] =	vst v9;
	v4 =	vmul.f32 v8, v4  }
0x1d9: {  	[tilespmem:s2+$0xFFFFFFE0] =	vst v3  }
0x1da: {  	v3 =	vmul.f32 v10, v7;
	[tilespmem:s2+$0xFFFFFFF0] =	vst v4  }
0x1db: {  	[tilespmem:s2+$0xFFFFFF80] =	vst v5  }
0x1dc: {  	[tilespmem:s2+$0xFFFFFFD0] =	vst v3;
	v3 =	vld [tilespmem:s2+$0x10]  }
0x1dd: {  	v4 =	vld [tilespmem:s4+$0x0];
	s4 =	smov.u32 s0  }
0x1de: {  	v5 =	vld [tilespmem:s2+$0x70]  }
0x1df: {  	v6 =	vld [tilespmem:s2+$0x0]  }
0x1e0: {  	v7 =	vld [tilespmem:s2+$0x20]  }
0x1e1: {  	v8 =	vld [tilespmem:s2+$0x40]  }
0x1e2: {  	v9 =	vbroadcast v4, $0x0;
	v10 =	vld [tilespmem:s2+$0x30];
	v11 =	vbroadcast v4, $0x7  }
0x1e3: {  	v12 =	vbroadcast v4, $0x2;
	v14 =	vbroadcast v4, $0x6;
	v13 =	vld [tilespmem:s2+$0x60]  }
0x1e4: {  	v6 =	vmul.f32 v9, v6;
	v9 =	vbroadcast v4, $0x4;
	v15 =	vld [tilespmem:s2+$0x50]  }
0x1e5: {  	v7 =	vmul.f32 v7, v12;
	v12 =	vbroadcast v4, $0x3  }
0x1e6: {  	[tilespmem:s2+$0x0] =	vst v6;
	v6 =	vbroadcast v4, $0x1;
	v8 =	vmul.f32 v8, v9  }
0x1e7: {  	v4 =	vbroadcast v4, $0x5;
	[tilespmem:s2+$0x20] =	vst v7;
	v7 =	vmul.f32 v10, v12  }
0x1e8: {  	v5 =	vmul.f32 v5, v11;
	[tilespmem:s2+$0x40] =	vst v8;
	v8 =	vmul.f32 v13, v14  }
0x1e9: {  	v3 =	vmul.f32 v3, v6;
	[tilespmem:s2+$0x30] =	vst v7;
	v4 =	vmul.f32 v15, v4  }
0x1ea: {  	[tilespmem:s2+$0x70] =	vst v5  }
0x1eb: {  	[tilespmem:s2+$0x10] =	vst v3  }
0x1ec: {  	[tilespmem:s2+$0x60] =	vst v8  }
0x1ed: {  	[tilespmem:s2+$0x50] =	vst v4;
	s2 =	smov.u32 s23  }
0x1ee: {  	v4 =	vld [tilespmem:s0+$0xFFFFFFF0]  }
0x1ef: {  	v3 =	vld [tilespmem:s23+$0xFFFFFFE0]  }
0x1f0: {  	v7 =	vld [tilespmem:s23+$0xFFFFFFC0]  }
0x1f1: {  	v10 =	vld [tilespmem:s23+$0xFFFFFF90]  }
0x1f2: {  	v12 =	vld [tilespmem:s23+$0xFFFFFFB0]  }
.Ltmp5:
0x1f3: {  	v5 =	vbroadcast v4, $0x0;
	v9 =	vld [tilespmem:s23+$0xFFFFFFA0];
	v8 =	vbroadcast v4, $0x4;
	(pc) =	sbr.rel @p2 .LBB2_13-.Ltmp5, $4  }
0x1f4: {  	v13 =	vbroadcast v4, $0x1;
	v11 =	vbroadcast v4, $0x2;
	v6 =	vld [tilespmem:s23+$0xFFFFFF80]  }
0x1f5: {  	v15 =	vbroadcast v4, $0x3;
	v16 =	vmul.f32 v7, v8;
	v8 =	vld [tilespmem:s23+$0xFFFFFFF0]  }
0x1f6: {  	v7 =	vbroadcast v4, $0x5;
	v14 =	vmul.f32 v10, v13  }
0x1f7: {  	v13 =	vbroadcast v4, $0x6;
	v12 =	vmul.f32 v12, v15;
	[tilespmem:s23+$0xFFFFFFC0] =	vst v16;
	v10 =	vld [tilespmem:s23+$0xFFFFFFD0]  }
0x1f8: {  	[tilespmem:s2+$0xFFFFFF90] =	vst v14;
	v9 =	vmul.f32 v9, v11  }
0x1f9: {  	v4 =	vbroadcast v4, $0x7;
	[tilespmem:s2+$0xFFFFFFB0] =	vst v12;
	v3 =	vmul.f32 v3, v13  }
0x1fa: {  	v5 =	vmul.f32 v5, v6;
	[tilespmem:s2+$0xFFFFFFA0] =	vst v9  }
0x1fb: {  	v4 =	vmul.f32 v8, v4;
	[tilespmem:s2+$0xFFFFFFE0] =	vst v3  }
0x1fc: {  	[tilespmem:s2+$0xFFFFFF80] =	vst v5;
	v3 =	vmul.f32 v10, v7  }
0x1fd: {  	[tilespmem:s2+$0xFFFFFFF0] =	vst v4  }
0x1fe: {  	[tilespmem:s2+$0xFFFFFFD0] =	vst v3  }
0x1ff: {  	v3 =	vld [tilespmem:s4+$0x0];
	_ =	sdelay $0x1  }
0x200: {  	v45 =	vld [tilespmem:s2+$0x0]  }
0x201: {  	v46 =	vld [tilespmem:s2+$0x20]  }
0x202: {  	v47 =	vld [tilespmem:s2+$0x40]  }
0x203: {  	v49 =	vld [tilespmem:s2+$0x30];
	v48 =	vbroadcast v3, $0x0  }
0x204: {  	v50 =	vld [tilespmem:s2+$0x70];
	v51 =	vbroadcast v3, $0x2  }
0x205: {  	v52 =	vld [tilespmem:s2+$0x10];
	v53 =	vbroadcast v3, $0x4;
	v4 =	vmul.f32 v48, v45  }
0x206: {  	v54 =	vld [tilespmem:s2+$0x60];
	v55 =	vbroadcast v3, $0x3;
	v5 =	vmul.f32 v46, v51  }
0x207: {  	v57 =	vld [tilespmem:s2+$0x50];
	v56 =	vbroadcast v3, $0x7;
	v58 =	vmul.f32 v47, v53;
	[tilespmem:s2+$0x0] =	vst v4  }
0x208: {  	v59 =	vbroadcast v3, $0x1;
	v60 =	vmul.f32 v49, v55;
	[tilespmem:s2+$0x20] =	vst v5  }
0x209: {  	v61 =	vbroadcast v3, $0x6;
	v62 =	vmul.f32 v50, v56;
	[tilespmem:s2+$0x40] =	vst v58  }
0x20a: {  	v3 =	vbroadcast v3, $0x5;
	v6 =	vmul.f32 v52, v59;
	[tilespmem:s2+$0x30] =	vst v60  }
0x20b: {  	v63 =	vmul.f32 v54, v61;
	[tilespmem:s2+$0x70] =	vst v62  }
0x20c: {  	v3 =	vmul.f32 v57, v3;
	[tilespmem:s2+$0x10] =	vst v6  }
0x20d: {  	[tilespmem:s2+$0x60] =	vst v63  }
0x20e: {  	[tilespmem:s2+$0x50] =	vst v3  }
0x20f: {  	_ =	swait.ge [sflag:s31], $0x500  }
0x210: {  	s13 =	sadd.s32 $0x1, s13;
	[sflag:s31] =	ssyncset.done $0x0  }
0x211: {  	p2 =	sne.s32 s13, $0x7D;
	[sflag:s31] =	ssyncadd.s32 $0xFFFFFB00  }
.Ltmp6:
0x212: {  	s15 =	simm.s32 $0x29E0;
	s0 =	rddreg [dreg:$0x2];
	(pc) =	sbr.rel @p2 .LBB2_6-.Ltmp6, $4  }
0x213: {  	[spmem:s0] =	stream.indirect.scatter.add.f32 [tilespmem:s15], [sflag:$0xC], $0x80, s22, s11, $0xb8;
	[tilespmem:$0x14200] =	vst v63  }
0x214: {  	_ =	swait.ge [sflag:s17], $0x2800  }
0x215: {  	[sflag:s17] =	ssyncset.done $0x0  }
0x216: {  	[sflag:s17] =	ssyncadd.s32 $0xFFFFD800  }
0x217: {  	_ =	swait.ge [sflag:s14], $0x50  }
0x218: {  	[sflag:s14] =	ssyncset.done $0x0  }
0x219: {  	[sflag:s14] =	ssyncadd.s32 $0xFFFFFFB0  }
0x21a: {  	_ =	swait.ge [sflag:s19], $0x50  }
0x21b: {  	[sflag:s19] =	ssyncset.done $0x0  }
0x21c: {  	[sflag:s19] =	ssyncadd.s32 $0xFFFFFFB0  }
0x21d: {  	_ =	swait.ge [sflag:s25], $0x2800  }
0x21e: {  	[sflag:s25] =	ssyncset.done $0x0  }
0x21f: {  	[sflag:s25] =	ssyncadd.s32 $0xFFFFD800  }
0x220: {  	_ =	swait.ge [sflag:s26], $0x500  }
0x221: {  	[sflag:s26] =	ssyncset.done $0x0  }
0x222: {  	[sflag:s26] =	ssyncadd.s32 $0xFFFFFB00  }
0x223: {  	_ =	swait.ge [sflag:s28], $0x500  }
0x224: {  	[sflag:s28] =	ssyncset.done $0x0  }
0x225: {  	[sflag:s28] =	ssyncadd.s32 $0xFFFFFB00  }
0x226: {  	[bflag:$0x0] =	sbarrier.arrive $0xFFFF  }
0x227: {  	s20 =	rddreg [dreg:$0x8]  }
0x228: {  	s0 =	rddreg [dreg:$0xd]  }
0x229: {  	s2 =	rddreg [dreg:$0x1f]  }
0x22a: {  	[hbm:s0], [sflag:s20] =	dma.local [spmem:s2], $0x1380  }
0x22b: {  	_ =	swait.ge [sflag:s17], $0x1380  }
0x22c: {  	s4 =	sld [smem:$0x7FD]  }
0x22d: {  	[sflag:s17] =	ssyncset.done $0x0  }
0x22e: {  	s2 =	rddreg [dreg:$0xe];
	[sflag:s17] =	ssyncadd.s32 $0xFFFFEC80  }
0x22f: {  	[hbm:s2], [sflag:s20] =	dma.local [spmem:s4], $0x270  }
0x230: {  	_ =	swait.ge [sflag:s17], $0x270  }
0x231: {  	[sflag:s17] =	ssyncset.done $0x0;
	s0 =	rddreg [dreg:$0x1c]  }
0x232: {  	s2 =	rddreg [dreg:$0x17];
	[sflag:s17] =	ssyncadd.s32 $0xFFFFFD90;
	s0 =	sshrl.u32 @!p0 s0, $0x3  }
0x233: {  	[hbm:s2], [sflag:s20] =	dma.local @!p0 [spmem:s0], $0x80  }
0x234: {  	s0 =	simm.s32 @!p0 $0xC  }
0x235: {  	_ =	swait.ge @!p0 [sflag:s0], $0x80  }
0x236: {  	[sflag:s0] =	ssyncset.done @!p0 $0x0;
	s2 =	rddreg [dreg:$0x1d]  }
0x237: {  	s4 =	rddreg [dreg:$0x18];
	[sflag:s0] =	ssyncadd.s32 @!p0 $0xFFFFFF80;
	s2 =	sshrl.u32 @!p0 s2, $0x3  }
0x238: {  	[hbm:s4], [sflag:s20] =	dma.local @!p0 [spmem:s2], $0x10  }
0x239: {  	_ =	swait.ge @!p0 [sflag:s0], $0x10  }
0x23a: {  	s13 =	rddreg [dreg:$0x1e]  }
0x23b: {  	s23 =	rddreg [dreg:$0x19];
	s4 =	sadd.s32 $0x1, s13  }
0x23c: {  	p2 =	sne.s32 s4, s23  }
.Ltmp7:
0x23d: {  	_ = 	snop;
	(pc) =	sbr.rel @p2 .LBB2_1-.Ltmp7, $3  }
0x23e: {  	_ =	sdelay $0x1  }
0x23f: {  	[sflag:s0] =	ssyncset.done @!p0 $0x0  }
0x240: {  	[sflag:s0] =	ssyncadd.s32 @!p0 $0xFFFFFFF0  }
0x241: {  	_ =	sfence.sel $0x180000  }
0x242: {  	[bflag:$0x0] =	sbarrier.arrive $0xFFFF  }
0x243: {  	_ =	strace $0x90000047  }
0x244: {  	[bflag:$0x2] =	sbarrier.arrive $0xFFFF  }
0x245: {  	s0 =	rddreg [dreg:$0x5]  }
0x246: {  	s0 =	sadd.s32 @!p0 $0x100000, s0  }
0x247: {  	[sflag:s0] =	ssyncadd.tile.s32 @!p0 $0x1;
	_ =	shalt  }
.Lfunc_end2:
_tile_overlayer_lowered:
.L_overlay_start_2:
0x248: {  	(tag) =	ssettag $0x2  }
0x249: {  	s0 =	rddreg [dreg:$0x0];
	s2 =	stileid.u32  }
0x24a: {  	s1 =	rddreg [dreg:$0x1];
	p0 =	sne.s32 s2, $0x0  }
0x24b: {  	s3 =	rddreg [dreg:$0x2];
	[bflag:$0x3] =	sbarrier.arrive $0xFFFF;
	s2 =	simm.s32 @!p0 $0x1C0C  }
0x24c: {  	[timem:s3], [sflag:s2] =	dma.local @!p0 [hbm:s0], s1  }
0x24d: {  	s0 =	simm.s32 @!p0 $0xC  }
0x24e: {  	_ =	swait.ge @!p0 [sflag:s0], s1  }
0x24f: {  	s1 =	ssub.s32 @!p0 $0x0, s1;
	[sflag:s0] =	ssyncset.done @!p0 $0x0  }
0x250: {  	[sflag:s0] =	ssyncadd.s32 @!p0 s1  }
0x251: {  	[bflag:$0x3] =	sbarrier.arrive $0xFFFF  }
0x252: {  	_ =	shalt  }

</sc_bundles>
